<compile_context>
chip_gen: v7x
topology: tpu7x:2x2x1
jax: 0.10.2.dev20260603
libtpu: 0.0.44.dev20260713+nightly
codegen_flags: <defaults>
</compile_context>

<pallas_src>
import functools

import jax
import jax.numpy as jnp
from jax import lax
from jax.experimental import pallas as pl
from jax.experimental.pallas import tpu as pltpu
from jax.experimental.pallas import tpu_sc as plsc

_B = 8
_N = 8192
_M = 4096
_L = 16
_CK = 8
_CB = _CK * _L

_NSC = 2560
_SH = 4
_RS = _NSC // _SH

_RB = 512
_NTC = _N - _NSC
_NRB = _NTC // _RB

_mesh = plsc.VectorSubcoreMesh(core_axis_name="c", subcore_axis_name="s")

_GDN = lax.GatherDimensionNumbers(
    offset_dims=(), collapsed_slice_dims=(0,), start_index_map=(0,))


def _lane_perm(x, idx):
    return lax.gather(x, idx[:, None], _GDN, (1,),
                      indices_are_sorted=False, unique_indices=False,
                      mode=lax.GatherScatterMode.PROMISE_IN_BOUNDS)


@functools.partial(
    pl.kernel,
    mesh=_mesh,
    out_type=[
        jax.ShapeDtypeStruct((_B, _NSC), jnp.float32),
        jax.ShapeDtypeStruct((_B, _SH, _M), jnp.float32),
    ],
    scratch_types=[
        pltpu.VMEM((1, _RS), jnp.float32),
        pltpu.VMEM((1, _RS), jnp.float32),
        pltpu.VMEM((1, _RS), jnp.float32),
        pltpu.VMEM((1, _M), jnp.float32),
        pltpu.VMEM((1, _M), jnp.float32),
        pltpu.VMEM((1, _M), jnp.float32),
        pltpu.VMEM((_RS,), jnp.float32),
        pltpu.VMEM((_M,), jnp.float32),
    ],
)
def _sc_min(at_h, bt_h, row_o, col_o,
            axv, ayv, azv, bxv, byv, bzv, rminv, cminv):
    wid = lax.axis_index("s") * 2 + lax.axis_index("c")
    box = wid // _SH
    sh = wid % _SH
    r0 = sh * _RS

    pltpu.sync_copy(at_h.at[box, pl.ds(0, 1), pl.ds(r0, _RS)], axv)
    pltpu.sync_copy(at_h.at[box, pl.ds(1, 1), pl.ds(r0, _RS)], ayv)
    pltpu.sync_copy(at_h.at[box, pl.ds(2, 1), pl.ds(r0, _RS)], azv)
    pltpu.sync_copy(bt_h.at[box, pl.ds(0, 1)], bxv)
    pltpu.sync_copy(bt_h.at[box, pl.ds(1, 1)], byv)
    pltpu.sync_copy(bt_h.at[box, pl.ds(2, 1)], bzv)

    inf16 = jnp.full((_L,), jnp.inf, jnp.float32)
    lanes = lax.iota(jnp.int32, _L)
    xors = [lanes ^ st for st in (1, 2, 4, 8)]

    def initg(g, c):
        rminv[pl.ds(g * _L, _L)] = inf16
        return c

    lax.fori_loop(0, _RS // _L, initg, 0)

    def cb_body(cb, c):
        c0 = cb * _CB
        bxs = [bxv[0, pl.ds(c0 + j * _L, _L)] for j in range(_CK)]
        bys = [byv[0, pl.ds(c0 + j * _L, _L)] for j in range(_CK)]
        bzs = [bzv[0, pl.ds(c0 + j * _L, _L)] for j in range(_CK)]

        def g_body(g, colaccs):
            ax16 = axv[0, pl.ds(g * _L, _L)]
            ay16 = ayv[0, pl.ds(g * _L, _L)]
            az16 = azv[0, pl.ds(g * _L, _L)]
            rvec = inf16
            accs = list(colaccs)
            for r in range(_L):
                axr = ax16[r]
                ayr = ay16[r]
                azr = az16[r]
                rr = None
                for j in range(_CK):
                    dx = bxs[j] - axr
                    dy = bys[j] - ayr
                    dz = bzs[j] - azr
                    d2 = dx * dx + dy * dy + dz * dz
                    accs[j] = jnp.minimum(accs[j], d2)
                    rr = d2 if rr is None else jnp.minimum(rr, d2)
                for idxv in xors:
                    rr = jnp.minimum(rr, _lane_perm(rr, idxv))
                rvec = jnp.where(lanes == r, rr, rvec)
            rminv[pl.ds(g * _L, _L)] = jnp.minimum(rminv[pl.ds(g * _L, _L)],
                                                   rvec)
            return tuple(accs)

        colaccs = lax.fori_loop(0, _RS // _L, g_body, (inf16,) * _CK)
        for j in range(_CK):
            cminv[pl.ds(c0 + j * _L, _L)] = colaccs[j]
        return c

    lax.fori_loop(0, _M // _CB, cb_body, 0)

    pltpu.sync_copy(rminv, row_o.at[box, pl.ds(r0, _RS)])
    pltpu.sync_copy(cminv, col_o.at[box, sh])


def _tp_body(a_ref, b_ref, at_ref, bt_ref):
    at_ref[0] = a_ref[0].T
    bt_ref[0] = b_ref[0].T


_tp = pl.pallas_call(
    _tp_body,
    grid=(_B,),
    in_specs=[
        pl.BlockSpec((1, _N, 3), lambda b: (b, 0, 0)),
        pl.BlockSpec((1, _M, 3), lambda b: (b, 0, 0)),
    ],
    out_specs=[
        pl.BlockSpec((1, 3, _N), lambda b: (b, 0, 0)),
        pl.BlockSpec((1, 3, _M), lambda b: (b, 0, 0)),
    ],
    out_shape=[
        jax.ShapeDtypeStruct((_B, 3, _N), jnp.float32),
        jax.ShapeDtypeStruct((_B, 3, _M), jnp.float32),
    ],
)


def _tc_min_body(a_ref, bt_ref, rowmin_ref, colminp_ref):
    axb = a_ref[0, :, 0:1]
    ayb = a_ref[0, :, 1:2]
    azb = a_ref[0, :, 2:3]
    bxb = bt_ref[0, 0:1, :]
    byb = bt_ref[0, 1:2, :]
    bzb = bt_ref[0, 2:3, :]
    d2 = (jnp.square(axb - bxb) + jnp.square(ayb - byb)
          + jnp.square(azb - bzb))
    rowmin_ref[0, 0, 0] = jnp.min(d2, axis=1)
    colminp_ref[0, 0, 0] = jnp.min(d2, axis=0)


_tc_min = pl.pallas_call(
    _tc_min_body,
    grid=(_B, _NRB),
    in_specs=[
        pl.BlockSpec((1, _RB, 3), lambda b, r: (b, (_NSC // _RB) + r, 0)),
        pl.BlockSpec((1, 3, _M), lambda b, r: (b, 0, 0)),
    ],
    out_specs=[
        pl.BlockSpec((1, 1, 1, _RB), lambda b, r: (b, r, 0, 0)),
        pl.BlockSpec((1, 1, 1, _M), lambda b, r: (b, r, 0, 0)),
    ],
    out_shape=[
        jax.ShapeDtypeStruct((_B, _NRB, 1, _RB), jnp.float32),
        jax.ShapeDtypeStruct((_B, _NRB, 1, _M), jnp.float32),
    ],
)


def _finish_body(rs_ref, rt_ref, cs_ref, ct_ref, out_ref):
    rt2 = rt_ref[...].reshape(_B, _NTC)
    rm2 = jnp.concatenate([rs_ref[...], rt2], axis=1)
    cm2 = jnp.minimum(jnp.min(cs_ref[...], axis=1),
                      jnp.min(ct_ref[...].reshape(_B, _NRB, _M), axis=1))
    rm = jnp.sqrt(jnp.maximum(rm2, 1e-12))
    cm = jnp.sqrt(jnp.maximum(cm2, 1e-12))
    lb = jnp.mean(cm, axis=1)
    lf = jnp.mean(rm, axis=1)
    lm = jnp.max(rm, axis=1)
    out_ref[...] = jnp.mean(5.0 * lb + lf + lm).reshape(1, 1)


_finish = pl.pallas_call(
    _finish_body,
    out_shape=jax.ShapeDtypeStruct((1, 1), jnp.float32),
)


@jax.jit
def kernel(sampled_lidar_list, surface_points):
    a = sampled_lidar_list
    b = surface_points
    at, bt = _tp(a, b)
    rowmin_sc, colmin_sc = _sc_min(at, bt)
    rowmin_tc, colmin_tc = _tc_min(a, bt)
    return _finish(rowmin_sc, rowmin_tc, colmin_sc, colmin_tc)[0, 0]

# --- scband reference (transcript-rebuilt; emitter-appended) ---
"""Pipeline reference for scband-sample-box-loss-70480413328153 (READ-ONLY COPY).

The authoritative reference and input builder live on the scoring server;
editing this copy changes nothing except your own understanding.
"""

import jax, jax.numpy as jnp
import numpy as np


def _cdist(a, b):
    # torch.cdist with p=2: pairwise euclidean distances [N, M]
    d2 = jnp.sum((a[:, None, :] - b[None, :, :]) ** 2, axis=-1)
    return jnp.sqrt(jnp.maximum(d2, 1e-12))


def setup_inputs(seed: int = 0) -> dict:
    key = jax.random.key(seed)
    k1, k2 = jax.random.split(key)
    sampled_lidar_list = jax.random.normal(k1, (8, 8192, 3), dtype=jnp.float32)
    surface_points = jax.random.normal(k2, (8, 4096, 3), dtype=jnp.float32)
    return {"sampled_lidar_list": sampled_lidar_list, "surface_points": surface_points}


def reference(sampled_lidar_list, surface_points):
    assert sampled_lidar_list.shape[0] == surface_points.shape[0]
    B = surface_points.shape[0]
    sampled_loss = 0.0
    for i in range(B):
        sampled_lidar = sampled_lidar_list[i]
        corner = surface_points[i]
        dist_mat = _cdist(sampled_lidar[:, 0:3], corner)
        N, M = dist_mat.shape
        min_index_raw = jnp.argmin(dist_mat, axis=0)      # [M]
        min_index_sample = jnp.argmin(dist_mat, axis=1)   # [N]
        LB = jnp.mean(dist_mat[min_index_raw, jnp.arange(M)])
        LF = jnp.mean(dist_mat[jnp.arange(N), min_index_sample])
        LM = jnp.max(dist_mat[jnp.arange(N), min_index_sample])
        box_sampled_loss = 5.0 * LB + 1.0 * LF + LM
        sampled_loss = sampled_loss + box_sampled_loss
    sampled_loss = sampled_loss / B
    return sampled_loss

if __name__ == "__main__":
    import jax
    _d = setup_inputs()
    print(jax.jit(kernel)(*tuple(_d.values())))

</pallas_src>

<mosaic_0001>
#map = affine_map<(d0, d1) -> (0, 0, 0)>
#map1 = affine_map<(d0, d1) -> (0, 0)>
module attributes {stable_mosaic.version = 14 : i64} {
  func.func @_sc_min(%arg0: i32, %arg1: i32, %arg2: memref<8x3x8192xf32, #tpu.memory_space<hbm>>, %arg3: memref<8x3x4096xf32, #tpu.memory_space<hbm>>, %arg4: memref<8x2560xf32, #tpu.memory_space<hbm>>, %arg5: memref<8x4x4096xf32, #tpu.memory_space<hbm>>, %arg6: memref<1x640xf32, #tpu.memory_space<vmem>>, %arg7: memref<1x640xf32, #tpu.memory_space<vmem>>, %arg8: memref<1x640xf32, #tpu.memory_space<vmem>>, %arg9: memref<1x4096xf32, #tpu.memory_space<vmem>>, %arg10: memref<1x4096xf32, #tpu.memory_space<vmem>>, %arg11: memref<1x4096xf32, #tpu.memory_space<vmem>>, %arg12: memref<640xf32, #tpu.memory_space<vmem>>, %arg13: memref<4096xf32, #tpu.memory_space<vmem>>) attributes {dimension_semantics = [#tpu.dimension_semantics<core_parallel>, #tpu.dimension_semantics<subcore_parallel>], iteration_bounds = array<i64: 2, 16>, scalar_prefetch = 0 : i64, scratch_operands = 8 : i64, tpu.core_type = #tpu.core_type<sc_vector_subcore>, window_params = [{transform_indices = #map}, {transform_indices = #map}, {transform_indices = #map1}, {transform_indices = #map}]} {
    %mul3A = arith.constant 2 : i32
    %mul3A_0 = arith.muli %arg1, %mul3A : i32
    %add3A = arith.addi %mul3A_0, %arg0 : i32
    %jit3A = arith.constant 4 : i32
    %div3A = arith.divsi %add3A, %jit3A : i32
    %sign3A = arith.constant 0 : i32
    %sign3A_1 = arith.cmpi sgt, %add3A, %sign3A : i32
    %sign3A_2 = arith.extui %sign3A_1 : i1 to i32
    %sign3A_3 = arith.constant 0 : i32
    %sign3A_4 = arith.cmpi slt, %add3A, %sign3A_3 : i32
    %sign3A_5 = arith.extui %sign3A_4 : i1 to i32
    %sign3A_6 = arith.subi %sign3A_2, %sign3A_5 : i32
    %sign3A_7 = arith.constant 0 : i32
    %sign3A_8 = arith.cmpi sgt, %jit3A, %sign3A_7 : i32
    %sign3A_9 = arith.extui %sign3A_8 : i1 to i32
    %sign3A_10 = arith.constant 0 : i32
    %sign3A_11 = arith.cmpi slt, %jit3A, %sign3A_10 : i32
    %sign3A_12 = arith.extui %sign3A_11 : i1 to i32
    %sign3A_13 = arith.subi %sign3A_9, %sign3A_12 : i32
    %ne3A = arith.cmpi ne, %sign3A_6, %sign3A_13 : i32
    %rem3A = arith.remsi %add3A, %jit3A : i32
    %ne3A_14 = arith.constant 0 : i32
    %ne3A_15 = arith.cmpi ne, %rem3A, %ne3A_14 : i32
    %and3A = arith.andi %ne3A, %ne3A_15 : i1
    %sub3A = arith.constant 1 : i32
    %sub3A_16 = arith.subi %div3A, %sub3A : i32
    %select_n3A = arith.select %and3A, %sub3A_16, %div3A : i32
    %jit3A_17 = arith.constant 4 : i32
    %eq3A = arith.constant 0 : i32
    %eq3A_18 = arith.cmpi eq, %jit3A_17, %eq3A : i32
    %jit3A_19 = arith.constant 1 : i32
    %select_n3A_20 = arith.select %eq3A_18, %jit3A_19, %jit3A_17 : i32
    %rem3A_21 = arith.remsi %add3A, %select_n3A_20 : i32
    %ne3A_22 = arith.constant 0 : i32
    %ne3A_23 = arith.cmpi ne, %rem3A_21, %ne3A_22 : i32
    %lt3A = arith.constant 0 : i32
    %lt3A_24 = arith.cmpi slt, %rem3A_21, %lt3A : i32
    %lt3A_25 = arith.constant 0 : i32
    %lt3A_26 = arith.cmpi slt, %select_n3A_20, %lt3A_25 : i32
    %ne3A_27 = arith.xori %lt3A_24, %lt3A_26 : i1
    %and3A_28 = arith.andi %ne3A_27, %ne3A_23 : i1
    %add3A_29 = arith.addi %rem3A_21, %select_n3A_20 : i32
    %select_n3A_30 = arith.select %and3A_28, %add3A_29, %rem3A_21 : i32
    %mul3A_31 = arith.constant 640 : i32
    %mul3A_32 = arith.muli %select_n3A_30, %mul3A_31 : i32
    "tpu.region"() ({
      %run_scoped3A = tpu.sem_alloc : memref<!tpu.dma_semaphore, #tpu.memory_space<semaphore_mem>>
      %dma_start3A = arith.constant 0 : i32
      %dma_start3A_56 = tpu.memref_slice %arg2[%select_n3A, %dma_start3A, %mul3A_32] : memref<8x3x8192xf32, #tpu.memory_space<hbm>> -> memref<1x1x640xf32, #tpu.memory_space<hbm>>
      %dma_start3A_57 = tpu.memref_squeeze %dma_start3A_56 : memref<1x1x640xf32, #tpu.memory_space<hbm>> -> memref<1x640xf32, #tpu.memory_space<hbm>>
      %dma_start3A_58 = arith.constant 0 : i32
      %dma_start3A_59 = tpu.memref_slice %arg2[%select_n3A, %dma_start3A_58, %mul3A_32] : memref<8x3x8192xf32, #tpu.memory_space<hbm>> -> memref<1x1x640xf32, #tpu.memory_space<hbm>>
      %dma_start3A_60 = tpu.memref_squeeze %dma_start3A_59 : memref<1x1x640xf32, #tpu.memory_space<hbm>> -> memref<1x640xf32, #tpu.memory_space<hbm>>
      tpu.enqueue_dma source(%dma_start3A_60 : memref<1x640xf32, #tpu.memory_space<hbm>>) target(%arg6 : memref<1x640xf32, #tpu.memory_space<vmem>>) target_semaphore(%run_scoped3A : memref<!tpu.dma_semaphore, #tpu.memory_space<semaphore_mem>>)
      %dma_wait3A = arith.constant 0 : i32
      %dma_wait3A_61 = tpu.memref_slice %arg2[%select_n3A, %dma_wait3A, %mul3A_32] : memref<8x3x8192xf32, #tpu.memory_space<hbm>> -> memref<1x1x640xf32, #tpu.memory_space<hbm>>
      %dma_wait3A_62 = tpu.memref_squeeze %dma_wait3A_61 : memref<1x1x640xf32, #tpu.memory_space<hbm>> -> memref<1x640xf32, #tpu.memory_space<hbm>>
      %dma_wait3A_63 = arith.constant 0 : i32
      %dma_wait3A_64 = tpu.memref_slice %arg2[%select_n3A, %dma_wait3A_63, %mul3A_32] : memref<8x3x8192xf32, #tpu.memory_space<hbm>> -> memref<1x1x640xf32, #tpu.memory_space<hbm>>
      %dma_wait3A_65 = tpu.memref_squeeze %dma_wait3A_64 : memref<1x1x640xf32, #tpu.memory_space<hbm>> -> memref<1x640xf32, #tpu.memory_space<hbm>>
      tpu.wait_dma2 semaphore(%run_scoped3A : memref<!tpu.dma_semaphore, #tpu.memory_space<semaphore_mem>>) src(%dma_wait3A_65 : memref<1x640xf32, #tpu.memory_space<hbm>>) dst(%arg6 : memref<1x640xf32, #tpu.memory_space<vmem>>)
      tpu.yield
    }) : () -> ()
    "tpu.region"() ({
      %run_scoped3A = tpu.sem_alloc : memref<!tpu.dma_semaphore, #tpu.memory_space<semaphore_mem>>
      %dma_start3A = arith.constant 1 : i32
      %dma_start3A_56 = tpu.memref_slice %arg2[%select_n3A, %dma_start3A, %mul3A_32] : memref<8x3x8192xf32, #tpu.memory_space<hbm>> -> memref<1x1x640xf32, #tpu.memory_space<hbm>>
      %dma_start3A_57 = tpu.memref_squeeze %dma_start3A_56 : memref<1x1x640xf32, #tpu.memory_space<hbm>> -> memref<1x640xf32, #tpu.memory_space<hbm>>
      %dma_start3A_58 = arith.constant 1 : i32
      %dma_start3A_59 = tpu.memref_slice %arg2[%select_n3A, %dma_start3A_58, %mul3A_32] : memref<8x3x8192xf32, #tpu.memory_space<hbm>> -> memref<1x1x640xf32, #tpu.memory_space<hbm>>
      %dma_start3A_60 = tpu.memref_squeeze %dma_start3A_59 : memref<1x1x640xf32, #tpu.memory_space<hbm>> -> memref<1x640xf32, #tpu.memory_space<hbm>>
      tpu.enqueue_dma source(%dma_start3A_60 : memref<1x640xf32, #tpu.memory_space<hbm>>) target(%arg7 : memref<1x640xf32, #tpu.memory_space<vmem>>) target_semaphore(%run_scoped3A : memref<!tpu.dma_semaphore, #tpu.memory_space<semaphore_mem>>)
      %dma_wait3A = arith.constant 1 : i32
      %dma_wait3A_61 = tpu.memref_slice %arg2[%select_n3A, %dma_wait3A, %mul3A_32] : memref<8x3x8192xf32, #tpu.memory_space<hbm>> -> memref<1x1x640xf32, #tpu.memory_space<hbm>>
      %dma_wait3A_62 = tpu.memref_squeeze %dma_wait3A_61 : memref<1x1x640xf32, #tpu.memory_space<hbm>> -> memref<1x640xf32, #tpu.memory_space<hbm>>
      %dma_wait3A_63 = arith.constant 1 : i32
      %dma_wait3A_64 = tpu.memref_slice %arg2[%select_n3A, %dma_wait3A_63, %mul3A_32] : memref<8x3x8192xf32, #tpu.memory_space<hbm>> -> memref<1x1x640xf32, #tpu.memory_space<hbm>>
      %dma_wait3A_65 = tpu.memref_squeeze %dma_wait3A_64 : memref<1x1x640xf32, #tpu.memory_space<hbm>> -> memref<1x640xf32, #tpu.memory_space<hbm>>
      tpu.wait_dma2 semaphore(%run_scoped3A : memref<!tpu.dma_semaphore, #tpu.memory_space<semaphore_mem>>) src(%dma_wait3A_65 : memref<1x640xf32, #tpu.memory_space<hbm>>) dst(%arg7 : memref<1x640xf32, #tpu.memory_space<vmem>>)
      tpu.yield
    }) : () -> ()
    "tpu.region"() ({
      %run_scoped3A = tpu.sem_alloc : memref<!tpu.dma_semaphore, #tpu.memory_space<semaphore_mem>>
      %dma_start3A = arith.constant 2 : i32
      %dma_start3A_56 = tpu.memref_slice %arg2[%select_n3A, %dma_start3A, %mul3A_32] : memref<8x3x8192xf32, #tpu.memory_space<hbm>> -> memref<1x1x640xf32, #tpu.memory_space<hbm>>
      %dma_start3A_57 = tpu.memref_squeeze %dma_start3A_56 : memref<1x1x640xf32, #tpu.memory_space<hbm>> -> memref<1x640xf32, #tpu.memory_space<hbm>>
      %dma_start3A_58 = arith.constant 2 : i32
      %dma_start3A_59 = tpu.memref_slice %arg2[%select_n3A, %dma_start3A_58, %mul3A_32] : memref<8x3x8192xf32, #tpu.memory_space<hbm>> -> memref<1x1x640xf32, #tpu.memory_space<hbm>>
      %dma_start3A_60 = tpu.memref_squeeze %dma_start3A_59 : memref<1x1x640xf32, #tpu.memory_space<hbm>> -> memref<1x640xf32, #tpu.memory_space<hbm>>
      tpu.enqueue_dma source(%dma_start3A_60 : memref<1x640xf32, #tpu.memory_space<hbm>>) target(%arg8 : memref<1x640xf32, #tpu.memory_space<vmem>>) target_semaphore(%run_scoped3A : memref<!tpu.dma_semaphore, #tpu.memory_space<semaphore_mem>>)
      %dma_wait3A = arith.constant 2 : i32
      %dma_wait3A_61 = tpu.memref_slice %arg2[%select_n3A, %dma_wait3A, %mul3A_32] : memref<8x3x8192xf32, #tpu.memory_space<hbm>> -> memref<1x1x640xf32, #tpu.memory_space<hbm>>
      %dma_wait3A_62 = tpu.memref_squeeze %dma_wait3A_61 : memref<1x1x640xf32, #tpu.memory_space<hbm>> -> memref<1x640xf32, #tpu.memory_space<hbm>>
      %dma_wait3A_63 = arith.constant 2 : i32
      %dma_wait3A_64 = tpu.memref_slice %arg2[%select_n3A, %dma_wait3A_63, %mul3A_32] : memref<8x3x8192xf32, #tpu.memory_space<hbm>> -> memref<1x1x640xf32, #tpu.memory_space<hbm>>
      %dma_wait3A_65 = tpu.memref_squeeze %dma_wait3A_64 : memref<1x1x640xf32, #tpu.memory_space<hbm>> -> memref<1x640xf32, #tpu.memory_space<hbm>>
      tpu.wait_dma2 semaphore(%run_scoped3A : memref<!tpu.dma_semaphore, #tpu.memory_space<semaphore_mem>>) src(%dma_wait3A_65 : memref<1x640xf32, #tpu.memory_space<hbm>>) dst(%arg8 : memref<1x640xf32, #tpu.memory_space<vmem>>)
      tpu.yield
    }) : () -> ()
    "tpu.region"() ({
      %run_scoped3A = tpu.sem_alloc : memref<!tpu.dma_semaphore, #tpu.memory_space<semaphore_mem>>
      %dma_start3A = arith.constant 0 : i32
      %dma_start3A_56 = arith.constant 0 : i32
      %dma_start3A_57 = tpu.memref_slice %arg3[%select_n3A, %dma_start3A, %dma_start3A_56] : memref<8x3x4096xf32, #tpu.memory_space<hbm>> -> memref<1x1x4096xf32, #tpu.memory_space<hbm>>
      %dma_start3A_58 = tpu.memref_squeeze %dma_start3A_57 : memref<1x1x4096xf32, #tpu.memory_space<hbm>> -> memref<1x4096xf32, #tpu.memory_space<hbm>>
      %dma_start3A_59 = arith.constant 0 : i32
      %dma_start3A_60 = arith.constant 0 : i32
      %dma_start3A_61 = tpu.memref_slice %arg3[%select_n3A, %dma_start3A_59, %dma_start3A_60] : memref<8x3x4096xf32, #tpu.memory_space<hbm>> -> memref<1x1x4096xf32, #tpu.memory_space<hbm>>
      %dma_start3A_62 = tpu.memref_squeeze %dma_start3A_61 : memref<1x1x4096xf32, #tpu.memory_space<hbm>> -> memref<1x4096xf32, #tpu.memory_space<hbm>>
      tpu.enqueue_dma source(%dma_start3A_62 : memref<1x4096xf32, #tpu.memory_space<hbm>>) target(%arg9 : memref<1x4096xf32, #tpu.memory_space<vmem>>) target_semaphore(%run_scoped3A : memref<!tpu.dma_semaphore, #tpu.memory_space<semaphore_mem>>)
      %dma_wait3A = arith.constant 0 : i32
      %dma_wait3A_63 = arith.constant 0 : i32
      %dma_wait3A_64 = tpu.memref_slice %arg3[%select_n3A, %dma_wait3A, %dma_wait3A_63] : memref<8x3x4096xf32, #tpu.memory_space<hbm>> -> memref<1x1x4096xf32, #tpu.memory_space<hbm>>
      %dma_wait3A_65 = tpu.memref_squeeze %dma_wait3A_64 : memref<1x1x4096xf32, #tpu.memory_space<hbm>> -> memref<1x4096xf32, #tpu.memory_space<hbm>>
      %dma_wait3A_66 = arith.constant 0 : i32
      %dma_wait3A_67 = arith.constant 0 : i32
      %dma_wait3A_68 = tpu.memref_slice %arg3[%select_n3A, %dma_wait3A_66, %dma_wait3A_67] : memref<8x3x4096xf32, #tpu.memory_space<hbm>> -> memref<1x1x4096xf32, #tpu.memory_space<hbm>>
      %dma_wait3A_69 = tpu.memref_squeeze %dma_wait3A_68 : memref<1x1x4096xf32, #tpu.memory_space<hbm>> -> memref<1x4096xf32, #tpu.memory_space<hbm>>
      tpu.wait_dma2 semaphore(%run_scoped3A : memref<!tpu.dma_semaphore, #tpu.memory_space<semaphore_mem>>) src(%dma_wait3A_69 : memref<1x4096xf32, #tpu.memory_space<hbm>>) dst(%arg9 : memref<1x4096xf32, #tpu.memory_space<vmem>>)
      tpu.yield
    }) : () -> ()
    "tpu.region"() ({
      %run_scoped3A = tpu.sem_alloc : memref<!tpu.dma_semaphore, #tpu.memory_space<semaphore_mem>>
      %dma_start3A = arith.constant 1 : i32
      %dma_start3A_56 = arith.constant 0 : i32
      %dma_start3A_57 = tpu.memref_slice %arg3[%select_n3A, %dma_start3A, %dma_start3A_56] : memref<8x3x4096xf32, #tpu.memory_space<hbm>> -> memref<1x1x4096xf32, #tpu.memory_space<hbm>>
      %dma_start3A_58 = tpu.memref_squeeze %dma_start3A_57 : memref<1x1x4096xf32, #tpu.memory_space<hbm>> -> memref<1x4096xf32, #tpu.memory_space<hbm>>
      %dma_start3A_59 = arith.constant 1 : i32
      %dma_start3A_60 = arith.constant 0 : i32
      %dma_start3A_61 = tpu.memref_slice %arg3[%select_n3A, %dma_start3A_59, %dma_start3A_60] : memref<8x3x4096xf32, #tpu.memory_space<hbm>> -> memref<1x1x4096xf32, #tpu.memory_space<hbm>>
      %dma_start3A_62 = tpu.memref_squeeze %dma_start3A_61 : memref<1x1x4096xf32, #tpu.memory_space<hbm>> -> memref<1x4096xf32, #tpu.memory_space<hbm>>
      tpu.enqueue_dma source(%dma_start3A_62 : memref<1x4096xf32, #tpu.memory_space<hbm>>) target(%arg10 : memref<1x4096xf32, #tpu.memory_space<vmem>>) target_semaphore(%run_scoped3A : memref<!tpu.dma_semaphore, #tpu.memory_space<semaphore_mem>>)
      %dma_wait3A = arith.constant 1 : i32
      %dma_wait3A_63 = arith.constant 0 : i32
      %dma_wait3A_64 = tpu.memref_slice %arg3[%select_n3A, %dma_wait3A, %dma_wait3A_63] : memref<8x3x4096xf32, #tpu.memory_space<hbm>> -> memref<1x1x4096xf32, #tpu.memory_space<hbm>>
      %dma_wait3A_65 = tpu.memref_squeeze %dma_wait3A_64 : memref<1x1x4096xf32, #tpu.memory_space<hbm>> -> memref<1x4096xf32, #tpu.memory_space<hbm>>
      %dma_wait3A_66 = arith.constant 1 : i32
      %dma_wait3A_67 = arith.constant 0 : i32
      %dma_wait3A_68 = tpu.memref_slice %arg3[%select_n3A, %dma_wait3A_66, %dma_wait3A_67] : memref<8x3x4096xf32, #tpu.memory_space<hbm>> -> memref<1x1x4096xf32, #tpu.memory_space<hbm>>
      %dma_wait3A_69 = tpu.memref_squeeze %dma_wait3A_68 : memref<1x1x4096xf32, #tpu.memory_space<hbm>> -> memref<1x4096xf32, #tpu.memory_space<hbm>>
      tpu.wait_dma2 semaphore(%run_scoped3A : memref<!tpu.dma_semaphore, #tpu.memory_space<semaphore_mem>>) src(%dma_wait3A_69 : memref<1x4096xf32, #tpu.memory_space<hbm>>) dst(%arg10 : memref<1x4096xf32, #tpu.memory_space<vmem>>)
      tpu.yield
    }) : () -> ()
    "tpu.region"() ({
      %run_scoped3A = tpu.sem_alloc : memref<!tpu.dma_semaphore, #tpu.memory_space<semaphore_mem>>
      %dma_start3A = arith.constant 2 : i32
      %dma_start3A_56 = arith.constant 0 : i32
      %dma_start3A_57 = tpu.memref_slice %arg3[%select_n3A, %dma_start3A, %dma_start3A_56] : memref<8x3x4096xf32, #tpu.memory_space<hbm>> -> memref<1x1x4096xf32, #tpu.memory_space<hbm>>
      %dma_start3A_58 = tpu.memref_squeeze %dma_start3A_57 : memref<1x1x4096xf32, #tpu.memory_space<hbm>> -> memref<1x4096xf32, #tpu.memory_space<hbm>>
      %dma_start3A_59 = arith.constant 2 : i32
      %dma_start3A_60 = arith.constant 0 : i32
      %dma_start3A_61 = tpu.memref_slice %arg3[%select_n3A, %dma_start3A_59, %dma_start3A_60] : memref<8x3x4096xf32, #tpu.memory_space<hbm>> -> memref<1x1x4096xf32, #tpu.memory_space<hbm>>
      %dma_start3A_62 = tpu.memref_squeeze %dma_start3A_61 : memref<1x1x4096xf32, #tpu.memory_space<hbm>> -> memref<1x4096xf32, #tpu.memory_space<hbm>>
      tpu.enqueue_dma source(%dma_start3A_62 : memref<1x4096xf32, #tpu.memory_space<hbm>>) target(%arg11 : memref<1x4096xf32, #tpu.memory_space<vmem>>) target_semaphore(%run_scoped3A : memref<!tpu.dma_semaphore, #tpu.memory_space<semaphore_mem>>)
      %dma_wait3A = arith.constant 2 : i32
      %dma_wait3A_63 = arith.constant 0 : i32
      %dma_wait3A_64 = tpu.memref_slice %arg3[%select_n3A, %dma_wait3A, %dma_wait3A_63] : memref<8x3x4096xf32, #tpu.memory_space<hbm>> -> memref<1x1x4096xf32, #tpu.memory_space<hbm>>
      %dma_wait3A_65 = tpu.memref_squeeze %dma_wait3A_64 : memref<1x1x4096xf32, #tpu.memory_space<hbm>> -> memref<1x4096xf32, #tpu.memory_space<hbm>>
      %dma_wait3A_66 = arith.constant 2 : i32
      %dma_wait3A_67 = arith.constant 0 : i32
      %dma_wait3A_68 = tpu.memref_slice %arg3[%select_n3A, %dma_wait3A_66, %dma_wait3A_67] : memref<8x3x4096xf32, #tpu.memory_space<hbm>> -> memref<1x1x4096xf32, #tpu.memory_space<hbm>>
      %dma_wait3A_69 = tpu.memref_squeeze %dma_wait3A_68 : memref<1x1x4096xf32, #tpu.memory_space<hbm>> -> memref<1x4096xf32, #tpu.memory_space<hbm>>
      tpu.wait_dma2 semaphore(%run_scoped3A : memref<!tpu.dma_semaphore, #tpu.memory_space<semaphore_mem>>) src(%dma_wait3A_69 : memref<1x4096xf32, #tpu.memory_space<hbm>>) dst(%arg11 : memref<1x4096xf32, #tpu.memory_space<vmem>>)
      tpu.yield
    }) : () -> ()
    %broadcast_in_dim3A = arith.constant 0x7F800000 : f32
    %broadcast_in_dim3A_33 = vector.broadcast %broadcast_in_dim3A : f32 to vector<16xf32>
    %iota3A = tpu.iota {dimensions = array<i32: 0>} : vector<16xi32>
    %xor3A = arith.constant 1 : i32
    %xor3A_34 = vector.broadcast %xor3A : i32 to vector<16xi32>
    %xor3A_35 = arith.xori %iota3A, %xor3A_34 : vector<16xi32>
    %xor3A_36 = arith.constant 2 : i32
    %xor3A_37 = vector.broadcast %xor3A_36 : i32 to vector<16xi32>
    %xor3A_38 = arith.xori %iota3A, %xor3A_37 : vector<16xi32>
    %xor3A_39 = arith.constant 4 : i32
    %xor3A_40 = vector.broadcast %xor3A_39 : i32 to vector<16xi32>
    %xor3A_41 = arith.xori %iota3A, %xor3A_40 : vector<16xi32>
    %xor3A_42 = arith.constant 8 : i32
    %xor3A_43 = vector.broadcast %xor3A_42 : i32 to vector<16xi32>
    %xor3A_44 = arith.xori %iota3A, %xor3A_43 : vector<16xi32>
    %scan3A = arith.constant 0 : i32
    %scan3A_45 = arith.constant 0 : i32
    %scan3A_46 = arith.constant 40 : i32
    %scan3A_47 = arith.addi %scan3A_45, %scan3A_46 : i32
    %scan3A_48 = arith.constant 1 : i32
    scf.for %scan3A_56 = %scan3A_45 to %scan3A_47 step %scan3A_48  : i32 {
      %mul3A_57 = arith.constant 16 : i32
      %mul3A_58 = arith.muli %scan3A_56, %mul3A_57 : i32
      %swap3A = arith.index_cast %mul3A_58 : i32 to index
      %swap3A_59 = tpu.vector_load %arg12[%swap3A] {strides = array<i32>} : memref<640xf32, #tpu.memory_space<vmem>>, vector<16xf32>,
      %swap3A_60 = vector.shape_cast %swap3A_59 : vector<16xf32> to vector<16xf32>
      %swap3A_61 = vector.shape_cast %broadcast_in_dim3A_33 : vector<16xf32> to vector<16xf32>
      tpu.vector_store %arg12[%swap3A], %swap3A_61 {strides = array<i32>} : memref<640xf32, #tpu.memory_space<vmem>>, vector<16xf32>,
    }
    %scan3A_49 = arith.constant 40 : i32
    %scan3A_50 = arith.constant 0 : i32
    %scan3A_51 = arith.constant 0 : i32
    %scan3A_52 = arith.constant 32 : i32
    %scan3A_53 = arith.addi %scan3A_51, %scan3A_52 : i32
    %scan3A_54 = arith.constant 1 : i32
    scf.for %scan3A_56 = %scan3A_51 to %scan3A_53 step %scan3A_54  : i32 {
      %mul3A_57 = arith.constant 128 : i32
      %mul3A_58 = arith.muli %scan3A_56, %mul3A_57 : i32
      %add3A_59 = arith.constant 0 : i32
      %add3A_60 = arith.addi %mul3A_58, %add3A_59 : i32
      %get3A = arith.constant 0 : i32
      %get3A_61 = arith.index_cast %get3A : i32 to index
      %get3A_62 = arith.index_cast %add3A_60 : i32 to index
      %get3A_63 = tpu.vector_load %arg9[%get3A_61, %get3A_62] {strides = array<i32>} : memref<1x4096xf32, #tpu.memory_space<vmem>>, vector<1x16xf32>,
      %get3A_64 = vector.shape_cast %get3A_63 : vector<1x16xf32> to vector<16xf32>
      %add3A_65 = arith.constant 16 : i32
      %add3A_66 = arith.addi %mul3A_58, %add3A_65 : i32
      %get3A_67 = arith.constant 0 : i32
      %get3A_68 = arith.index_cast %get3A_67 : i32 to index
      %get3A_69 = arith.index_cast %add3A_66 : i32 to index
      %get3A_70 = tpu.vector_load %arg9[%get3A_68, %get3A_69] {strides = array<i32>} : memref<1x4096xf32, #tpu.memory_space<vmem>>, vector<1x16xf32>,
      %get3A_71 = vector.shape_cast %get3A_70 : vector<1x16xf32> to vector<16xf32>
      %add3A_72 = arith.constant 32 : i32
      %add3A_73 = arith.addi %mul3A_58, %add3A_72 : i32
      %get3A_74 = arith.constant 0 : i32
      %get3A_75 = arith.index_cast %get3A_74 : i32 to index
      %get3A_76 = arith.index_cast %add3A_73 : i32 to index
      %get3A_77 = tpu.vector_load %arg9[%get3A_75, %get3A_76] {strides = array<i32>} : memref<1x4096xf32, #tpu.memory_space<vmem>>, vector<1x16xf32>,
      %get3A_78 = vector.shape_cast %get3A_77 : vector<1x16xf32> to vector<16xf32>
      %add3A_79 = arith.constant 48 : i32
      %add3A_80 = arith.addi %mul3A_58, %add3A_79 : i32
      %get3A_81 = arith.constant 0 : i32
      %get3A_82 = arith.index_cast %get3A_81 : i32 to index
      %get3A_83 = arith.index_cast %add3A_80 : i32 to index
      %get3A_84 = tpu.vector_load %arg9[%get3A_82, %get3A_83] {strides = array<i32>} : memref<1x4096xf32, #tpu.memory_space<vmem>>, vector<1x16xf32>,
      %get3A_85 = vector.shape_cast %get3A_84 : vector<1x16xf32> to vector<16xf32>
      %add3A_86 = arith.constant 64 : i32
      %add3A_87 = arith.addi %mul3A_58, %add3A_86 : i32
      %get3A_88 = arith.constant 0 : i32
      %get3A_89 = arith.index_cast %get3A_88 : i32 to index
      %get3A_90 = arith.index_cast %add3A_87 : i32 to index
      %get3A_91 = tpu.vector_load %arg9[%get3A_89, %get3A_90] {strides = array<i32>} : memref<1x4096xf32, #tpu.memory_space<vmem>>, vector<1x16xf32>,
      %get3A_92 = vector.shape_cast %get3A_91 : vector<1x16xf32> to vector<16xf32>
      %add3A_93 = arith.constant 80 : i32
      %add3A_94 = arith.addi %mul3A_58, %add3A_93 : i32
      %get3A_95 = arith.constant 0 : i32
      %get3A_96 = arith.index_cast %get3A_95 : i32 to index
      %get3A_97 = arith.index_cast %add3A_94 : i32 to index
      %get3A_98 = tpu.vector_load %arg9[%get3A_96, %get3A_97] {strides = array<i32>} : memref<1x4096xf32, #tpu.memory_space<vmem>>, vector<1x16xf32>,
      %get3A_99 = vector.shape_cast %get3A_98 : vector<1x16xf32> to vector<16xf32>
      %add3A_100 = arith.constant 96 : i32
      %add3A_101 = arith.addi %mul3A_58, %add3A_100 : i32
      %get3A_102 = arith.constant 0 : i32
      %get3A_103 = arith.index_cast %get3A_102 : i32 to index
      %get3A_104 = arith.index_cast %add3A_101 : i32 to index
      %get3A_105 = tpu.vector_load %arg9[%get3A_103, %get3A_104] {strides = array<i32>} : memref<1x4096xf32, #tpu.memory_space<vmem>>, vector<1x16xf32>,
      %get3A_106 = vector.shape_cast %get3A_105 : vector<1x16xf32> to vector<16xf32>
      %add3A_107 = arith.constant 112 : i32
      %add3A_108 = arith.addi %mul3A_58, %add3A_107 : i32
      %get3A_109 = arith.constant 0 : i32
      %get3A_110 = arith.index_cast %get3A_109 : i32 to index
      %get3A_111 = arith.index_cast %add3A_108 : i32 to index
      %get3A_112 = tpu.vector_load %arg9[%get3A_110, %get3A_111] {strides = array<i32>} : memref<1x4096xf32, #tpu.memory_space<vmem>>, vector<1x16xf32>,
      %get3A_113 = vector.shape_cast %get3A_112 : vector<1x16xf32> to vector<16xf32>
      %add3A_114 = arith.constant 0 : i32
      %add3A_115 = arith.addi %mul3A_58, %add3A_114 : i32
      %get3A_116 = arith.constant 0 : i32
      %get3A_117 = arith.index_cast %get3A_116 : i32 to index
      %get3A_118 = arith.index_cast %add3A_115 : i32 to index
      %get3A_119 = tpu.vector_load %arg10[%get3A_117, %get3A_118] {strides = array<i32>} : memref<1x4096xf32, #tpu.memory_space<vmem>>, vector<1x16xf32>,
      %get3A_120 = vector.shape_cast %get3A_119 : vector<1x16xf32> to vector<16xf32>
      %add3A_121 = arith.constant 16 : i32
      %add3A_122 = arith.addi %mul3A_58, %add3A_121 : i32
      %get3A_123 = arith.constant 0 : i32
      %get3A_124 = arith.index_cast %get3A_123 : i32 to index
      %get3A_125 = arith.index_cast %add3A_122 : i32 to index
      %get3A_126 = tpu.vector_load %arg10[%get3A_124, %get3A_125] {strides = array<i32>} : memref<1x4096xf32, #tpu.memory_space<vmem>>, vector<1x16xf32>,
      %get3A_127 = vector.shape_cast %get3A_126 : vector<1x16xf32> to vector<16xf32>
      %add3A_128 = arith.constant 32 : i32
      %add3A_129 = arith.addi %mul3A_58, %add3A_128 : i32
      %get3A_130 = arith.constant 0 : i32
      %get3A_131 = arith.index_cast %get3A_130 : i32 to index
      %get3A_132 = arith.index_cast %add3A_129 : i32 to index
      %get3A_133 = tpu.vector_load %arg10[%get3A_131, %get3A_132] {strides = array<i32>} : memref<1x4096xf32, #tpu.memory_space<vmem>>, vector<1x16xf32>,
      %get3A_134 = vector.shape_cast %get3A_133 : vector<1x16xf32> to vector<16xf32>
      %add3A_135 = arith.constant 48 : i32
      %add3A_136 = arith.addi %mul3A_58, %add3A_135 : i32
      %get3A_137 = arith.constant 0 : i32
      %get3A_138 = arith.index_cast %get3A_137 : i32 to index
      %get3A_139 = arith.index_cast %add3A_136 : i32 to index
      %get3A_140 = tpu.vector_load %arg10[%get3A_138, %get3A_139] {strides = array<i32>} : memref<1x4096xf32, #tpu.memory_space<vmem>>, vector<1x16xf32>,
      %get3A_141 = vector.shape_cast %get3A_140 : vector<1x16xf32> to vector<16xf32>
      %add3A_142 = arith.constant 64 : i32
      %add3A_143 = arith.addi %mul3A_58, %add3A_142 : i32
      %get3A_144 = arith.constant 0 : i32
      %get3A_145 = arith.index_cast %get3A_144 : i32 to index
      %get3A_146 = arith.index_cast %add3A_143 : i32 to index
      %get3A_147 = tpu.vector_load %arg10[%get3A_145, %get3A_146] {strides = array<i32>} : memref<1x4096xf32, #tpu.memory_space<vmem>>, vector<1x16xf32>,
      %get3A_148 = vector.shape_cast %get3A_147 : vector<1x16xf32> to vector<16xf32>
      %add3A_149 = arith.constant 80 : i32
      %add3A_150 = arith.addi %mul3A_58, %add3A_149 : i32
      %get3A_151 = arith.constant 0 : i32
      %get3A_152 = arith.index_cast %get3A_151 : i32 to index
      %get3A_153 = arith.index_cast %add3A_150 : i32 to index
      %get3A_154 = tpu.vector_load %arg10[%get3A_152, %get3A_153] {strides = array<i32>} : memref<1x4096xf32, #tpu.memory_space<vmem>>, vector<1x16xf32>,
      %get3A_155 = vector.shape_cast %get3A_154 : vector<1x16xf32> to vector<16xf32>
      %add3A_156 = arith.constant 96 : i32
      %add3A_157 = arith.addi %mul3A_58, %add3A_156 : i32
      %get3A_158 = arith.constant 0 : i32
      %get3A_159 = arith.index_cast %get3A_158 : i32 to index
      %get3A_160 = arith.index_cast %add3A_157 : i32 to index
      %get3A_161 = tpu.vector_load %arg10[%get3A_159, %get3A_160] {strides = array<i32>} : memref<1x4096xf32, #tpu.memory_space<vmem>>, vector<1x16xf32>,
      %get3A_162 = vector.shape_cast %get3A_161 : vector<1x16xf32> to vector<16xf32>
      %add3A_163 = arith.constant 112 : i32
      %add3A_164 = arith.addi %mul3A_58, %add3A_163 : i32
      %get3A_165 = arith.constant 0 : i32
      %get3A_166 = arith.index_cast %get3A_165 : i32 to index
      %get3A_167 = arith.index_cast %add3A_164 : i32 to index
      %get3A_168 = tpu.vector_load %arg10[%get3A_166, %get3A_167] {strides = array<i32>} : memref<1x4096xf32, #tpu.memory_space<vmem>>, vector<1x16xf32>,
      %get3A_169 = vector.shape_cast %get3A_168 : vector<1x16xf32> to vector<16xf32>
      %add3A_170 = arith.constant 0 : i32
      %add3A_171 = arith.addi %mul3A_58, %add3A_170 : i32
      %get3A_172 = arith.constant 0 : i32
      %get3A_173 = arith.index_cast %get3A_172 : i32 to index
      %get3A_174 = arith.index_cast %add3A_171 : i32 to index
      %get3A_175 = tpu.vector_load %arg11[%get3A_173, %get3A_174] {strides = array<i32>} : memref<1x4096xf32, #tpu.memory_space<vmem>>, vector<1x16xf32>,
      %get3A_176 = vector.shape_cast %get3A_175 : vector<1x16xf32> to vector<16xf32>
      %add3A_177 = arith.constant 16 : i32
      %add3A_178 = arith.addi %mul3A_58, %add3A_177 : i32
      %get3A_179 = arith.constant 0 : i32
      %get3A_180 = arith.index_cast %get3A_179 : i32 to index
      %get3A_181 = arith.index_cast %add3A_178 : i32 to index
      %get3A_182 = tpu.vector_load %arg11[%get3A_180, %get3A_181] {strides = array<i32>} : memref<1x4096xf32, #tpu.memory_space<vmem>>, vector<1x16xf32>,
      %get3A_183 = vector.shape_cast %get3A_182 : vector<1x16xf32> to vector<16xf32>
      %add3A_184 = arith.constant 32 : i32
      %add3A_185 = arith.addi %mul3A_58, %add3A_184 : i32
      %get3A_186 = arith.constant 0 : i32
      %get3A_187 = arith.index_cast %get3A_186 : i32 to index
      %get3A_188 = arith.index_cast %add3A_185 : i32 to index
      %get3A_189 = tpu.vector_load %arg11[%get3A_187, %get3A_188] {strides = array<i32>} : memref<1x4096xf32, #tpu.memory_space<vmem>>, vector<1x16xf32>,
      %get3A_190 = vector.shape_cast %get3A_189 : vector<1x16xf32> to vector<16xf32>
      %add3A_191 = arith.constant 48 : i32
      %add3A_192 = arith.addi %mul3A_58, %add3A_191 : i32
      %get3A_193 = arith.constant 0 : i32
      %get3A_194 = arith.index_cast %get3A_193 : i32 to index
      %get3A_195 = arith.index_cast %add3A_192 : i32 to index
      %get3A_196 = tpu.vector_load %arg11[%get3A_194, %get3A_195] {strides = array<i32>} : memref<1x4096xf32, #tpu.memory_space<vmem>>, vector<1x16xf32>,
      %get3A_197 = vector.shape_cast %get3A_196 : vector<1x16xf32> to vector<16xf32>
      %add3A_198 = arith.constant 64 : i32
      %add3A_199 = arith.addi %mul3A_58, %add3A_198 : i32
      %get3A_200 = arith.constant 0 : i32
      %get3A_201 = arith.index_cast %get3A_200 : i32 to index
      %get3A_202 = arith.index_cast %add3A_199 : i32 to index
      %get3A_203 = tpu.vector_load %arg11[%get3A_201, %get3A_202] {strides = array<i32>} : memref<1x4096xf32, #tpu.memory_space<vmem>>, vector<1x16xf32>,
      %get3A_204 = vector.shape_cast %get3A_203 : vector<1x16xf32> to vector<16xf32>
      %add3A_205 = arith.constant 80 : i32
      %add3A_206 = arith.addi %mul3A_58, %add3A_205 : i32
      %get3A_207 = arith.constant 0 : i32
      %get3A_208 = arith.index_cast %get3A_207 : i32 to index
      %get3A_209 = arith.index_cast %add3A_206 : i32 to index
      %get3A_210 = tpu.vector_load %arg11[%get3A_208, %get3A_209] {strides = array<i32>} : memref<1x4096xf32, #tpu.memory_space<vmem>>, vector<1x16xf32>,
      %get3A_211 = vector.shape_cast %get3A_210 : vector<1x16xf32> to vector<16xf32>
      %add3A_212 = arith.constant 96 : i32
      %add3A_213 = arith.addi %mul3A_58, %add3A_212 : i32
      %get3A_214 = arith.constant 0 : i32
      %get3A_215 = arith.index_cast %get3A_214 : i32 to index
      %get3A_216 = arith.index_cast %add3A_213 : i32 to index
      %get3A_217 = tpu.vector_load %arg11[%get3A_215, %get3A_216] {strides = array<i32>} : memref<1x4096xf32, #tpu.memory_space<vmem>>, vector<1x16xf32>,
      %get3A_218 = vector.shape_cast %get3A_217 : vector<1x16xf32> to vector<16xf32>
      %add3A_219 = arith.constant 112 : i32
      %add3A_220 = arith.addi %mul3A_58, %add3A_219 : i32
      %get3A_221 = arith.constant 0 : i32
      %get3A_222 = arith.index_cast %get3A_221 : i32 to index
      %get3A_223 = arith.index_cast %add3A_220 : i32 to index
      %get3A_224 = tpu.vector_load %arg11[%get3A_222, %get3A_223] {strides = array<i32>} : memref<1x4096xf32, #tpu.memory_space<vmem>>, vector<1x16xf32>,
      %get3A_225 = vector.shape_cast %get3A_224 : vector<1x16xf32> to vector<16xf32>
      %scan3A_226 = arith.constant 0 : i32
      %scan3A_227 = arith.constant 40 : i32
      %scan3A_228 = arith.addi %scan3A_226, %scan3A_227 : i32
      %scan3A_229 = arith.constant 1 : i32
      %scan3A_230:8 = scf.for %scan3A_279 = %scan3A_226 to %scan3A_228 step %scan3A_229 iter_args(%scan3A_280 = %broadcast_in_dim3A_33, %scan3A_281 = %broadcast_in_dim3A_33, %scan3A_282 = %broadcast_in_dim3A_33, %scan3A_283 = %broadcast_in_dim3A_33, %scan3A_284 = %broadcast_in_dim3A_33, %scan3A_285 = %broadcast_in_dim3A_33, %scan3A_286 = %broadcast_in_dim3A_33, %scan3A_287 = %broadcast_in_dim3A_33) -> (vector<16xf32>, vector<16xf32>, vector<16xf32>, vector<16xf32>, vector<16xf32>, vector<16xf32>, vector<16xf32>, vector<16xf32>)  : i32 {
        %mul3A_288 = arith.constant 16 : i32
        %mul3A_289 = arith.muli %scan3A_279, %mul3A_288 : i32
        %get3A_290 = arith.constant 0 : i32
        %get3A_291 = arith.index_cast %get3A_290 : i32 to index
        %get3A_292 = arith.index_cast %mul3A_289 : i32 to index
        %get3A_293 = tpu.vector_load %arg6[%get3A_291, %get3A_292] {strides = array<i32>} : memref<1x640xf32, #tpu.memory_space<vmem>>, vector<1x16xf32>,
        %get3A_294 = vector.shape_cast %get3A_293 : vector<1x16xf32> to vector<16xf32>
        %mul3A_295 = arith.constant 16 : i32
        %mul3A_296 = arith.muli %scan3A_279, %mul3A_295 : i32
        %get3A_297 = arith.constant 0 : i32
        %get3A_298 = arith.index_cast %get3A_297 : i32 to index
        %get3A_299 = arith.index_cast %mul3A_296 : i32 to index
        %get3A_300 = tpu.vector_load %arg7[%get3A_298, %get3A_299] {strides = array<i32>} : memref<1x640xf32, #tpu.memory_space<vmem>>, vector<1x16xf32>,
        %get3A_301 = vector.shape_cast %get3A_300 : vector<1x16xf32> to vector<16xf32>
        %mul3A_302 = arith.constant 16 : i32
        %mul3A_303 = arith.muli %scan3A_279, %mul3A_302 : i32
        %get3A_304 = arith.constant 0 : i32
        %get3A_305 = arith.index_cast %get3A_304 : i32 to index
        %get3A_306 = arith.index_cast %mul3A_303 : i32 to index
        %get3A_307 = tpu.vector_load %arg8[%get3A_305, %get3A_306] {strides = array<i32>} : memref<1x640xf32, #tpu.memory_space<vmem>>, vector<1x16xf32>,
        %get3A_308 = vector.shape_cast %get3A_307 : vector<1x16xf32> to vector<16xf32>
        %slice3A = vector.extract_strided_slice %get3A_294 {offsets = [0], sizes = [1], strides = [1]} : vector<16xf32> to vector<1xf32>
        %squeeze3A = vector.extract %slice3A[0] : f32 from vector<1xf32>
        %slice3A_309 = vector.extract_strided_slice %get3A_301 {offsets = [0], sizes = [1], strides = [1]} : vector<16xf32> to vector<1xf32>
        %squeeze3A_310 = vector.extract %slice3A_309[0] : f32 from vector<1xf32>
        %slice3A_311 = vector.extract_strided_slice %get3A_308 {offsets = [0], sizes = [1], strides = [1]} : vector<16xf32> to vector<1xf32>
        %squeeze3A_312 = vector.extract %slice3A_311[0] : f32 from vector<1xf32>
        %sub3A_313 = vector.broadcast %squeeze3A : f32 to vector<16xf32>
        %sub3A_314 = arith.subf %get3A_64, %sub3A_313 : vector<16xf32>
        %sub3A_315 = vector.broadcast %squeeze3A_310 : f32 to vector<16xf32>
        %sub3A_316 = arith.subf %get3A_120, %sub3A_315 : vector<16xf32>
        %sub3A_317 = vector.broadcast %squeeze3A_312 : f32 to vector<16xf32>
        %sub3A_318 = arith.subf %get3A_176, %sub3A_317 : vector<16xf32>
        %mul3A_319 = arith.mulf %sub3A_314, %sub3A_314 : vector<16xf32>
        %mul3A_320 = arith.mulf %sub3A_316, %sub3A_316 : vector<16xf32>
        %add3A_321 = arith.addf %mul3A_319, %mul3A_320 : vector<16xf32>
        %mul3A_322 = arith.mulf %sub3A_318, %sub3A_318 : vector<16xf32>
        %add3A_323 = arith.addf %add3A_321, %mul3A_322 : vector<16xf32>
        %min3A = arith.minimumf %scan3A_280, %add3A_323 : vector<16xf32>
        %sub3A_324 = vector.broadcast %squeeze3A : f32 to vector<16xf32>
        %sub3A_325 = arith.subf %get3A_71, %sub3A_324 : vector<16xf32>
        %sub3A_326 = vector.broadcast %squeeze3A_310 : f32 to vector<16xf32>
        %sub3A_327 = arith.subf %get3A_127, %sub3A_326 : vector<16xf32>
        %sub3A_328 = vector.broadcast %squeeze3A_312 : f32 to vector<16xf32>
        %sub3A_329 = arith.subf %get3A_183, %sub3A_328 : vector<16xf32>
        %mul3A_330 = arith.mulf %sub3A_325, %sub3A_325 : vector<16xf32>
        %mul3A_331 = arith.mulf %sub3A_327, %sub3A_327 : vector<16xf32>
        %add3A_332 = arith.addf %mul3A_330, %mul3A_331 : vector<16xf32>
        %mul3A_333 = arith.mulf %sub3A_329, %sub3A_329 : vector<16xf32>
        %add3A_334 = arith.addf %add3A_332, %mul3A_333 : vector<16xf32>
        %min3A_335 = arith.minimumf %scan3A_281, %add3A_334 : vector<16xf32>
        %min3A_336 = arith.minimumf %add3A_323, %add3A_334 : vector<16xf32>
        %sub3A_337 = vector.broadcast %squeeze3A : f32 to vector<16xf32>
        %sub3A_338 = arith.subf %get3A_78, %sub3A_337 : vector<16xf32>
        %sub3A_339 = vector.broadcast %squeeze3A_310 : f32 to vector<16xf32>
        %sub3A_340 = arith.subf %get3A_134, %sub3A_339 : vector<16xf32>
        %sub3A_341 = vector.broadcast %squeeze3A_312 : f32 to vector<16xf32>
        %sub3A_342 = arith.subf %get3A_190, %sub3A_341 : vector<16xf32>
        %mul3A_343 = arith.mulf %sub3A_338, %sub3A_338 : vector<16xf32>
        %mul3A_344 = arith.mulf %sub3A_340, %sub3A_340 : vector<16xf32>
        %add3A_345 = arith.addf %mul3A_343, %mul3A_344 : vector<16xf32>
        %mul3A_346 = arith.mulf %sub3A_342, %sub3A_342 : vector<16xf32>
        %add3A_347 = arith.addf %add3A_345, %mul3A_346 : vector<16xf32>
        %min3A_348 = arith.minimumf %scan3A_282, %add3A_347 : vector<16xf32>
        %min3A_349 = arith.minimumf %min3A_336, %add3A_347 : vector<16xf32>
        %sub3A_350 = vector.broadcast %squeeze3A : f32 to vector<16xf32>
        %sub3A_351 = arith.subf %get3A_85, %sub3A_350 : vector<16xf32>
        %sub3A_352 = vector.broadcast %squeeze3A_310 : f32 to vector<16xf32>
        %sub3A_353 = arith.subf %get3A_141, %sub3A_352 : vector<16xf32>
        %sub3A_354 = vector.broadcast %squeeze3A_312 : f32 to vector<16xf32>
        %sub3A_355 = arith.subf %get3A_197, %sub3A_354 : vector<16xf32>
        %mul3A_356 = arith.mulf %sub3A_351, %sub3A_351 : vector<16xf32>
        %mul3A_357 = arith.mulf %sub3A_353, %sub3A_353 : vector<16xf32>
        %add3A_358 = arith.addf %mul3A_356, %mul3A_357 : vector<16xf32>
        %mul3A_359 = arith.mulf %sub3A_355, %sub3A_355 : vector<16xf32>
        %add3A_360 = arith.addf %add3A_358, %mul3A_359 : vector<16xf32>
        %min3A_361 = arith.minimumf %scan3A_283, %add3A_360 : vector<16xf32>
        %min3A_362 = arith.minimumf %min3A_349, %add3A_360 : vector<16xf32>
        %sub3A_363 = vector.broadcast %squeeze3A : f32 to vector<16xf32>
        %sub3A_364 = arith.subf %get3A_92, %sub3A_363 : vector<16xf32>
        %sub3A_365 = vector.broadcast %squeeze3A_310 : f32 to vector<16xf32>
        %sub3A_366 = arith.subf %get3A_148, %sub3A_365 : vector<16xf32>
        %sub3A_367 = vector.broadcast %squeeze3A_312 : f32 to vector<16xf32>
        %sub3A_368 = arith.subf %get3A_204, %sub3A_367 : vector<16xf32>
        %mul3A_369 = arith.mulf %sub3A_364, %sub3A_364 : vector<16xf32>
        %mul3A_370 = arith.mulf %sub3A_366, %sub3A_366 : vector<16xf32>
        %add3A_371 = arith.addf %mul3A_369, %mul3A_370 : vector<16xf32>
        %mul3A_372 = arith.mulf %sub3A_368, %sub3A_368 : vector<16xf32>
        %add3A_373 = arith.addf %add3A_371, %mul3A_372 : vector<16xf32>
        %min3A_374 = arith.minimumf %scan3A_284, %add3A_373 : vector<16xf32>
        %min3A_375 = arith.minimumf %min3A_362, %add3A_373 : vector<16xf32>
        %sub3A_376 = vector.broadcast %squeeze3A : f32 to vector<16xf32>
        %sub3A_377 = arith.subf %get3A_99, %sub3A_376 : vector<16xf32>
        %sub3A_378 = vector.broadcast %squeeze3A_310 : f32 to vector<16xf32>
        %sub3A_379 = arith.subf %get3A_155, %sub3A_378 : vector<16xf32>
        %sub3A_380 = vector.broadcast %squeeze3A_312 : f32 to vector<16xf32>
        %sub3A_381 = arith.subf %get3A_211, %sub3A_380 : vector<16xf32>
        %mul3A_382 = arith.mulf %sub3A_377, %sub3A_377 : vector<16xf32>
        %mul3A_383 = arith.mulf %sub3A_379, %sub3A_379 : vector<16xf32>
        %add3A_384 = arith.addf %mul3A_382, %mul3A_383 : vector<16xf32>
        %mul3A_385 = arith.mulf %sub3A_381, %sub3A_381 : vector<16xf32>
        %add3A_386 = arith.addf %add3A_384, %mul3A_385 : vector<16xf32>
        %min3A_387 = arith.minimumf %scan3A_285, %add3A_386 : vector<16xf32>
        %min3A_388 = arith.minimumf %min3A_375, %add3A_386 : vector<16xf32>
        %sub3A_389 = vector.broadcast %squeeze3A : f32 to vector<16xf32>
        %sub3A_390 = arith.subf %get3A_106, %sub3A_389 : vector<16xf32>
        %sub3A_391 = vector.broadcast %squeeze3A_310 : f32 to vector<16xf32>
        %sub3A_392 = arith.subf %get3A_162, %sub3A_391 : vector<16xf32>
        %sub3A_393 = vector.broadcast %squeeze3A_312 : f32 to vector<16xf32>
        %sub3A_394 = arith.subf %get3A_218, %sub3A_393 : vector<16xf32>
        %mul3A_395 = arith.mulf %sub3A_390, %sub3A_390 : vector<16xf32>
        %mul3A_396 = arith.mulf %sub3A_392, %sub3A_392 : vector<16xf32>
        %add3A_397 = arith.addf %mul3A_395, %mul3A_396 : vector<16xf32>
        %mul3A_398 = arith.mulf %sub3A_394, %sub3A_394 : vector<16xf32>
        %add3A_399 = arith.addf %add3A_397, %mul3A_398 : vector<16xf32>
        %min3A_400 = arith.minimumf %scan3A_286, %add3A_399 : vector<16xf32>
        %min3A_401 = arith.minimumf %min3A_388, %add3A_399 : vector<16xf32>
        %sub3A_402 = vector.broadcast %squeeze3A : f32 to vector<16xf32>
        %sub3A_403 = arith.subf %get3A_113, %sub3A_402 : vector<16xf32>
        %sub3A_404 = vector.broadcast %squeeze3A_310 : f32 to vector<16xf32>
        %sub3A_405 = arith.subf %get3A_169, %sub3A_404 : vector<16xf32>
        %sub3A_406 = vector.broadcast %squeeze3A_312 : f32 to vector<16xf32>
        %sub3A_407 = arith.subf %get3A_225, %sub3A_406 : vector<16xf32>
        %mul3A_408 = arith.mulf %sub3A_403, %sub3A_403 : vector<16xf32>
        %mul3A_409 = arith.mulf %sub3A_405, %sub3A_405 : vector<16xf32>
        %add3A_410 = arith.addf %mul3A_408, %mul3A_409 : vector<16xf32>
        %mul3A_411 = arith.mulf %sub3A_407, %sub3A_407 : vector<16xf32>
        %add3A_412 = arith.addf %add3A_410, %mul3A_411 : vector<16xf32>
        %min3A_413 = arith.minimumf %scan3A_287, %add3A_412 : vector<16xf32>
        %min3A_414 = arith.minimumf %min3A_401, %add3A_412 : vector<16xf32>
        %broadcast_in_dim3A_415 = vector.shape_cast %xor3A_35 : vector<16xi32> to vector<16x1xi32>
        %gather3A = vector.shape_cast %broadcast_in_dim3A_415 : vector<16x1xi32> to vector<16xi32>
        %gather3A_416 = tpu.dynamic_gather %min3A_414[%gather3A] in [0] : vector<16xf32>, vector<16xi32> -> vector<16xf32>
        %min3A_417 = arith.minimumf %min3A_414, %gather3A_416 : vector<16xf32>
        %broadcast_in_dim3A_418 = vector.shape_cast %xor3A_38 : vector<16xi32> to vector<16x1xi32>
        %gather3A_419 = vector.shape_cast %broadcast_in_dim3A_418 : vector<16x1xi32> to vector<16xi32>
        %gather3A_420 = tpu.dynamic_gather %min3A_417[%gather3A_419] in [0] : vector<16xf32>, vector<16xi32> -> vector<16xf32>
        %min3A_421 = arith.minimumf %min3A_417, %gather3A_420 : vector<16xf32>
        %broadcast_in_dim3A_422 = vector.shape_cast %xor3A_41 : vector<16xi32> to vector<16x1xi32>
        %gather3A_423 = vector.shape_cast %broadcast_in_dim3A_422 : vector<16x1xi32> to vector<16xi32>
        %gather3A_424 = tpu.dynamic_gather %min3A_421[%gather3A_423] in [0] : vector<16xf32>, vector<16xi32> -> vector<16xf32>
        %min3A_425 = arith.minimumf %min3A_421, %gather3A_424 : vector<16xf32>
        %broadcast_in_dim3A_426 = vector.shape_cast %xor3A_44 : vector<16xi32> to vector<16x1xi32>
        %gather3A_427 = vector.shape_cast %broadcast_in_dim3A_426 : vector<16x1xi32> to vector<16xi32>
        %gather3A_428 = tpu.dynamic_gather %min3A_425[%gather3A_427] in [0] : vector<16xf32>, vector<16xi32> -> vector<16xf32>
        %min3A_429 = arith.minimumf %min3A_425, %gather3A_428 : vector<16xf32>
        %eq3A_430 = arith.constant 0 : i32
        %eq3A_431 = vector.broadcast %eq3A_430 : i32 to vector<16xi32>
        %eq3A_432 = arith.cmpi eq, %iota3A, %eq3A_431 : vector<16xi32>
        %select_n3A_433 = arith.select %eq3A_432, %min3A_429, %broadcast_in_dim3A_33 : vector<16xi1>, vector<16xf32>
        %slice3A_434 = vector.extract_strided_slice %get3A_294 {offsets = [1], sizes = [1], strides = [1]} : vector<16xf32> to vector<1xf32>
        %squeeze3A_435 = vector.extract %slice3A_434[0] : f32 from vector<1xf32>
        %slice3A_436 = vector.extract_strided_slice %get3A_301 {offsets = [1], sizes = [1], strides = [1]} : vector<16xf32> to vector<1xf32>
        %squeeze3A_437 = vector.extract %slice3A_436[0] : f32 from vector<1xf32>
        %slice3A_438 = vector.extract_strided_slice %get3A_308 {offsets = [1], sizes = [1], strides = [1]} : vector<16xf32> to vector<1xf32>
        %squeeze3A_439 = vector.extract %slice3A_438[0] : f32 from vector<1xf32>
        %sub3A_440 = vector.broadcast %squeeze3A_435 : f32 to vector<16xf32>
        %sub3A_441 = arith.subf %get3A_64, %sub3A_440 : vector<16xf32>
        %sub3A_442 = vector.broadcast %squeeze3A_437 : f32 to vector<16xf32>
        %sub3A_443 = arith.subf %get3A_120, %sub3A_442 : vector<16xf32>
        %sub3A_444 = vector.broadcast %squeeze3A_439 : f32 to vector<16xf32>
        %sub3A_445 = arith.subf %get3A_176, %sub3A_444 : vector<16xf32>
        %mul3A_446 = arith.mulf %sub3A_441, %sub3A_441 : vector<16xf32>
        %mul3A_447 = arith.mulf %sub3A_443, %sub3A_443 : vector<16xf32>
        %add3A_448 = arith.addf %mul3A_446, %mul3A_447 : vector<16xf32>
        %mul3A_449 = arith.mulf %sub3A_445, %sub3A_445 : vector<16xf32>
        %add3A_450 = arith.addf %add3A_448, %mul3A_449 : vector<16xf32>
        %min3A_451 = arith.minimumf %min3A, %add3A_450 : vector<16xf32>
        %sub3A_452 = vector.broadcast %squeeze3A_435 : f32 to vector<16xf32>
        %sub3A_453 = arith.subf %get3A_71, %sub3A_452 : vector<16xf32>
        %sub3A_454 = vector.broadcast %squeeze3A_437 : f32 to vector<16xf32>
        %sub3A_455 = arith.subf %get3A_127, %sub3A_454 : vector<16xf32>
        %sub3A_456 = vector.broadcast %squeeze3A_439 : f32 to vector<16xf32>
        %sub3A_457 = arith.subf %get3A_183, %sub3A_456 : vector<16xf32>
        %mul3A_458 = arith.mulf %sub3A_453, %sub3A_453 : vector<16xf32>
        %mul3A_459 = arith.mulf %sub3A_455, %sub3A_455 : vector<16xf32>
        %add3A_460 = arith.addf %mul3A_458, %mul3A_459 : vector<16xf32>
        %mul3A_461 = arith.mulf %sub3A_457, %sub3A_457 : vector<16xf32>
        %add3A_462 = arith.addf %add3A_460, %mul3A_461 : vector<16xf32>
        %min3A_463 = arith.minimumf %min3A_335, %add3A_462 : vector<16xf32>
        %min3A_464 = arith.minimumf %add3A_450, %add3A_462 : vector<16xf32>
        %sub3A_465 = vector.broadcast %squeeze3A_435 : f32 to vector<16xf32>
        %sub3A_466 = arith.subf %get3A_78, %sub3A_465 : vector<16xf32>
        %sub3A_467 = vector.broadcast %squeeze3A_437 : f32 to vector<16xf32>
        %sub3A_468 = arith.subf %get3A_134, %sub3A_467 : vector<16xf32>
        %sub3A_469 = vector.broadcast %squeeze3A_439 : f32 to vector<16xf32>
        %sub3A_470 = arith.subf %get3A_190, %sub3A_469 : vector<16xf32>
        %mul3A_471 = arith.mulf %sub3A_466, %sub3A_466 : vector<16xf32>
        %mul3A_472 = arith.mulf %sub3A_468, %sub3A_468 : vector<16xf32>
        %add3A_473 = arith.addf %mul3A_471, %mul3A_472 : vector<16xf32>
        %mul3A_474 = arith.mulf %sub3A_470, %sub3A_470 : vector<16xf32>
        %add3A_475 = arith.addf %add3A_473, %mul3A_474 : vector<16xf32>
        %min3A_476 = arith.minimumf %min3A_348, %add3A_475 : vector<16xf32>
        %min3A_477 = arith.minimumf %min3A_464, %add3A_475 : vector<16xf32>
        %sub3A_478 = vector.broadcast %squeeze3A_435 : f32 to vector<16xf32>
        %sub3A_479 = arith.subf %get3A_85, %sub3A_478 : vector<16xf32>
        %sub3A_480 = vector.broadcast %squeeze3A_437 : f32 to vector<16xf32>
        %sub3A_481 = arith.subf %get3A_141, %sub3A_480 : vector<16xf32>
        %sub3A_482 = vector.broadcast %squeeze3A_439 : f32 to vector<16xf32>
        %sub3A_483 = arith.subf %get3A_197, %sub3A_482 : vector<16xf32>
        %mul3A_484 = arith.mulf %sub3A_479, %sub3A_479 : vector<16xf32>
        %mul3A_485 = arith.mulf %sub3A_481, %sub3A_481 : vector<16xf32>
        %add3A_486 = arith.addf %mul3A_484, %mul3A_485 : vector<16xf32>
        %mul3A_487 = arith.mulf %sub3A_483, %sub3A_483 : vector<16xf32>
        %add3A_488 = arith.addf %add3A_486, %mul3A_487 : vector<16xf32>
        %min3A_489 = arith.minimumf %min3A_361, %add3A_488 : vector<16xf32>
        %min3A_490 = arith.minimumf %min3A_477, %add3A_488 : vector<16xf32>
        %sub3A_491 = vector.broadcast %squeeze3A_435 : f32 to vector<16xf32>
        %sub3A_492 = arith.subf %get3A_92, %sub3A_491 : vector<16xf32>
        %sub3A_493 = vector.broadcast %squeeze3A_437 : f32 to vector<16xf32>
        %sub3A_494 = arith.subf %get3A_148, %sub3A_493 : vector<16xf32>
        %sub3A_495 = vector.broadcast %squeeze3A_439 : f32 to vector<16xf32>
        %sub3A_496 = arith.subf %get3A_204, %sub3A_495 : vector<16xf32>
        %mul3A_497 = arith.mulf %sub3A_492, %sub3A_492 : vector<16xf32>
        %mul3A_498 = arith.mulf %sub3A_494, %sub3A_494 : vector<16xf32>
        %add3A_499 = arith.addf %mul3A_497, %mul3A_498 : vector<16xf32>
        %mul3A_500 = arith.mulf %sub3A_496, %sub3A_496 : vector<16xf32>
        %add3A_501 = arith.addf %add3A_499, %mul3A_500 : vector<16xf32>
        %min3A_502 = arith.minimumf %min3A_374, %add3A_501 : vector<16xf32>
        %min3A_503 = arith.minimumf %min3A_490, %add3A_501 : vector<16xf32>
        %sub3A_504 = vector.broadcast %squeeze3A_435 : f32 to vector<16xf32>
        %sub3A_505 = arith.subf %get3A_99, %sub3A_504 : vector<16xf32>
        %sub3A_506 = vector.broadcast %squeeze3A_437 : f32 to vector<16xf32>
        %sub3A_507 = arith.subf %get3A_155, %sub3A_506 : vector<16xf32>
        %sub3A_508 = vector.broadcast %squeeze3A_439 : f32 to vector<16xf32>
        %sub3A_509 = arith.subf %get3A_211, %sub3A_508 : vector<16xf32>
        %mul3A_510 = arith.mulf %sub3A_505, %sub3A_505 : vector<16xf32>
        %mul3A_511 = arith.mulf %sub3A_507, %sub3A_507 : vector<16xf32>
        %add3A_512 = arith.addf %mul3A_510, %mul3A_511 : vector<16xf32>
        %mul3A_513 = arith.mulf %sub3A_509, %sub3A_509 : vector<16xf32>
        %add3A_514 = arith.addf %add3A_512, %mul3A_513 : vector<16xf32>
        %min3A_515 = arith.minimumf %min3A_387, %add3A_514 : vector<16xf32>
        %min3A_516 = arith.minimumf %min3A_503, %add3A_514 : vector<16xf32>
        %sub3A_517 = vector.broadcast %squeeze3A_435 : f32 to vector<16xf32>
        %sub3A_518 = arith.subf %get3A_106, %sub3A_517 : vector<16xf32>
        %sub3A_519 = vector.broadcast %squeeze3A_437 : f32 to vector<16xf32>
        %sub3A_520 = arith.subf %get3A_162, %sub3A_519 : vector<16xf32>
        %sub3A_521 = vector.broadcast %squeeze3A_439 : f32 to vector<16xf32>
        %sub3A_522 = arith.subf %get3A_218, %sub3A_521 : vector<16xf32>
        %mul3A_523 = arith.mulf %sub3A_518, %sub3A_518 : vector<16xf32>
        %mul3A_524 = arith.mulf %sub3A_520, %sub3A_520 : vector<16xf32>
        %add3A_525 = arith.addf %mul3A_523, %mul3A_524 : vector<16xf32>
        %mul3A_526 = arith.mulf %sub3A_522, %sub3A_522 : vector<16xf32>
        %add3A_527 = arith.addf %add3A_525, %mul3A_526 : vector<16xf32>
        %min3A_528 = arith.minimumf %min3A_400, %add3A_527 : vector<16xf32>
        %min3A_529 = arith.minimumf %min3A_516, %add3A_527 : vector<16xf32>
        %sub3A_530 = vector.broadcast %squeeze3A_435 : f32 to vector<16xf32>
        %sub3A_531 = arith.subf %get3A_113, %sub3A_530 : vector<16xf32>
        %sub3A_532 = vector.broadcast %squeeze3A_437 : f32 to vector<16xf32>
        %sub3A_533 = arith.subf %get3A_169, %sub3A_532 : vector<16xf32>
        %sub3A_534 = vector.broadcast %squeeze3A_439 : f32 to vector<16xf32>
        %sub3A_535 = arith.subf %get3A_225, %sub3A_534 : vector<16xf32>
        %mul3A_536 = arith.mulf %sub3A_531, %sub3A_531 : vector<16xf32>
        %mul3A_537 = arith.mulf %sub3A_533, %sub3A_533 : vector<16xf32>
        %add3A_538 = arith.addf %mul3A_536, %mul3A_537 : vector<16xf32>
        %mul3A_539 = arith.mulf %sub3A_535, %sub3A_535 : vector<16xf32>
        %add3A_540 = arith.addf %add3A_538, %mul3A_539 : vector<16xf32>
        %min3A_541 = arith.minimumf %min3A_413, %add3A_540 : vector<16xf32>
        %min3A_542 = arith.minimumf %min3A_529, %add3A_540 : vector<16xf32>
        %broadcast_in_dim3A_543 = vector.shape_cast %xor3A_35 : vector<16xi32> to vector<16x1xi32>
        %gather3A_544 = vector.shape_cast %broadcast_in_dim3A_543 : vector<16x1xi32> to vector<16xi32>
        %gather3A_545 = tpu.dynamic_gather %min3A_542[%gather3A_544] in [0] : vector<16xf32>, vector<16xi32> -> vector<16xf32>
        %min3A_546 = arith.minimumf %min3A_542, %gather3A_545 : vector<16xf32>
        %broadcast_in_dim3A_547 = vector.shape_cast %xor3A_38 : vector<16xi32> to vector<16x1xi32>
        %gather3A_548 = vector.shape_cast %broadcast_in_dim3A_547 : vector<16x1xi32> to vector<16xi32>
        %gather3A_549 = tpu.dynamic_gather %min3A_546[%gather3A_548] in [0] : vector<16xf32>, vector<16xi32> -> vector<16xf32>
        %min3A_550 = arith.minimumf %min3A_546, %gather3A_549 : vector<16xf32>
        %broadcast_in_dim3A_551 = vector.shape_cast %xor3A_41 : vector<16xi32> to vector<16x1xi32>
        %gather3A_552 = vector.shape_cast %broadcast_in_dim3A_551 : vector<16x1xi32> to vector<16xi32>
        %gather3A_553 = tpu.dynamic_gather %min3A_550[%gather3A_552] in [0] : vector<16xf32>, vector<16xi32> -> vector<16xf32>
        %min3A_554 = arith.minimumf %min3A_550, %gather3A_553 : vector<16xf32>
        %broadcast_in_dim3A_555 = vector.shape_cast %xor3A_44 : vector<16xi32> to vector<16x1xi32>
        %gather3A_556 = vector.shape_cast %broadcast_in_dim3A_555 : vector<16x1xi32> to vector<16xi32>
        %gather3A_557 = tpu.dynamic_gather %min3A_554[%gather3A_556] in [0] : vector<16xf32>, vector<16xi32> -> vector<16xf32>
        %min3A_558 = arith.minimumf %min3A_554, %gather3A_557 : vector<16xf32>
        %eq3A_559 = arith.constant 1 : i32
        %eq3A_560 = vector.broadcast %eq3A_559 : i32 to vector<16xi32>
        %eq3A_561 = arith.cmpi eq, %iota3A, %eq3A_560 : vector<16xi32>
        %select_n3A_562 = arith.select %eq3A_561, %min3A_558, %select_n3A_433 : vector<16xi1>, vector<16xf32>
        %slice3A_563 = vector.extract_strided_slice %get3A_294 {offsets = [2], sizes = [1], strides = [1]} : vector<16xf32> to vector<1xf32>
        %squeeze3A_564 = vector.extract %slice3A_563[0] : f32 from vector<1xf32>
        %slice3A_565 = vector.extract_strided_slice %get3A_301 {offsets = [2], sizes = [1], strides = [1]} : vector<16xf32> to vector<1xf32>
        %squeeze3A_566 = vector.extract %slice3A_565[0] : f32 from vector<1xf32>
        %slice3A_567 = vector.extract_strided_slice %get3A_308 {offsets = [2], sizes = [1], strides = [1]} : vector<16xf32> to vector<1xf32>
        %squeeze3A_568 = vector.extract %slice3A_567[0] : f32 from vector<1xf32>
        %sub3A_569 = vector.broadcast %squeeze3A_564 : f32 to vector<16xf32>
        %sub3A_570 = arith.subf %get3A_64, %sub3A_569 : vector<16xf32>
        %sub3A_571 = vector.broadcast %squeeze3A_566 : f32 to vector<16xf32>
        %sub3A_572 = arith.subf %get3A_120, %sub3A_571 : vector<16xf32>
        %sub3A_573 = vector.broadcast %squeeze3A_568 : f32 to vector<16xf32>
        %sub3A_574 = arith.subf %get3A_176, %sub3A_573 : vector<16xf32>
        %mul3A_575 = arith.mulf %sub3A_570, %sub3A_570 : vector<16xf32>
        %mul3A_576 = arith.mulf %sub3A_572, %sub3A_572 : vector<16xf32>
        %add3A_577 = arith.addf %mul3A_575, %mul3A_576 : vector<16xf32>
        %mul3A_578 = arith.mulf %sub3A_574, %sub3A_574 : vector<16xf32>
        %add3A_579 = arith.addf %add3A_577, %mul3A_578 : vector<16xf32>
        %min3A_580 = arith.minimumf %min3A_451, %add3A_579 : vector<16xf32>
        %sub3A_581 = vector.broadcast %squeeze3A_564 : f32 to vector<16xf32>
        %sub3A_582 = arith.subf %get3A_71, %sub3A_581 : vector<16xf32>
        %sub3A_583 = vector.broadcast %squeeze3A_566 : f32 to vector<16xf32>
        %sub3A_584 = arith.subf %get3A_127, %sub3A_583 : vector<16xf32>
        %sub3A_585 = vector.broadcast %squeeze3A_568 : f32 to vector<16xf32>
        %sub3A_586 = arith.subf %get3A_183, %sub3A_585 : vector<16xf32>
        %mul3A_587 = arith.mulf %sub3A_582, %sub3A_582 : vector<16xf32>
        %mul3A_588 = arith.mulf %sub3A_584, %sub3A_584 : vector<16xf32>
        %add3A_589 = arith.addf %mul3A_587, %mul3A_588 : vector<16xf32>
        %mul3A_590 = arith.mulf %sub3A_586, %sub3A_586 : vector<16xf32>
        %add3A_591 = arith.addf %add3A_589, %mul3A_590 : vector<16xf32>
        %min3A_592 = arith.minimumf %min3A_463, %add3A_591 : vector<16xf32>
        %min3A_593 = arith.minimumf %add3A_579, %add3A_591 : vector<16xf32>
        %sub3A_594 = vector.broadcast %squeeze3A_564 : f32 to vector<16xf32>
        %sub3A_595 = arith.subf %get3A_78, %sub3A_594 : vector<16xf32>
        %sub3A_596 = vector.broadcast %squeeze3A_566 : f32 to vector<16xf32>
        %sub3A_597 = arith.subf %get3A_134, %sub3A_596 : vector<16xf32>
        %sub3A_598 = vector.broadcast %squeeze3A_568 : f32 to vector<16xf32>
        %sub3A_599 = arith.subf %get3A_190, %sub3A_598 : vector<16xf32>
        %mul3A_600 = arith.mulf %sub3A_595, %sub3A_595 : vector<16xf32>
        %mul3A_601 = arith.mulf %sub3A_597, %sub3A_597 : vector<16xf32>
        %add3A_602 = arith.addf %mul3A_600, %mul3A_601 : vector<16xf32>
        %mul3A_603 = arith.mulf %sub3A_599, %sub3A_599 : vector<16xf32>
        %add3A_604 = arith.addf %add3A_602, %mul3A_603 : vector<16xf32>
        %min3A_605 = arith.minimumf %min3A_476, %add3A_604 : vector<16xf32>
        %min3A_606 = arith.minimumf %min3A_593, %add3A_604 : vector<16xf32>
        %sub3A_607 = vector.broadcast %squeeze3A_564 : f32 to vector<16xf32>
        %sub3A_608 = arith.subf %get3A_85, %sub3A_607 : vector<16xf32>
        %sub3A_609 = vector.broadcast %squeeze3A_566 : f32 to vector<16xf32>
        %sub3A_610 = arith.subf %get3A_141, %sub3A_609 : vector<16xf32>
        %sub3A_611 = vector.broadcast %squeeze3A_568 : f32 to vector<16xf32>
        %sub3A_612 = arith.subf %get3A_197, %sub3A_611 : vector<16xf32>
        %mul3A_613 = arith.mulf %sub3A_608, %sub3A_608 : vector<16xf32>
        %mul3A_614 = arith.mulf %sub3A_610, %sub3A_610 : vector<16xf32>
        %add3A_615 = arith.addf %mul3A_613, %mul3A_614 : vector<16xf32>
        %mul3A_616 = arith.mulf %sub3A_612, %sub3A_612 : vector<16xf32>
        %add3A_617 = arith.addf %add3A_615, %mul3A_616 : vector<16xf32>
        %min3A_618 = arith.minimumf %min3A_489, %add3A_617 : vector<16xf32>
        %min3A_619 = arith.minimumf %min3A_606, %add3A_617 : vector<16xf32>
        %sub3A_620 = vector.broadcast %squeeze3A_564 : f32 to vector<16xf32>
        %sub3A_621 = arith.subf %get3A_92, %sub3A_620 : vector<16xf32>
        %sub3A_622 = vector.broadcast %squeeze3A_566 : f32 to vector<16xf32>
        %sub3A_623 = arith.subf %get3A_148, %sub3A_622 : vector<16xf32>
        %sub3A_624 = vector.broadcast %squeeze3A_568 : f32 to vector<16xf32>
        %sub3A_625 = arith.subf %get3A_204, %sub3A_624 : vector<16xf32>
        %mul3A_626 = arith.mulf %sub3A_621, %sub3A_621 : vector<16xf32>
        %mul3A_627 = arith.mulf %sub3A_623, %sub3A_623 : vector<16xf32>
        %add3A_628 = arith.addf %mul3A_626, %mul3A_627 : vector<16xf32>
        %mul3A_629 = arith.mulf %sub3A_625, %sub3A_625 : vector<16xf32>
        %add3A_630 = arith.addf %add3A_628, %mul3A_629 : vector<16xf32>
        %min3A_631 = arith.minimumf %min3A_502, %add3A_630 : vector<16xf32>
        %min3A_632 = arith.minimumf %min3A_619, %add3A_630 : vector<16xf32>
        %sub3A_633 = vector.broadcast %squeeze3A_564 : f32 to vector<16xf32>
        %sub3A_634 = arith.subf %get3A_99, %sub3A_633 : vector<16xf32>
        %sub3A_635 = vector.broadcast %squeeze3A_566 : f32 to vector<16xf32>
        %sub3A_636 = arith.subf %get3A_155, %sub3A_635 : vector<16xf32>
        %sub3A_637 = vector.broadcast %squeeze3A_568 : f32 to vector<16xf32>
        %sub3A_638 = arith.subf %get3A_211, %sub3A_637 : vector<16xf32>
        %mul3A_639 = arith.mulf %sub3A_634, %sub3A_634 : vector<16xf32>
        %mul3A_640 = arith.mulf %sub3A_636, %sub3A_636 : vector<16xf32>
        %add3A_641 = arith.addf %mul3A_639, %mul3A_640 : vector<16xf32>
        %mul3A_642 = arith.mulf %sub3A_638, %sub3A_638 : vector<16xf32>
        %add3A_643 = arith.addf %add3A_641, %mul3A_642 : vector<16xf32>
        %min3A_644 = arith.minimumf %min3A_515, %add3A_643 : vector<16xf32>
        %min3A_645 = arith.minimumf %min3A_632, %add3A_643 : vector<16xf32>
        %sub3A_646 = vector.broadcast %squeeze3A_564 : f32 to vector<16xf32>
        %sub3A_647 = arith.subf %get3A_106, %sub3A_646 : vector<16xf32>
        %sub3A_648 = vector.broadcast %squeeze3A_566 : f32 to vector<16xf32>
        %sub3A_649 = arith.subf %get3A_162, %sub3A_648 : vector<16xf32>
        %sub3A_650 = vector.broadcast %squeeze3A_568 : f32 to vector<16xf32>
        %sub3A_651 = arith.subf %get3A_218, %sub3A_650 : vector<16xf32>
        %mul3A_652 = arith.mulf %sub3A_647, %sub3A_647 : vector<16xf32>
        %mul3A_653 = arith.mulf %sub3A_649, %sub3A_649 : vector<16xf32>
        %add3A_654 = arith.addf %mul3A_652, %mul3A_653 : vector<16xf32>
        %mul3A_655 = arith.mulf %sub3A_651, %sub3A_651 : vector<16xf32>
        %add3A_656 = arith.addf %add3A_654, %mul3A_655 : vector<16xf32>
        %min3A_657 = arith.minimumf %min3A_528, %add3A_656 : vector<16xf32>
        %min3A_658 = arith.minimumf %min3A_645, %add3A_656 : vector<16xf32>
        %sub3A_659 = vector.broadcast %squeeze3A_564 : f32 to vector<16xf32>
        %sub3A_660 = arith.subf %get3A_113, %sub3A_659 : vector<16xf32>
        %sub3A_661 = vector.broadcast %squeeze3A_566 : f32 to vector<16xf32>
        %sub3A_662 = arith.subf %get3A_169, %sub3A_661 : vector<16xf32>
        %sub3A_663 = vector.broadcast %squeeze3A_568 : f32 to vector<16xf32>
        %sub3A_664 = arith.subf %get3A_225, %sub3A_663 : vector<16xf32>
        %mul3A_665 = arith.mulf %sub3A_660, %sub3A_660 : vector<16xf32>
        %mul3A_666 = arith.mulf %sub3A_662, %sub3A_662 : vector<16xf32>
        %add3A_667 = arith.addf %mul3A_665, %mul3A_666 : vector<16xf32>
        %mul3A_668 = arith.mulf %sub3A_664, %sub3A_664 : vector<16xf32>
        %add3A_669 = arith.addf %add3A_667, %mul3A_668 : vector<16xf32>
        %min3A_670 = arith.minimumf %min3A_541, %add3A_669 : vector<16xf32>
        %min3A_671 = arith.minimumf %min3A_658, %add3A_669 : vector<16xf32>
        %broadcast_in_dim3A_672 = vector.shape_cast %xor3A_35 : vector<16xi32> to vector<16x1xi32>
        %gather3A_673 = vector.shape_cast %broadcast_in_dim3A_672 : vector<16x1xi32> to vector<16xi32>
        %gather3A_674 = tpu.dynamic_gather %min3A_671[%gather3A_673] in [0] : vector<16xf32>, vector<16xi32> -> vector<16xf32>
        %min3A_675 = arith.minimumf %min3A_671, %gather3A_674 : vector<16xf32>
        %broadcast_in_dim3A_676 = vector.shape_cast %xor3A_38 : vector<16xi32> to vector<16x1xi32>
        %gather3A_677 = vector.shape_cast %broadcast_in_dim3A_676 : vector<16x1xi32> to vector<16xi32>
        %gather3A_678 = tpu.dynamic_gather %min3A_675[%gather3A_677] in [0] : vector<16xf32>, vector<16xi32> -> vector<16xf32>
        %min3A_679 = arith.minimumf %min3A_675, %gather3A_678 : vector<16xf32>
        %broadcast_in_dim3A_680 = vector.shape_cast %xor3A_41 : vector<16xi32> to vector<16x1xi32>
        %gather3A_681 = vector.shape_cast %broadcast_in_dim3A_680 : vector<16x1xi32> to vector<16xi32>
        %gather3A_682 = tpu.dynamic_gather %min3A_679[%gather3A_681] in [0] : vector<16xf32>, vector<16xi32> -> vector<16xf32>
        %min3A_683 = arith.minimumf %min3A_679, %gather3A_682 : vector<16xf32>
        %broadcast_in_dim3A_684 = vector.shape_cast %xor3A_44 : vector<16xi32> to vector<16x1xi32>
        %gather3A_685 = vector.shape_cast %broadcast_in_dim3A_684 : vector<16x1xi32> to vector<16xi32>
        %gather3A_686 = tpu.dynamic_gather %min3A_683[%gather3A_685] in [0] : vector<16xf32>, vector<16xi32> -> vector<16xf32>
        %min3A_687 = arith.minimumf %min3A_683, %gather3A_686 : vector<16xf32>
        %eq3A_688 = arith.constant 2 : i32
        %eq3A_689 = vector.broadcast %eq3A_688 : i32 to vector<16xi32>
        %eq3A_690 = arith.cmpi eq, %iota3A, %eq3A_689 : vector<16xi32>
        %select_n3A_691 = arith.select %eq3A_690, %min3A_687, %select_n3A_562 : vector<16xi1>, vector<16xf32>
        %slice3A_692 = vector.extract_strided_slice %get3A_294 {offsets = [3], sizes = [1], strides = [1]} : vector<16xf32> to vector<1xf32>
        %squeeze3A_693 = vector.extract %slice3A_692[0] : f32 from vector<1xf32>
        %slice3A_694 = vector.extract_strided_slice %get3A_301 {offsets = [3], sizes = [1], strides = [1]} : vector<16xf32> to vector<1xf32>
        %squeeze3A_695 = vector.extract %slice3A_694[0] : f32 from vector<1xf32>
        %slice3A_696 = vector.extract_strided_slice %get3A_308 {offsets = [3], sizes = [1], strides = [1]} : vector<16xf32> to vector<1xf32>
        %squeeze3A_697 = vector.extract %slice3A_696[0] : f32 from vector<1xf32>
        %sub3A_698 = vector.broadcast %squeeze3A_693 : f32 to vector<16xf32>
        %sub3A_699 = arith.subf %get3A_64, %sub3A_698 : vector<16xf32>
        %sub3A_700 = vector.broadcast %squeeze3A_695 : f32 to vector<16xf32>
        %sub3A_701 = arith.subf %get3A_120, %sub3A_700 : vector<16xf32>
        %sub3A_702 = vector.broadcast %squeeze3A_697 : f32 to vector<16xf32>
        %sub3A_703 = arith.subf %get3A_176, %sub3A_702 : vector<16xf32>
        %mul3A_704 = arith.mulf %sub3A_699, %sub3A_699 : vector<16xf32>
        %mul3A_705 = arith.mulf %sub3A_701, %sub3A_701 : vector<16xf32>
        %add3A_706 = arith.addf %mul3A_704, %mul3A_705 : vector<16xf32>
        %mul3A_707 = arith.mulf %sub3A_703, %sub3A_703 : vector<16xf32>
        %add3A_708 = arith.addf %add3A_706, %mul3A_707 : vector<16xf32>
        %min3A_709 = arith.minimumf %min3A_580, %add3A_708 : vector<16xf32>
        %sub3A_710 = vector.broadcast %squeeze3A_693 : f32 to vector<16xf32>
        %sub3A_711 = arith.subf %get3A_71, %sub3A_710 : vector<16xf32>
        %sub3A_712 = vector.broadcast %squeeze3A_695 : f32 to vector<16xf32>
        %sub3A_713 = arith.subf %get3A_127, %sub3A_712 : vector<16xf32>
        %sub3A_714 = vector.broadcast %squeeze3A_697 : f32 to vector<16xf32>
        %sub3A_715 = arith.subf %get3A_183, %sub3A_714 : vector<16xf32>
        %mul3A_716 = arith.mulf %sub3A_711, %sub3A_711 : vector<16xf32>
        %mul3A_717 = arith.mulf %sub3A_713, %sub3A_713 : vector<16xf32>
        %add3A_718 = arith.addf %mul3A_716, %mul3A_717 : vector<16xf32>
        %mul3A_719 = arith.mulf %sub3A_715, %sub3A_715 : vector<16xf32>
        %add3A_720 = arith.addf %add3A_718, %mul3A_719 : vector<16xf32>
        %min3A_721 = arith.minimumf %min3A_592, %add3A_720 : vector<16xf32>
        %min3A_722 = arith.minimumf %add3A_708, %add3A_720 : vector<16xf32>
        %sub3A_723 = vector.broadcast %squeeze3A_693 : f32 to vector<16xf32>
        %sub3A_724 = arith.subf %get3A_78, %sub3A_723 : vector<16xf32>
        %sub3A_725 = vector.broadcast %squeeze3A_695 : f32 to vector<16xf32>
        %sub3A_726 = arith.subf %get3A_134, %sub3A_725 : vector<16xf32>
        %sub3A_727 = vector.broadcast %squeeze3A_697 : f32 to vector<16xf32>
        %sub3A_728 = arith.subf %get3A_190, %sub3A_727 : vector<16xf32>
        %mul3A_729 = arith.mulf %sub3A_724, %sub3A_724 : vector<16xf32>
        %mul3A_730 = arith.mulf %sub3A_726, %sub3A_726 : vector<16xf32>
        %add3A_731 = arith.addf %mul3A_729, %mul3A_730 : vector<16xf32>
        %mul3A_732 = arith.mulf %sub3A_728, %sub3A_728 : vector<16xf32>
        %add3A_733 = arith.addf %add3A_731, %mul3A_732 : vector<16xf32>
        %min3A_734 = arith.minimumf %min3A_605, %add3A_733 : vector<16xf32>
        %min3A_735 = arith.minimumf %min3A_722, %add3A_733 : vector<16xf32>
        %sub3A_736 = vector.broadcast %squeeze3A_693 : f32 to vector<16xf32>
        %sub3A_737 = arith.subf %get3A_85, %sub3A_736 : vector<16xf32>
        %sub3A_738 = vector.broadcast %squeeze3A_695 : f32 to vector<16xf32>
        %sub3A_739 = arith.subf %get3A_141, %sub3A_738 : vector<16xf32>
        %sub3A_740 = vector.broadcast %squeeze3A_697 : f32 to vector<16xf32>
        %sub3A_741 = arith.subf %get3A_197, %sub3A_740 : vector<16xf32>
        %mul3A_742 = arith.mulf %sub3A_737, %sub3A_737 : vector<16xf32>
        %mul3A_743 = arith.mulf %sub3A_739, %sub3A_739 : vector<16xf32>
        %add3A_744 = arith.addf %mul3A_742, %mul3A_743 : vector<16xf32>
        %mul3A_745 = arith.mulf %sub3A_741, %sub3A_741 : vector<16xf32>
        %add3A_746 = arith.addf %add3A_744, %mul3A_745 : vector<16xf32>
        %min3A_747 = arith.minimumf %min3A_618, %add3A_746 : vector<16xf32>
        %min3A_748 = arith.minimumf %min3A_735, %add3A_746 : vector<16xf32>
        %sub3A_749 = vector.broadcast %squeeze3A_693 : f32 to vector<16xf32>
        %sub3A_750 = arith.subf %get3A_92, %sub3A_749 : vector<16xf32>
        %sub3A_751 = vector.broadcast %squeeze3A_695 : f32 to vector<16xf32>
        %sub3A_752 = arith.subf %get3A_148, %sub3A_751 : vector<16xf32>
        %sub3A_753 = vector.broadcast %squeeze3A_697 : f32 to vector<16xf32>
        %sub3A_754 = arith.subf %get3A_204, %sub3A_753 : vector<16xf32>
        %mul3A_755 = arith.mulf %sub3A_750, %sub3A_750 : vector<16xf32>
        %mul3A_756 = arith.mulf %sub3A_752, %sub3A_752 : vector<16xf32>
        %add3A_757 = arith.addf %mul3A_755, %mul3A_756 : vector<16xf32>
        %mul3A_758 = arith.mulf %sub3A_754, %sub3A_754 : vector<16xf32>
        %add3A_759 = arith.addf %add3A_757, %mul3A_758 : vector<16xf32>
        %min3A_760 = arith.minimumf %min3A_631, %add3A_759 : vector<16xf32>
        %min3A_761 = arith.minimumf %min3A_748, %add3A_759 : vector<16xf32>
        %sub3A_762 = vector.broadcast %squeeze3A_693 : f32 to vector<16xf32>
        %sub3A_763 = arith.subf %get3A_99, %sub3A_762 : vector<16xf32>
        %sub3A_764 = vector.broadcast %squeeze3A_695 : f32 to vector<16xf32>
        %sub3A_765 = arith.subf %get3A_155, %sub3A_764 : vector<16xf32>
        %sub3A_766 = vector.broadcast %squeeze3A_697 : f32 to vector<16xf32>
        %sub3A_767 = arith.subf %get3A_211, %sub3A_766 : vector<16xf32>
        %mul3A_768 = arith.mulf %sub3A_763, %sub3A_763 : vector<16xf32>
        %mul3A_769 = arith.mulf %sub3A_765, %sub3A_765 : vector<16xf32>
        %add3A_770 = arith.addf %mul3A_768, %mul3A_769 : vector<16xf32>
        %mul3A_771 = arith.mulf %sub3A_767, %sub3A_767 : vector<16xf32>
        %add3A_772 = arith.addf %add3A_770, %mul3A_771 : vector<16xf32>
        %min3A_773 = arith.minimumf %min3A_644, %add3A_772 : vector<16xf32>
        %min3A_774 = arith.minimumf %min3A_761, %add3A_772 : vector<16xf32>
        %sub3A_775 = vector.broadcast %squeeze3A_693 : f32 to vector<16xf32>
        %sub3A_776 = arith.subf %get3A_106, %sub3A_775 : vector<16xf32>
        %sub3A_777 = vector.broadcast %squeeze3A_695 : f32 to vector<16xf32>
        %sub3A_778 = arith.subf %get3A_162, %sub3A_777 : vector<16xf32>
        %sub3A_779 = vector.broadcast %squeeze3A_697 : f32 to vector<16xf32>
        %sub3A_780 = arith.subf %get3A_218, %sub3A_779 : vector<16xf32>
        %mul3A_781 = arith.mulf %sub3A_776, %sub3A_776 : vector<16xf32>
        %mul3A_782 = arith.mulf %sub3A_778, %sub3A_778 : vector<16xf32>
        %add3A_783 = arith.addf %mul3A_781, %mul3A_782 : vector<16xf32>
        %mul3A_784 = arith.mulf %sub3A_780, %sub3A_780 : vector<16xf32>
        %add3A_785 = arith.addf %add3A_783, %mul3A_784 : vector<16xf32>
        %min3A_786 = arith.minimumf %min3A_657, %add3A_785 : vector<16xf32>
        %min3A_787 = arith.minimumf %min3A_774, %add3A_785 : vector<16xf32>
        %sub3A_788 = vector.broadcast %squeeze3A_693 : f32 to vector<16xf32>
        %sub3A_789 = arith.subf %get3A_113, %sub3A_788 : vector<16xf32>
        %sub3A_790 = vector.broadcast %squeeze3A_695 : f32 to vector<16xf32>
        %sub3A_791 = arith.subf %get3A_169, %sub3A_790 : vector<16xf32>
        %sub3A_792 = vector.broadcast %squeeze3A_697 : f32 to vector<16xf32>
        %sub3A_793 = arith.subf %get3A_225, %sub3A_792 : vector<16xf32>
        %mul3A_794 = arith.mulf %sub3A_789, %sub3A_789 : vector<16xf32>
        %mul3A_795 = arith.mulf %sub3A_791, %sub3A_791 : vector<16xf32>
        %add3A_796 = arith.addf %mul3A_794, %mul3A_795 : vector<16xf32>
        %mul3A_797 = arith.mulf %sub3A_793, %sub3A_793 : vector<16xf32>
        %add3A_798 = arith.addf %add3A_796, %mul3A_797 : vector<16xf32>
        %min3A_799 = arith.minimumf %min3A_670, %add3A_798 : vector<16xf32>
        %min3A_800 = arith.minimumf %min3A_787, %add3A_798 : vector<16xf32>
        %broadcast_in_dim3A_801 = vector.shape_cast %xor3A_35 : vector<16xi32> to vector<16x1xi32>
        %gather3A_802 = vector.shape_cast %broadcast_in_dim3A_801 : vector<16x1xi32> to vector<16xi32>
        %gather3A_803 = tpu.dynamic_gather %min3A_800[%gather3A_802] in [0] : vector<16xf32>, vector<16xi32> -> vector<16xf32>
        %min3A_804 = arith.minimumf %min3A_800, %gather3A_803 : vector<16xf32>
        %broadcast_in_dim3A_805 = vector.shape_cast %xor3A_38 : vector<16xi32> to vector<16x1xi32>
        %gather3A_806 = vector.shape_cast %broadcast_in_dim3A_805 : vector<16x1xi32> to vector<16xi32>
        %gather3A_807 = tpu.dynamic_gather %min3A_804[%gather3A_806] in [0] : vector<16xf32>, vector<16xi32> -> vector<16xf32>
        %min3A_808 = arith.minimumf %min3A_804, %gather3A_807 : vector<16xf32>
        %broadcast_in_dim3A_809 = vector.shape_cast %xor3A_41 : vector<16xi32> to vector<16x1xi32>
        %gather3A_810 = vector.shape_cast %broadcast_in_dim3A_809 : vector<16x1xi32> to vector<16xi32>
        %gather3A_811 = tpu.dynamic_gather %min3A_808[%gather3A_810] in [0] : vector<16xf32>, vector<16xi32> -> vector<16xf32>
        %min3A_812 = arith.minimumf %min3A_808, %gather3A_811 : vector<16xf32>
        %broadcast_in_dim3A_813 = vector.shape_cast %xor3A_44 : vector<16xi32> to vector<16x1xi32>
        %gather3A_814 = vector.shape_cast %broadcast_in_dim3A_813 : vector<16x1xi32> to vector<16xi32>
        %gather3A_815 = tpu.dynamic_gather %min3A_812[%gather3A_814] in [0] : vector<16xf32>, vector<16xi32> -> vector<16xf32>
        %min3A_816 = arith.minimumf %min3A_812, %gather3A_815 : vector<16xf32>
        %eq3A_817 = arith.constant 3 : i32
        %eq3A_818 = vector.broadcast %eq3A_817 : i32 to vector<16xi32>
        %eq3A_819 = arith.cmpi eq, %iota3A, %eq3A_818 : vector<16xi32>
        %select_n3A_820 = arith.select %eq3A_819, %min3A_816, %select_n3A_691 : vector<16xi1>, vector<16xf32>
        %slice3A_821 = vector.extract_strided_slice %get3A_294 {offsets = [4], sizes = [1], strides = [1]} : vector<16xf32> to vector<1xf32>
        %squeeze3A_822 = vector.extract %slice3A_821[0] : f32 from vector<1xf32>
        %slice3A_823 = vector.extract_strided_slice %get3A_301 {offsets = [4], sizes = [1], strides = [1]} : vector<16xf32> to vector<1xf32>
        %squeeze3A_824 = vector.extract %slice3A_823[0] : f32 from vector<1xf32>
        %slice3A_825 = vector.extract_strided_slice %get3A_308 {offsets = [4], sizes = [1], strides = [1]} : vector<16xf32> to vector<1xf32>
        %squeeze3A_826 = vector.extract %slice3A_825[0] : f32 from vector<1xf32>
        %sub3A_827 = vector.broadcast %squeeze3A_822 : f32 to vector<16xf32>
        %sub3A_828 = arith.subf %get3A_64, %sub3A_827 : vector<16xf32>
        %sub3A_829 = vector.broadcast %squeeze3A_824 : f32 to vector<16xf32>
        %sub3A_830 = arith.subf %get3A_120, %sub3A_829 : vector<16xf32>
        %sub3A_831 = vector.broadcast %squeeze3A_826 : f32 to vector<16xf32>
        %sub3A_832 = arith.subf %get3A_176, %sub3A_831 : vector<16xf32>
        %mul3A_833 = arith.mulf %sub3A_828, %sub3A_828 : vector<16xf32>
        %mul3A_834 = arith.mulf %sub3A_830, %sub3A_830 : vector<16xf32>
        %add3A_835 = arith.addf %mul3A_833, %mul3A_834 : vector<16xf32>
        %mul3A_836 = arith.mulf %sub3A_832, %sub3A_832 : vector<16xf32>
        %add3A_837 = arith.addf %add3A_835, %mul3A_836 : vector<16xf32>
        %min3A_838 = arith.minimumf %min3A_709, %add3A_837 : vector<16xf32>
        %sub3A_839 = vector.broadcast %squeeze3A_822 : f32 to vector<16xf32>
        %sub3A_840 = arith.subf %get3A_71, %sub3A_839 : vector<16xf32>
        %sub3A_841 = vector.broadcast %squeeze3A_824 : f32 to vector<16xf32>
        %sub3A_842 = arith.subf %get3A_127, %sub3A_841 : vector<16xf32>
        %sub3A_843 = vector.broadcast %squeeze3A_826 : f32 to vector<16xf32>
        %sub3A_844 = arith.subf %get3A_183, %sub3A_843 : vector<16xf32>
        %mul3A_845 = arith.mulf %sub3A_840, %sub3A_840 : vector<16xf32>
        %mul3A_846 = arith.mulf %sub3A_842, %sub3A_842 : vector<16xf32>
        %add3A_847 = arith.addf %mul3A_845, %mul3A_846 : vector<16xf32>
        %mul3A_848 = arith.mulf %sub3A_844, %sub3A_844 : vector<16xf32>
        %add3A_849 = arith.addf %add3A_847, %mul3A_848 : vector<16xf32>
        %min3A_850 = arith.minimumf %min3A_721, %add3A_849 : vector<16xf32>
        %min3A_851 = arith.minimumf %add3A_837, %add3A_849 : vector<16xf32>
        %sub3A_852 = vector.broadcast %squeeze3A_822 : f32 to vector<16xf32>
        %sub3A_853 = arith.subf %get3A_78, %sub3A_852 : vector<16xf32>
        %sub3A_854 = vector.broadcast %squeeze3A_824 : f32 to vector<16xf32>
        %sub3A_855 = arith.subf %get3A_134, %sub3A_854 : vector<16xf32>
        %sub3A_856 = vector.broadcast %squeeze3A_826 : f32 to vector<16xf32>
        %sub3A_857 = arith.subf %get3A_190, %sub3A_856 : vector<16xf32>
        %mul3A_858 = arith.mulf %sub3A_853, %sub3A_853 : vector<16xf32>
        %mul3A_859 = arith.mulf %sub3A_855, %sub3A_855 : vector<16xf32>
        %add3A_860 = arith.addf %mul3A_858, %mul3A_859 : vector<16xf32>
        %mul3A_861 = arith.mulf %sub3A_857, %sub3A_857 : vector<16xf32>
        %add3A_862 = arith.addf %add3A_860, %mul3A_861 : vector<16xf32>
        %min3A_863 = arith.minimumf %min3A_734, %add3A_862 : vector<16xf32>
        %min3A_864 = arith.minimumf %min3A_851, %add3A_862 : vector<16xf32>
        %sub3A_865 = vector.broadcast %squeeze3A_822 : f32 to vector<16xf32>
        %sub3A_866 = arith.subf %get3A_85, %sub3A_865 : vector<16xf32>
        %sub3A_867 = vector.broadcast %squeeze3A_824 : f32 to vector<16xf32>
        %sub3A_868 = arith.subf %get3A_141, %sub3A_867 : vector<16xf32>
        %sub3A_869 = vector.broadcast %squeeze3A_826 : f32 to vector<16xf32>
        %sub3A_870 = arith.subf %get3A_197, %sub3A_869 : vector<16xf32>
        %mul3A_871 = arith.mulf %sub3A_866, %sub3A_866 : vector<16xf32>
        %mul3A_872 = arith.mulf %sub3A_868, %sub3A_868 : vector<16xf32>
        %add3A_873 = arith.addf %mul3A_871, %mul3A_872 : vector<16xf32>
        %mul3A_874 = arith.mulf %sub3A_870, %sub3A_870 : vector<16xf32>
        %add3A_875 = arith.addf %add3A_873, %mul3A_874 : vector<16xf32>
        %min3A_876 = arith.minimumf %min3A_747, %add3A_875 : vector<16xf32>
        %min3A_877 = arith.minimumf %min3A_864, %add3A_875 : vector<16xf32>
        %sub3A_878 = vector.broadcast %squeeze3A_822 : f32 to vector<16xf32>
        %sub3A_879 = arith.subf %get3A_92, %sub3A_878 : vector<16xf32>
        %sub3A_880 = vector.broadcast %squeeze3A_824 : f32 to vector<16xf32>
        %sub3A_881 = arith.subf %get3A_148, %sub3A_880 : vector<16xf32>
        %sub3A_882 = vector.broadcast %squeeze3A_826 : f32 to vector<16xf32>
        %sub3A_883 = arith.subf %get3A_204, %sub3A_882 : vector<16xf32>
        %mul3A_884 = arith.mulf %sub3A_879, %sub3A_879 : vector<16xf32>
        %mul3A_885 = arith.mulf %sub3A_881, %sub3A_881 : vector<16xf32>
        %add3A_886 = arith.addf %mul3A_884, %mul3A_885 : vector<16xf32>
        %mul3A_887 = arith.mulf %sub3A_883, %sub3A_883 : vector<16xf32>
        %add3A_888 = arith.addf %add3A_886, %mul3A_887 : vector<16xf32>
        %min3A_889 = arith.minimumf %min3A_760, %add3A_888 : vector<16xf32>
        %min3A_890 = arith.minimumf %min3A_877, %add3A_888 : vector<16xf32>
        %sub3A_891 = vector.broadcast %squeeze3A_822 : f32 to vector<16xf32>
        %sub3A_892 = arith.subf %get3A_99, %sub3A_891 : vector<16xf32>
        %sub3A_893 = vector.broadcast %squeeze3A_824 : f32 to vector<16xf32>
        %sub3A_894 = arith.subf %get3A_155, %sub3A_893 : vector<16xf32>
        %sub3A_895 = vector.broadcast %squeeze3A_826 : f32 to vector<16xf32>
        %sub3A_896 = arith.subf %get3A_211, %sub3A_895 : vector<16xf32>
        %mul3A_897 = arith.mulf %sub3A_892, %sub3A_892 : vector<16xf32>
        %mul3A_898 = arith.mulf %sub3A_894, %sub3A_894 : vector<16xf32>
        %add3A_899 = arith.addf %mul3A_897, %mul3A_898 : vector<16xf32>
        %mul3A_900 = arith.mulf %sub3A_896, %sub3A_896 : vector<16xf32>
        %add3A_901 = arith.addf %add3A_899, %mul3A_900 : vector<16xf32>
        %min3A_902 = arith.minimumf %min3A_773, %add3A_901 : vector<16xf32>
        %min3A_903 = arith.minimumf %min3A_890, %add3A_901 : vector<16xf32>
        %sub3A_904 = vector.broadcast %squeeze3A_822 : f32 to vector<16xf32>
        %sub3A_905 = arith.subf %get3A_106, %sub3A_904 : vector<16xf32>
        %sub3A_906 = vector.broadcast %squeeze3A_824 : f32 to vector<16xf32>
        %sub3A_907 = arith.subf %get3A_162, %sub3A_906 : vector<16xf32>
        %sub3A_908 = vector.broadcast %squeeze3A_826 : f32 to vector<16xf32>
        %sub3A_909 = arith.subf %get3A_218, %sub3A_908 : vector<16xf32>
        %mul3A_910 = arith.mulf %sub3A_905, %sub3A_905 : vector<16xf32>
        %mul3A_911 = arith.mulf %sub3A_907, %sub3A_907 : vector<16xf32>
        %add3A_912 = arith.addf %mul3A_910, %mul3A_911 : vector<16xf32>
        %mul3A_913 = arith.mulf %sub3A_909, %sub3A_909 : vector<16xf32>
        %add3A_914 = arith.addf %add3A_912, %mul3A_913 : vector<16xf32>
        %min3A_915 = arith.minimumf %min3A_786, %add3A_914 : vector<16xf32>
        %min3A_916 = arith.minimumf %min3A_903, %add3A_914 : vector<16xf32>
        %sub3A_917 = vector.broadcast %squeeze3A_822 : f32 to vector<16xf32>
        %sub3A_918 = arith.subf %get3A_113, %sub3A_917 : vector<16xf32>
        %sub3A_919 = vector.broadcast %squeeze3A_824 : f32 to vector<16xf32>
        %sub3A_920 = arith.subf %get3A_169, %sub3A_919 : vector<16xf32>
        %sub3A_921 = vector.broadcast %squeeze3A_826 : f32 to vector<16xf32>
        %sub3A_922 = arith.subf %get3A_225, %sub3A_921 : vector<16xf32>
        %mul3A_923 = arith.mulf %sub3A_918, %sub3A_918 : vector<16xf32>
        %mul3A_924 = arith.mulf %sub3A_920, %sub3A_920 : vector<16xf32>
        %add3A_925 = arith.addf %mul3A_923, %mul3A_924 : vector<16xf32>
        %mul3A_926 = arith.mulf %sub3A_922, %sub3A_922 : vector<16xf32>
        %add3A_927 = arith.addf %add3A_925, %mul3A_926 : vector<16xf32>
        %min3A_928 = arith.minimumf %min3A_799, %add3A_927 : vector<16xf32>
        %min3A_929 = arith.minimumf %min3A_916, %add3A_927 : vector<16xf32>
        %broadcast_in_dim3A_930 = vector.shape_cast %xor3A_35 : vector<16xi32> to vector<16x1xi32>
        %gather3A_931 = vector.shape_cast %broadcast_in_dim3A_930 : vector<16x1xi32> to vector<16xi32>
        %gather3A_932 = tpu.dynamic_gather %min3A_929[%gather3A_931] in [0] : vector<16xf32>, vector<16xi32> -> vector<16xf32>
        %min3A_933 = arith.minimumf %min3A_929, %gather3A_932 : vector<16xf32>
        %broadcast_in_dim3A_934 = vector.shape_cast %xor3A_38 : vector<16xi32> to vector<16x1xi32>
        %gather3A_935 = vector.shape_cast %broadcast_in_dim3A_934 : vector<16x1xi32> to vector<16xi32>
        %gather3A_936 = tpu.dynamic_gather %min3A_933[%gather3A_935] in [0] : vector<16xf32>, vector<16xi32> -> vector<16xf32>
        %min3A_937 = arith.minimumf %min3A_933, %gather3A_936 : vector<16xf32>
        %broadcast_in_dim3A_938 = vector.shape_cast %xor3A_41 : vector<16xi32> to vector<16x1xi32>
        %gather3A_939 = vector.shape_cast %broadcast_in_dim3A_938 : vector<16x1xi32> to vector<16xi32>
        %gather3A_940 = tpu.dynamic_gather %min3A_937[%gather3A_939] in [0] : vector<16xf32>, vector<16xi32> -> vector<16xf32>
        %min3A_941 = arith.minimumf %min3A_937, %gather3A_940 : vector<16xf32>
        %broadcast_in_dim3A_942 = vector.shape_cast %xor3A_44 : vector<16xi32> to vector<16x1xi32>
        %gather3A_943 = vector.shape_cast %broadcast_in_dim3A_942 : vector<16x1xi32> to vector<16xi32>
        %gather3A_944 = tpu.dynamic_gather %min3A_941[%gather3A_943] in [0] : vector<16xf32>, vector<16xi32> -> vector<16xf32>
        %min3A_945 = arith.minimumf %min3A_941, %gather3A_944 : vector<16xf32>
        %eq3A_946 = arith.constant 4 : i32
        %eq3A_947 = vector.broadcast %eq3A_946 : i32 to vector<16xi32>
        %eq3A_948 = arith.cmpi eq, %iota3A, %eq3A_947 : vector<16xi32>
        %select_n3A_949 = arith.select %eq3A_948, %min3A_945, %select_n3A_820 : vector<16xi1>, vector<16xf32>
        %slice3A_950 = vector.extract_strided_slice %get3A_294 {offsets = [5], sizes = [1], strides = [1]} : vector<16xf32> to vector<1xf32>
        %squeeze3A_951 = vector.extract %slice3A_950[0] : f32 from vector<1xf32>
        %slice3A_952 = vector.extract_strided_slice %get3A_301 {offsets = [5], sizes = [1], strides = [1]} : vector<16xf32> to vector<1xf32>
        %squeeze3A_953 = vector.extract %slice3A_952[0] : f32 from vector<1xf32>
        %slice3A_954 = vector.extract_strided_slice %get3A_308 {offsets = [5], sizes = [1], strides = [1]} : vector<16xf32> to vector<1xf32>
        %squeeze3A_955 = vector.extract %slice3A_954[0] : f32 from vector<1xf32>
        %sub3A_956 = vector.broadcast %squeeze3A_951 : f32 to vector<16xf32>
        %sub3A_957 = arith.subf %get3A_64, %sub3A_956 : vector<16xf32>
        %sub3A_958 = vector.broadcast %squeeze3A_953 : f32 to vector<16xf32>
        %sub3A_959 = arith.subf %get3A_120, %sub3A_958 : vector<16xf32>
        %sub3A_960 = vector.broadcast %squeeze3A_955 : f32 to vector<16xf32>
        %sub3A_961 = arith.subf %get3A_176, %sub3A_960 : vector<16xf32>
        %mul3A_962 = arith.mulf %sub3A_957, %sub3A_957 : vector<16xf32>
        %mul3A_963 = arith.mulf %sub3A_959, %sub3A_959 : vector<16xf32>
        %add3A_964 = arith.addf %mul3A_962, %mul3A_963 : vector<16xf32>
        %mul3A_965 = arith.mulf %sub3A_961, %sub3A_961 : vector<16xf32>
        %add3A_966 = arith.addf %add3A_964, %mul3A_965 : vector<16xf32>
        %min3A_967 = arith.minimumf %min3A_838, %add3A_966 : vector<16xf32>
        %sub3A_968 = vector.broadcast %squeeze3A_951 : f32 to vector<16xf32>
        %sub3A_969 = arith.subf %get3A_71, %sub3A_968 : vector<16xf32>
        %sub3A_970 = vector.broadcast %squeeze3A_953 : f32 to vector<16xf32>
        %sub3A_971 = arith.subf %get3A_127, %sub3A_970 : vector<16xf32>
        %sub3A_972 = vector.broadcast %squeeze3A_955 : f32 to vector<16xf32>
        %sub3A_973 = arith.subf %get3A_183, %sub3A_972 : vector<16xf32>
        %mul3A_974 = arith.mulf %sub3A_969, %sub3A_969 : vector<16xf32>
        %mul3A_975 = arith.mulf %sub3A_971, %sub3A_971 : vector<16xf32>
        %add3A_976 = arith.addf %mul3A_974, %mul3A_975 : vector<16xf32>
        %mul3A_977 = arith.mulf %sub3A_973, %sub3A_973 : vector<16xf32>
        %add3A_978 = arith.addf %add3A_976, %mul3A_977 : vector<16xf32>
        %min3A_979 = arith.minimumf %min3A_850, %add3A_978 : vector<16xf32>
        %min3A_980 = arith.minimumf %add3A_966, %add3A_978 : vector<16xf32>
        %sub3A_981 = vector.broadcast %squeeze3A_951 : f32 to vector<16xf32>
        %sub3A_982 = arith.subf %get3A_78, %sub3A_981 : vector<16xf32>
        %sub3A_983 = vector.broadcast %squeeze3A_953 : f32 to vector<16xf32>
        %sub3A_984 = arith.subf %get3A_134, %sub3A_983 : vector<16xf32>
        %sub3A_985 = vector.broadcast %squeeze3A_955 : f32 to vector<16xf32>
        %sub3A_986 = arith.subf %get3A_190, %sub3A_985 : vector<16xf32>
        %mul3A_987 = arith.mulf %sub3A_982, %sub3A_982 : vector<16xf32>
        %mul3A_988 = arith.mulf %sub3A_984, %sub3A_984 : vector<16xf32>
        %add3A_989 = arith.addf %mul3A_987, %mul3A_988 : vector<16xf32>
        %mul3A_990 = arith.mulf %sub3A_986, %sub3A_986 : vector<16xf32>
        %add3A_991 = arith.addf %add3A_989, %mul3A_990 : vector<16xf32>
        %min3A_992 = arith.minimumf %min3A_863, %add3A_991 : vector<16xf32>
        %min3A_993 = arith.minimumf %min3A_980, %add3A_991 : vector<16xf32>
        %sub3A_994 = vector.broadcast %squeeze3A_951 : f32 to vector<16xf32>
        %sub3A_995 = arith.subf %get3A_85, %sub3A_994 : vector<16xf32>
        %sub3A_996 = vector.broadcast %squeeze3A_953 : f32 to vector<16xf32>
        %sub3A_997 = arith.subf %get3A_141, %sub3A_996 : vector<16xf32>
        %sub3A_998 = vector.broadcast %squeeze3A_955 : f32 to vector<16xf32>
        %sub3A_999 = arith.subf %get3A_197, %sub3A_998 : vector<16xf32>
        %mul3A_1000 = arith.mulf %sub3A_995, %sub3A_995 : vector<16xf32>
        %mul3A_1001 = arith.mulf %sub3A_997, %sub3A_997 : vector<16xf32>
        %add3A_1002 = arith.addf %mul3A_1000, %mul3A_1001 : vector<16xf32>
        %mul3A_1003 = arith.mulf %sub3A_999, %sub3A_999 : vector<16xf32>
        %add3A_1004 = arith.addf %add3A_1002, %mul3A_1003 : vector<16xf32>
        %min3A_1005 = arith.minimumf %min3A_876, %add3A_1004 : vector<16xf32>
        %min3A_1006 = arith.minimumf %min3A_993, %add3A_1004 : vector<16xf32>
        %sub3A_1007 = vector.broadcast %squeeze3A_951 : f32 to vector<16xf32>
        %sub3A_1008 = arith.subf %get3A_92, %sub3A_1007 : vector<16xf32>
        %sub3A_1009 = vector.broadcast %squeeze3A_953 : f32 to vector<16xf32>
        %sub3A_1010 = arith.subf %get3A_148, %sub3A_1009 : vector<16xf32>
        %sub3A_1011 = vector.broadcast %squeeze3A_955 : f32 to vector<16xf32>
        %sub3A_1012 = arith.subf %get3A_204, %sub3A_1011 : vector<16xf32>
        %mul3A_1013 = arith.mulf %sub3A_1008, %sub3A_1008 : vector<16xf32>
        %mul3A_1014 = arith.mulf %sub3A_1010, %sub3A_1010 : vector<16xf32>
        %add3A_1015 = arith.addf %mul3A_1013, %mul3A_1014 : vector<16xf32>
        %mul3A_1016 = arith.mulf %sub3A_1012, %sub3A_1012 : vector<16xf32>
        %add3A_1017 = arith.addf %add3A_1015, %mul3A_1016 : vector<16xf32>
        %min3A_1018 = arith.minimumf %min3A_889, %add3A_1017 : vector<16xf32>
        %min3A_1019 = arith.minimumf %min3A_1006, %add3A_1017 : vector<16xf32>
        %sub3A_1020 = vector.broadcast %squeeze3A_951 : f32 to vector<16xf32>
        %sub3A_1021 = arith.subf %get3A_99, %sub3A_1020 : vector<16xf32>
        %sub3A_1022 = vector.broadcast %squeeze3A_953 : f32 to vector<16xf32>
        %sub3A_1023 = arith.subf %get3A_155, %sub3A_1022 : vector<16xf32>
        %sub3A_1024 = vector.broadcast %squeeze3A_955 : f32 to vector<16xf32>
        %sub3A_1025 = arith.subf %get3A_211, %sub3A_1024 : vector<16xf32>
        %mul3A_1026 = arith.mulf %sub3A_1021, %sub3A_1021 : vector<16xf32>
        %mul3A_1027 = arith.mulf %sub3A_1023, %sub3A_1023 : vector<16xf32>
        %add3A_1028 = arith.addf %mul3A_1026, %mul3A_1027 : vector<16xf32>
        %mul3A_1029 = arith.mulf %sub3A_1025, %sub3A_1025 : vector<16xf32>
        %add3A_1030 = arith.addf %add3A_1028, %mul3A_1029 : vector<16xf32>
        %min3A_1031 = arith.minimumf %min3A_902, %add3A_1030 : vector<16xf32>
        %min3A_1032 = arith.minimumf %min3A_1019, %add3A_1030 : vector<16xf32>
        %sub3A_1033 = vector.broadcast %squeeze3A_951 : f32 to vector<16xf32>
        %sub3A_1034 = arith.subf %get3A_106, %sub3A_1033 : vector<16xf32>
        %sub3A_1035 = vector.broadcast %squeeze3A_953 : f32 to vector<16xf32>
        %sub3A_1036 = arith.subf %get3A_162, %sub3A_1035 : vector<16xf32>
        %sub3A_1037 = vector.broadcast %squeeze3A_955 : f32 to vector<16xf32>
        %sub3A_1038 = arith.subf %get3A_218, %sub3A_1037 : vector<16xf32>
        %mul3A_1039 = arith.mulf %sub3A_1034, %sub3A_1034 : vector<16xf32>
        %mul3A_1040 = arith.mulf %sub3A_1036, %sub3A_1036 : vector<16xf32>
        %add3A_1041 = arith.addf %mul3A_1039, %mul3A_1040 : vector<16xf32>
        %mul3A_1042 = arith.mulf %sub3A_1038, %sub3A_1038 : vector<16xf32>
        %add3A_1043 = arith.addf %add3A_1041, %mul3A_1042 : vector<16xf32>
        %min3A_1044 = arith.minimumf %min3A_915, %add3A_1043 : vector<16xf32>
        %min3A_1045 = arith.minimumf %min3A_1032, %add3A_1043 : vector<16xf32>
        %sub3A_1046 = vector.broadcast %squeeze3A_951 : f32 to vector<16xf32>
        %sub3A_1047 = arith.subf %get3A_113, %sub3A_1046 : vector<16xf32>
        %sub3A_1048 = vector.broadcast %squeeze3A_953 : f32 to vector<16xf32>
        %sub3A_1049 = arith.subf %get3A_169, %sub3A_1048 : vector<16xf32>
        %sub3A_1050 = vector.broadcast %squeeze3A_955 : f32 to vector<16xf32>
        %sub3A_1051 = arith.subf %get3A_225, %sub3A_1050 : vector<16xf32>
        %mul3A_1052 = arith.mulf %sub3A_1047, %sub3A_1047 : vector<16xf32>
        %mul3A_1053 = arith.mulf %sub3A_1049, %sub3A_1049 : vector<16xf32>
        %add3A_1054 = arith.addf %mul3A_1052, %mul3A_1053 : vector<16xf32>
        %mul3A_1055 = arith.mulf %sub3A_1051, %sub3A_1051 : vector<16xf32>
        %add3A_1056 = arith.addf %add3A_1054, %mul3A_1055 : vector<16xf32>
        %min3A_1057 = arith.minimumf %min3A_928, %add3A_1056 : vector<16xf32>
        %min3A_1058 = arith.minimumf %min3A_1045, %add3A_1056 : vector<16xf32>
        %broadcast_in_dim3A_1059 = vector.shape_cast %xor3A_35 : vector<16xi32> to vector<16x1xi32>
        %gather3A_1060 = vector.shape_cast %broadcast_in_dim3A_1059 : vector<16x1xi32> to vector<16xi32>
        %gather3A_1061 = tpu.dynamic_gather %min3A_1058[%gather3A_1060] in [0] : vector<16xf32>, vector<16xi32> -> vector<16xf32>
        %min3A_1062 = arith.minimumf %min3A_1058, %gather3A_1061 : vector<16xf32>
        %broadcast_in_dim3A_1063 = vector.shape_cast %xor3A_38 : vector<16xi32> to vector<16x1xi32>
        %gather3A_1064 = vector.shape_cast %broadcast_in_dim3A_1063 : vector<16x1xi32> to vector<16xi32>
        %gather3A_1065 = tpu.dynamic_gather %min3A_1062[%gather3A_1064] in [0] : vector<16xf32>, vector<16xi32> -> vector<16xf32>
        %min3A_1066 = arith.minimumf %min3A_1062, %gather3A_1065 : vector<16xf32>
        %broadcast_in_dim3A_1067 = vector.shape_cast %xor3A_41 : vector<16xi32> to vector<16x1xi32>
        %gather3A_1068 = vector.shape_cast %broadcast_in_dim3A_1067 : vector<16x1xi32> to vector<16xi32>
        %gather3A_1069 = tpu.dynamic_gather %min3A_1066[%gather3A_1068] in [0] : vector<16xf32>, vector<16xi32> -> vector<16xf32>
        %min3A_1070 = arith.minimumf %min3A_1066, %gather3A_1069 : vector<16xf32>
        %broadcast_in_dim3A_1071 = vector.shape_cast %xor3A_44 : vector<16xi32> to vector<16x1xi32>
        %gather3A_1072 = vector.shape_cast %broadcast_in_dim3A_1071 : vector<16x1xi32> to vector<16xi32>
        %gather3A_1073 = tpu.dynamic_gather %min3A_1070[%gather3A_1072] in [0] : vector<16xf32>, vector<16xi32> -> vector<16xf32>
        %min3A_1074 = arith.minimumf %min3A_1070, %gather3A_1073 : vector<16xf32>
        %eq3A_1075 = arith.constant 5 : i32
        %eq3A_1076 = vector.broadcast %eq3A_1075 : i32 to vector<16xi32>
        %eq3A_1077 = arith.cmpi eq, %iota3A, %eq3A_1076 : vector<16xi32>
        %select_n3A_1078 = arith.select %eq3A_1077, %min3A_1074, %select_n3A_949 : vector<16xi1>, vector<16xf32>
        %slice3A_1079 = vector.extract_strided_slice %get3A_294 {offsets = [6], sizes = [1], strides = [1]} : vector<16xf32> to vector<1xf32>
        %squeeze3A_1080 = vector.extract %slice3A_1079[0] : f32 from vector<1xf32>
        %slice3A_1081 = vector.extract_strided_slice %get3A_301 {offsets = [6], sizes = [1], strides = [1]} : vector<16xf32> to vector<1xf32>
        %squeeze3A_1082 = vector.extract %slice3A_1081[0] : f32 from vector<1xf32>
        %slice3A_1083 = vector.extract_strided_slice %get3A_308 {offsets = [6], sizes = [1], strides = [1]} : vector<16xf32> to vector<1xf32>
        %squeeze3A_1084 = vector.extract %slice3A_1083[0] : f32 from vector<1xf32>
        %sub3A_1085 = vector.broadcast %squeeze3A_1080 : f32 to vector<16xf32>
        %sub3A_1086 = arith.subf %get3A_64, %sub3A_1085 : vector<16xf32>
        %sub3A_1087 = vector.broadcast %squeeze3A_1082 : f32 to vector<16xf32>
        %sub3A_1088 = arith.subf %get3A_120, %sub3A_1087 : vector<16xf32>
        %sub3A_1089 = vector.broadcast %squeeze3A_1084 : f32 to vector<16xf32>
        %sub3A_1090 = arith.subf %get3A_176, %sub3A_1089 : vector<16xf32>
        %mul3A_1091 = arith.mulf %sub3A_1086, %sub3A_1086 : vector<16xf32>
        %mul3A_1092 = arith.mulf %sub3A_1088, %sub3A_1088 : vector<16xf32>
        %add3A_1093 = arith.addf %mul3A_1091, %mul3A_1092 : vector<16xf32>
        %mul3A_1094 = arith.mulf %sub3A_1090, %sub3A_1090 : vector<16xf32>
        %add3A_1095 = arith.addf %add3A_1093, %mul3A_1094 : vector<16xf32>
        %min3A_1096 = arith.minimumf %min3A_967, %add3A_1095 : vector<16xf32>
        %sub3A_1097 = vector.broadcast %squeeze3A_1080 : f32 to vector<16xf32>
        %sub3A_1098 = arith.subf %get3A_71, %sub3A_1097 : vector<16xf32>
        %sub3A_1099 = vector.broadcast %squeeze3A_1082 : f32 to vector<16xf32>
        %sub3A_1100 = arith.subf %get3A_127, %sub3A_1099 : vector<16xf32>
        %sub3A_1101 = vector.broadcast %squeeze3A_1084 : f32 to vector<16xf32>
        %sub3A_1102 = arith.subf %get3A_183, %sub3A_1101 : vector<16xf32>
        %mul3A_1103 = arith.mulf %sub3A_1098, %sub3A_1098 : vector<16xf32>
        %mul3A_1104 = arith.mulf %sub3A_1100, %sub3A_1100 : vector<16xf32>
        %add3A_1105 = arith.addf %mul3A_1103, %mul3A_1104 : vector<16xf32>
        %mul3A_1106 = arith.mulf %sub3A_1102, %sub3A_1102 : vector<16xf32>
        %add3A_1107 = arith.addf %add3A_1105, %mul3A_1106 : vector<16xf32>
        %min3A_1108 = arith.minimumf %min3A_979, %add3A_1107 : vector<16xf32>
        %min3A_1109 = arith.minimumf %add3A_1095, %add3A_1107 : vector<16xf32>
        %sub3A_1110 = vector.broadcast %squeeze3A_1080 : f32 to vector<16xf32>
        %sub3A_1111 = arith.subf %get3A_78, %sub3A_1110 : vector<16xf32>
        %sub3A_1112 = vector.broadcast %squeeze3A_1082 : f32 to vector<16xf32>
        %sub3A_1113 = arith.subf %get3A_134, %sub3A_1112 : vector<16xf32>
        %sub3A_1114 = vector.broadcast %squeeze3A_1084 : f32 to vector<16xf32>
        %sub3A_1115 = arith.subf %get3A_190, %sub3A_1114 : vector<16xf32>
        %mul3A_1116 = arith.mulf %sub3A_1111, %sub3A_1111 : vector<16xf32>
        %mul3A_1117 = arith.mulf %sub3A_1113, %sub3A_1113 : vector<16xf32>
        %add3A_1118 = arith.addf %mul3A_1116, %mul3A_1117 : vector<16xf32>
        %mul3A_1119 = arith.mulf %sub3A_1115, %sub3A_1115 : vector<16xf32>
        %add3A_1120 = arith.addf %add3A_1118, %mul3A_1119 : vector<16xf32>
        %min3A_1121 = arith.minimumf %min3A_992, %add3A_1120 : vector<16xf32>
        %min3A_1122 = arith.minimumf %min3A_1109, %add3A_1120 : vector<16xf32>
        %sub3A_1123 = vector.broadcast %squeeze3A_1080 : f32 to vector<16xf32>
        %sub3A_1124 = arith.subf %get3A_85, %sub3A_1123 : vector<16xf32>
        %sub3A_1125 = vector.broadcast %squeeze3A_1082 : f32 to vector<16xf32>
        %sub3A_1126 = arith.subf %get3A_141, %sub3A_1125 : vector<16xf32>
        %sub3A_1127 = vector.broadcast %squeeze3A_1084 : f32 to vector<16xf32>
        %sub3A_1128 = arith.subf %get3A_197, %sub3A_1127 : vector<16xf32>
        %mul3A_1129 = arith.mulf %sub3A_1124, %sub3A_1124 : vector<16xf32>
        %mul3A_1130 = arith.mulf %sub3A_1126, %sub3A_1126 : vector<16xf32>
        %add3A_1131 = arith.addf %mul3A_1129, %mul3A_1130 : vector<16xf32>
        %mul3A_1132 = arith.mulf %sub3A_1128, %sub3A_1128 : vector<16xf32>
        %add3A_1133 = arith.addf %add3A_1131, %mul3A_1132 : vector<16xf32>
        %min3A_1134 = arith.minimumf %min3A_1005, %add3A_1133 : vector<16xf32>
        %min3A_1135 = arith.minimumf %min3A_1122, %add3A_1133 : vector<16xf32>
        %sub3A_1136 = vector.broadcast %squeeze3A_1080 : f32 to vector<16xf32>
        %sub3A_1137 = arith.subf %get3A_92, %sub3A_1136 : vector<16xf32>
        %sub3A_1138 = vector.broadcast %squeeze3A_1082 : f32 to vector<16xf32>
        %sub3A_1139 = arith.subf %get3A_148, %sub3A_1138 : vector<16xf32>
        %sub3A_1140 = vector.broadcast %squeeze3A_1084 : f32 to vector<16xf32>
        %sub3A_1141 = arith.subf %get3A_204, %sub3A_1140 : vector<16xf32>
        %mul3A_1142 = arith.mulf %sub3A_1137, %sub3A_1137 : vector<16xf32>
        %mul3A_1143 = arith.mulf %sub3A_1139, %sub3A_1139 : vector<16xf32>
        %add3A_1144 = arith.addf %mul3A_1142, %mul3A_1143 : vector<16xf32>
        %mul3A_1145 = arith.mulf %sub3A_1141, %sub3A_1141 : vector<16xf32>
        %add3A_1146 = arith.addf %add3A_1144, %mul3A_1145 : vector<16xf32>
        %min3A_1147 = arith.minimumf %min3A_1018, %add3A_1146 : vector<16xf32>
        %min3A_1148 = arith.minimumf %min3A_1135, %add3A_1146 : vector<16xf32>
        %sub3A_1149 = vector.broadcast %squeeze3A_1080 : f32 to vector<16xf32>
        %sub3A_1150 = arith.subf %get3A_99, %sub3A_1149 : vector<16xf32>
        %sub3A_1151 = vector.broadcast %squeeze3A_1082 : f32 to vector<16xf32>
        %sub3A_1152 = arith.subf %get3A_155, %sub3A_1151 : vector<16xf32>
        %sub3A_1153 = vector.broadcast %squeeze3A_1084 : f32 to vector<16xf32>
        %sub3A_1154 = arith.subf %get3A_211, %sub3A_1153 : vector<16xf32>
        %mul3A_1155 = arith.mulf %sub3A_1150, %sub3A_1150 : vector<16xf32>
        %mul3A_1156 = arith.mulf %sub3A_1152, %sub3A_1152 : vector<16xf32>
        %add3A_1157 = arith.addf %mul3A_1155, %mul3A_1156 : vector<16xf32>
        %mul3A_1158 = arith.mulf %sub3A_1154, %sub3A_1154 : vector<16xf32>
        %add3A_1159 = arith.addf %add3A_1157, %mul3A_1158 : vector<16xf32>
        %min3A_1160 = arith.minimumf %min3A_1031, %add3A_1159 : vector<16xf32>
        %min3A_1161 = arith.minimumf %min3A_1148, %add3A_1159 : vector<16xf32>
        %sub3A_1162 = vector.broadcast %squeeze3A_1080 : f32 to vector<16xf32>
        %sub3A_1163 = arith.subf %get3A_106, %sub3A_1162 : vector<16xf32>
        %sub3A_1164 = vector.broadcast %squeeze3A_1082 : f32 to vector<16xf32>
        %sub3A_1165 = arith.subf %get3A_162, %sub3A_1164 : vector<16xf32>
        %sub3A_1166 = vector.broadcast %squeeze3A_1084 : f32 to vector<16xf32>
        %sub3A_1167 = arith.subf %get3A_218, %sub3A_1166 : vector<16xf32>
        %mul3A_1168 = arith.mulf %sub3A_1163, %sub3A_1163 : vector<16xf32>
        %mul3A_1169 = arith.mulf %sub3A_1165, %sub3A_1165 : vector<16xf32>
        %add3A_1170 = arith.addf %mul3A_1168, %mul3A_1169 : vector<16xf32>
        %mul3A_1171 = arith.mulf %sub3A_1167, %sub3A_1167 : vector<16xf32>
        %add3A_1172 = arith.addf %add3A_1170, %mul3A_1171 : vector<16xf32>
        %min3A_1173 = arith.minimumf %min3A_1044, %add3A_1172 : vector<16xf32>
        %min3A_1174 = arith.minimumf %min3A_1161, %add3A_1172 : vector<16xf32>
        %sub3A_1175 = vector.broadcast %squeeze3A_1080 : f32 to vector<16xf32>
        %sub3A_1176 = arith.subf %get3A_113, %sub3A_1175 : vector<16xf32>
        %sub3A_1177 = vector.broadcast %squeeze3A_1082 : f32 to vector<16xf32>
        %sub3A_1178 = arith.subf %get3A_169, %sub3A_1177 : vector<16xf32>
        %sub3A_1179 = vector.broadcast %squeeze3A_1084 : f32 to vector<16xf32>
        %sub3A_1180 = arith.subf %get3A_225, %sub3A_1179 : vector<16xf32>
        %mul3A_1181 = arith.mulf %sub3A_1176, %sub3A_1176 : vector<16xf32>
        %mul3A_1182 = arith.mulf %sub3A_1178, %sub3A_1178 : vector<16xf32>
        %add3A_1183 = arith.addf %mul3A_1181, %mul3A_1182 : vector<16xf32>
        %mul3A_1184 = arith.mulf %sub3A_1180, %sub3A_1180 : vector<16xf32>
        %add3A_1185 = arith.addf %add3A_1183, %mul3A_1184 : vector<16xf32>
        %min3A_1186 = arith.minimumf %min3A_1057, %add3A_1185 : vector<16xf32>
        %min3A_1187 = arith.minimumf %min3A_1174, %add3A_1185 : vector<16xf32>
        %broadcast_in_dim3A_1188 = vector.shape_cast %xor3A_35 : vector<16xi32> to vector<16x1xi32>
        %gather3A_1189 = vector.shape_cast %broadcast_in_dim3A_1188 : vector<16x1xi32> to vector<16xi32>
        %gather3A_1190 = tpu.dynamic_gather %min3A_1187[%gather3A_1189] in [0] : vector<16xf32>, vector<16xi32> -> vector<16xf32>
        %min3A_1191 = arith.minimumf %min3A_1187, %gather3A_1190 : vector<16xf32>
        %broadcast_in_dim3A_1192 = vector.shape_cast %xor3A_38 : vector<16xi32> to vector<16x1xi32>
        %gather3A_1193 = vector.shape_cast %broadcast_in_dim3A_1192 : vector<16x1xi32> to vector<16xi32>
        %gather3A_1194 = tpu.dynamic_gather %min3A_1191[%gather3A_1193] in [0] : vector<16xf32>, vector<16xi32> -> vector<16xf32>
        %min3A_1195 = arith.minimumf %min3A_1191, %gather3A_1194 : vector<16xf32>
        %broadcast_in_dim3A_1196 = vector.shape_cast %xor3A_41 : vector<16xi32> to vector<16x1xi32>
        %gather3A_1197 = vector.shape_cast %broadcast_in_dim3A_1196 : vector<16x1xi32> to vector<16xi32>
        %gather3A_1198 = tpu.dynamic_gather %min3A_1195[%gather3A_1197] in [0] : vector<16xf32>, vector<16xi32> -> vector<16xf32>
        %min3A_1199 = arith.minimumf %min3A_1195, %gather3A_1198 : vector<16xf32>
        %broadcast_in_dim3A_1200 = vector.shape_cast %xor3A_44 : vector<16xi32> to vector<16x1xi32>
        %gather3A_1201 = vector.shape_cast %broadcast_in_dim3A_1200 : vector<16x1xi32> to vector<16xi32>
        %gather3A_1202 = tpu.dynamic_gather %min3A_1199[%gather3A_1201] in [0] : vector<16xf32>, vector<16xi32> -> vector<16xf32>
        %min3A_1203 = arith.minimumf %min3A_1199, %gather3A_1202 : vector<16xf32>
        %eq3A_1204 = arith.constant 6 : i32
        %eq3A_1205 = vector.broadcast %eq3A_1204 : i32 to vector<16xi32>
        %eq3A_1206 = arith.cmpi eq, %iota3A, %eq3A_1205 : vector<16xi32>
        %select_n3A_1207 = arith.select %eq3A_1206, %min3A_1203, %select_n3A_1078 : vector<16xi1>, vector<16xf32>
        %slice3A_1208 = vector.extract_strided_slice %get3A_294 {offsets = [7], sizes = [1], strides = [1]} : vector<16xf32> to vector<1xf32>
        %squeeze3A_1209 = vector.extract %slice3A_1208[0] : f32 from vector<1xf32>
        %slice3A_1210 = vector.extract_strided_slice %get3A_301 {offsets = [7], sizes = [1], strides = [1]} : vector<16xf32> to vector<1xf32>
        %squeeze3A_1211 = vector.extract %slice3A_1210[0] : f32 from vector<1xf32>
        %slice3A_1212 = vector.extract_strided_slice %get3A_308 {offsets = [7], sizes = [1], strides = [1]} : vector<16xf32> to vector<1xf32>
        %squeeze3A_1213 = vector.extract %slice3A_1212[0] : f32 from vector<1xf32>
        %sub3A_1214 = vector.broadcast %squeeze3A_1209 : f32 to vector<16xf32>
        %sub3A_1215 = arith.subf %get3A_64, %sub3A_1214 : vector<16xf32>
        %sub3A_1216 = vector.broadcast %squeeze3A_1211 : f32 to vector<16xf32>
        %sub3A_1217 = arith.subf %get3A_120, %sub3A_1216 : vector<16xf32>
        %sub3A_1218 = vector.broadcast %squeeze3A_1213 : f32 to vector<16xf32>
        %sub3A_1219 = arith.subf %get3A_176, %sub3A_1218 : vector<16xf32>
        %mul3A_1220 = arith.mulf %sub3A_1215, %sub3A_1215 : vector<16xf32>
        %mul3A_1221 = arith.mulf %sub3A_1217, %sub3A_1217 : vector<16xf32>
        %add3A_1222 = arith.addf %mul3A_1220, %mul3A_1221 : vector<16xf32>
        %mul3A_1223 = arith.mulf %sub3A_1219, %sub3A_1219 : vector<16xf32>
        %add3A_1224 = arith.addf %add3A_1222, %mul3A_1223 : vector<16xf32>
        %min3A_1225 = arith.minimumf %min3A_1096, %add3A_1224 : vector<16xf32>
        %sub3A_1226 = vector.broadcast %squeeze3A_1209 : f32 to vector<16xf32>
        %sub3A_1227 = arith.subf %get3A_71, %sub3A_1226 : vector<16xf32>
        %sub3A_1228 = vector.broadcast %squeeze3A_1211 : f32 to vector<16xf32>
        %sub3A_1229 = arith.subf %get3A_127, %sub3A_1228 : vector<16xf32>
        %sub3A_1230 = vector.broadcast %squeeze3A_1213 : f32 to vector<16xf32>
        %sub3A_1231 = arith.subf %get3A_183, %sub3A_1230 : vector<16xf32>
        %mul3A_1232 = arith.mulf %sub3A_1227, %sub3A_1227 : vector<16xf32>
        %mul3A_1233 = arith.mulf %sub3A_1229, %sub3A_1229 : vector<16xf32>
        %add3A_1234 = arith.addf %mul3A_1232, %mul3A_1233 : vector<16xf32>
        %mul3A_1235 = arith.mulf %sub3A_1231, %sub3A_1231 : vector<16xf32>
        %add3A_1236 = arith.addf %add3A_1234, %mul3A_1235 : vector<16xf32>
        %min3A_1237 = arith.minimumf %min3A_1108, %add3A_1236 : vector<16xf32>
        %min3A_1238 = arith.minimumf %add3A_1224, %add3A_1236 : vector<16xf32>
        %sub3A_1239 = vector.broadcast %squeeze3A_1209 : f32 to vector<16xf32>
        %sub3A_1240 = arith.subf %get3A_78, %sub3A_1239 : vector<16xf32>
        %sub3A_1241 = vector.broadcast %squeeze3A_1211 : f32 to vector<16xf32>
        %sub3A_1242 = arith.subf %get3A_134, %sub3A_1241 : vector<16xf32>
        %sub3A_1243 = vector.broadcast %squeeze3A_1213 : f32 to vector<16xf32>
        %sub3A_1244 = arith.subf %get3A_190, %sub3A_1243 : vector<16xf32>
        %mul3A_1245 = arith.mulf %sub3A_1240, %sub3A_1240 : vector<16xf32>
        %mul3A_1246 = arith.mulf %sub3A_1242, %sub3A_1242 : vector<16xf32>
        %add3A_1247 = arith.addf %mul3A_1245, %mul3A_1246 : vector<16xf32>
        %mul3A_1248 = arith.mulf %sub3A_1244, %sub3A_1244 : vector<16xf32>
        %add3A_1249 = arith.addf %add3A_1247, %mul3A_1248 : vector<16xf32>
        %min3A_1250 = arith.minimumf %min3A_1121, %add3A_1249 : vector<16xf32>
        %min3A_1251 = arith.minimumf %min3A_1238, %add3A_1249 : vector<16xf32>
        %sub3A_1252 = vector.broadcast %squeeze3A_1209 : f32 to vector<16xf32>
        %sub3A_1253 = arith.subf %get3A_85, %sub3A_1252 : vector<16xf32>
        %sub3A_1254 = vector.broadcast %squeeze3A_1211 : f32 to vector<16xf32>
        %sub3A_1255 = arith.subf %get3A_141, %sub3A_1254 : vector<16xf32>
        %sub3A_1256 = vector.broadcast %squeeze3A_1213 : f32 to vector<16xf32>
        %sub3A_1257 = arith.subf %get3A_197, %sub3A_1256 : vector<16xf32>
        %mul3A_1258 = arith.mulf %sub3A_1253, %sub3A_1253 : vector<16xf32>
        %mul3A_1259 = arith.mulf %sub3A_1255, %sub3A_1255 : vector<16xf32>
        %add3A_1260 = arith.addf %mul3A_1258, %mul3A_1259 : vector<16xf32>
        %mul3A_1261 = arith.mulf %sub3A_1257, %sub3A_1257 : vector<16xf32>
        %add3A_1262 = arith.addf %add3A_1260, %mul3A_1261 : vector<16xf32>
        %min3A_1263 = arith.minimumf %min3A_1134, %add3A_1262 : vector<16xf32>
        %min3A_1264 = arith.minimumf %min3A_1251, %add3A_1262 : vector<16xf32>
        %sub3A_1265 = vector.broadcast %squeeze3A_1209 : f32 to vector<16xf32>
        %sub3A_1266 = arith.subf %get3A_92, %sub3A_1265 : vector<16xf32>
        %sub3A_1267 = vector.broadcast %squeeze3A_1211 : f32 to vector<16xf32>
        %sub3A_1268 = arith.subf %get3A_148, %sub3A_1267 : vector<16xf32>
        %sub3A_1269 = vector.broadcast %squeeze3A_1213 : f32 to vector<16xf32>
        %sub3A_1270 = arith.subf %get3A_204, %sub3A_1269 : vector<16xf32>
        %mul3A_1271 = arith.mulf %sub3A_1266, %sub3A_1266 : vector<16xf32>
        %mul3A_1272 = arith.mulf %sub3A_1268, %sub3A_1268 : vector<16xf32>
        %add3A_1273 = arith.addf %mul3A_1271, %mul3A_1272 : vector<16xf32>
        %mul3A_1274 = arith.mulf %sub3A_1270, %sub3A_1270 : vector<16xf32>
        %add3A_1275 = arith.addf %add3A_1273, %mul3A_1274 : vector<16xf32>
        %min3A_1276 = arith.minimumf %min3A_1147, %add3A_1275 : vector<16xf32>
        %min3A_1277 = arith.minimumf %min3A_1264, %add3A_1275 : vector<16xf32>
        %sub3A_1278 = vector.broadcast %squeeze3A_1209 : f32 to vector<16xf32>
        %sub3A_1279 = arith.subf %get3A_99, %sub3A_1278 : vector<16xf32>
        %sub3A_1280 = vector.broadcast %squeeze3A_1211 : f32 to vector<16xf32>
        %sub3A_1281 = arith.subf %get3A_155, %sub3A_1280 : vector<16xf32>
        %sub3A_1282 = vector.broadcast %squeeze3A_1213 : f32 to vector<16xf32>
        %sub3A_1283 = arith.subf %get3A_211, %sub3A_1282 : vector<16xf32>
        %mul3A_1284 = arith.mulf %sub3A_1279, %sub3A_1279 : vector<16xf32>
        %mul3A_1285 = arith.mulf %sub3A_1281, %sub3A_1281 : vector<16xf32>
        %add3A_1286 = arith.addf %mul3A_1284, %mul3A_1285 : vector<16xf32>
        %mul3A_1287 = arith.mulf %sub3A_1283, %sub3A_1283 : vector<16xf32>
        %add3A_1288 = arith.addf %add3A_1286, %mul3A_1287 : vector<16xf32>
        %min3A_1289 = arith.minimumf %min3A_1160, %add3A_1288 : vector<16xf32>
        %min3A_1290 = arith.minimumf %min3A_1277, %add3A_1288 : vector<16xf32>
        %sub3A_1291 = vector.broadcast %squeeze3A_1209 : f32 to vector<16xf32>
        %sub3A_1292 = arith.subf %get3A_106, %sub3A_1291 : vector<16xf32>
        %sub3A_1293 = vector.broadcast %squeeze3A_1211 : f32 to vector<16xf32>
        %sub3A_1294 = arith.subf %get3A_162, %sub3A_1293 : vector<16xf32>
        %sub3A_1295 = vector.broadcast %squeeze3A_1213 : f32 to vector<16xf32>
        %sub3A_1296 = arith.subf %get3A_218, %sub3A_1295 : vector<16xf32>
        %mul3A_1297 = arith.mulf %sub3A_1292, %sub3A_1292 : vector<16xf32>
        %mul3A_1298 = arith.mulf %sub3A_1294, %sub3A_1294 : vector<16xf32>
        %add3A_1299 = arith.addf %mul3A_1297, %mul3A_1298 : vector<16xf32>
        %mul3A_1300 = arith.mulf %sub3A_1296, %sub3A_1296 : vector<16xf32>
        %add3A_1301 = arith.addf %add3A_1299, %mul3A_1300 : vector<16xf32>
        %min3A_1302 = arith.minimumf %min3A_1173, %add3A_1301 : vector<16xf32>
        %min3A_1303 = arith.minimumf %min3A_1290, %add3A_1301 : vector<16xf32>
        %sub3A_1304 = vector.broadcast %squeeze3A_1209 : f32 to vector<16xf32>
        %sub3A_1305 = arith.subf %get3A_113, %sub3A_1304 : vector<16xf32>
        %sub3A_1306 = vector.broadcast %squeeze3A_1211 : f32 to vector<16xf32>
        %sub3A_1307 = arith.subf %get3A_169, %sub3A_1306 : vector<16xf32>
        %sub3A_1308 = vector.broadcast %squeeze3A_1213 : f32 to vector<16xf32>
        %sub3A_1309 = arith.subf %get3A_225, %sub3A_1308 : vector<16xf32>
        %mul3A_1310 = arith.mulf %sub3A_1305, %sub3A_1305 : vector<16xf32>
        %mul3A_1311 = arith.mulf %sub3A_1307, %sub3A_1307 : vector<16xf32>
        %add3A_1312 = arith.addf %mul3A_1310, %mul3A_1311 : vector<16xf32>
        %mul3A_1313 = arith.mulf %sub3A_1309, %sub3A_1309 : vector<16xf32>
        %add3A_1314 = arith.addf %add3A_1312, %mul3A_1313 : vector<16xf32>
        %min3A_1315 = arith.minimumf %min3A_1186, %add3A_1314 : vector<16xf32>
        %min3A_1316 = arith.minimumf %min3A_1303, %add3A_1314 : vector<16xf32>
        %broadcast_in_dim3A_1317 = vector.shape_cast %xor3A_35 : vector<16xi32> to vector<16x1xi32>
        %gather3A_1318 = vector.shape_cast %broadcast_in_dim3A_1317 : vector<16x1xi32> to vector<16xi32>
        %gather3A_1319 = tpu.dynamic_gather %min3A_1316[%gather3A_1318] in [0] : vector<16xf32>, vector<16xi32> -> vector<16xf32>
        %min3A_1320 = arith.minimumf %min3A_1316, %gather3A_1319 : vector<16xf32>
        %broadcast_in_dim3A_1321 = vector.shape_cast %xor3A_38 : vector<16xi32> to vector<16x1xi32>
        %gather3A_1322 = vector.shape_cast %broadcast_in_dim3A_1321 : vector<16x1xi32> to vector<16xi32>
        %gather3A_1323 = tpu.dynamic_gather %min3A_1320[%gather3A_1322] in [0] : vector<16xf32>, vector<16xi32> -> vector<16xf32>
        %min3A_1324 = arith.minimumf %min3A_1320, %gather3A_1323 : vector<16xf32>
        %broadcast_in_dim3A_1325 = vector.shape_cast %xor3A_41 : vector<16xi32> to vector<16x1xi32>
        %gather3A_1326 = vector.shape_cast %broadcast_in_dim3A_1325 : vector<16x1xi32> to vector<16xi32>
        %gather3A_1327 = tpu.dynamic_gather %min3A_1324[%gather3A_1326] in [0] : vector<16xf32>, vector<16xi32> -> vector<16xf32>
        %min3A_1328 = arith.minimumf %min3A_1324, %gather3A_1327 : vector<16xf32>
        %broadcast_in_dim3A_1329 = vector.shape_cast %xor3A_44 : vector<16xi32> to vector<16x1xi32>
        %gather3A_1330 = vector.shape_cast %broadcast_in_dim3A_1329 : vector<16x1xi32> to vector<16xi32>
        %gather3A_1331 = tpu.dynamic_gather %min3A_1328[%gather3A_1330] in [0] : vector<16xf32>, vector<16xi32> -> vector<16xf32>
        %min3A_1332 = arith.minimumf %min3A_1328, %gather3A_1331 : vector<16xf32>
        %eq3A_1333 = arith.constant 7 : i32
        %eq3A_1334 = vector.broadcast %eq3A_1333 : i32 to vector<16xi32>
        %eq3A_1335 = arith.cmpi eq, %iota3A, %eq3A_1334 : vector<16xi32>
        %select_n3A_1336 = arith.select %eq3A_1335, %min3A_1332, %select_n3A_1207 : vector<16xi1>, vector<16xf32>
        %slice3A_1337 = vector.extract_strided_slice %get3A_294 {offsets = [8], sizes = [1], strides = [1]} : vector<16xf32> to vector<1xf32>
        %squeeze3A_1338 = vector.extract %slice3A_1337[0] : f32 from vector<1xf32>
        %slice3A_1339 = vector.extract_strided_slice %get3A_301 {offsets = [8], sizes = [1], strides = [1]} : vector<16xf32> to vector<1xf32>
        %squeeze3A_1340 = vector.extract %slice3A_1339[0] : f32 from vector<1xf32>
        %slice3A_1341 = vector.extract_strided_slice %get3A_308 {offsets = [8], sizes = [1], strides = [1]} : vector<16xf32> to vector<1xf32>
        %squeeze3A_1342 = vector.extract %slice3A_1341[0] : f32 from vector<1xf32>
        %sub3A_1343 = vector.broadcast %squeeze3A_1338 : f32 to vector<16xf32>
        %sub3A_1344 = arith.subf %get3A_64, %sub3A_1343 : vector<16xf32>
        %sub3A_1345 = vector.broadcast %squeeze3A_1340 : f32 to vector<16xf32>
        %sub3A_1346 = arith.subf %get3A_120, %sub3A_1345 : vector<16xf32>
        %sub3A_1347 = vector.broadcast %squeeze3A_1342 : f32 to vector<16xf32>
        %sub3A_1348 = arith.subf %get3A_176, %sub3A_1347 : vector<16xf32>
        %mul3A_1349 = arith.mulf %sub3A_1344, %sub3A_1344 : vector<16xf32>
        %mul3A_1350 = arith.mulf %sub3A_1346, %sub3A_1346 : vector<16xf32>
        %add3A_1351 = arith.addf %mul3A_1349, %mul3A_1350 : vector<16xf32>
        %mul3A_1352 = arith.mulf %sub3A_1348, %sub3A_1348 : vector<16xf32>
        %add3A_1353 = arith.addf %add3A_1351, %mul3A_1352 : vector<16xf32>
        %min3A_1354 = arith.minimumf %min3A_1225, %add3A_1353 : vector<16xf32>
        %sub3A_1355 = vector.broadcast %squeeze3A_1338 : f32 to vector<16xf32>
        %sub3A_1356 = arith.subf %get3A_71, %sub3A_1355 : vector<16xf32>
        %sub3A_1357 = vector.broadcast %squeeze3A_1340 : f32 to vector<16xf32>
        %sub3A_1358 = arith.subf %get3A_127, %sub3A_1357 : vector<16xf32>
        %sub3A_1359 = vector.broadcast %squeeze3A_1342 : f32 to vector<16xf32>
        %sub3A_1360 = arith.subf %get3A_183, %sub3A_1359 : vector<16xf32>
        %mul3A_1361 = arith.mulf %sub3A_1356, %sub3A_1356 : vector<16xf32>
        %mul3A_1362 = arith.mulf %sub3A_1358, %sub3A_1358 : vector<16xf32>
        %add3A_1363 = arith.addf %mul3A_1361, %mul3A_1362 : vector<16xf32>
        %mul3A_1364 = arith.mulf %sub3A_1360, %sub3A_1360 : vector<16xf32>
        %add3A_1365 = arith.addf %add3A_1363, %mul3A_1364 : vector<16xf32>
        %min3A_1366 = arith.minimumf %min3A_1237, %add3A_1365 : vector<16xf32>
        %min3A_1367 = arith.minimumf %add3A_1353, %add3A_1365 : vector<16xf32>
        %sub3A_1368 = vector.broadcast %squeeze3A_1338 : f32 to vector<16xf32>
        %sub3A_1369 = arith.subf %get3A_78, %sub3A_1368 : vector<16xf32>
        %sub3A_1370 = vector.broadcast %squeeze3A_1340 : f32 to vector<16xf32>
        %sub3A_1371 = arith.subf %get3A_134, %sub3A_1370 : vector<16xf32>
        %sub3A_1372 = vector.broadcast %squeeze3A_1342 : f32 to vector<16xf32>
        %sub3A_1373 = arith.subf %get3A_190, %sub3A_1372 : vector<16xf32>
        %mul3A_1374 = arith.mulf %sub3A_1369, %sub3A_1369 : vector<16xf32>
        %mul3A_1375 = arith.mulf %sub3A_1371, %sub3A_1371 : vector<16xf32>
        %add3A_1376 = arith.addf %mul3A_1374, %mul3A_1375 : vector<16xf32>
        %mul3A_1377 = arith.mulf %sub3A_1373, %sub3A_1373 : vector<16xf32>
        %add3A_1378 = arith.addf %add3A_1376, %mul3A_1377 : vector<16xf32>
        %min3A_1379 = arith.minimumf %min3A_1250, %add3A_1378 : vector<16xf32>
        %min3A_1380 = arith.minimumf %min3A_1367, %add3A_1378 : vector<16xf32>
        %sub3A_1381 = vector.broadcast %squeeze3A_1338 : f32 to vector<16xf32>
        %sub3A_1382 = arith.subf %get3A_85, %sub3A_1381 : vector<16xf32>
        %sub3A_1383 = vector.broadcast %squeeze3A_1340 : f32 to vector<16xf32>
        %sub3A_1384 = arith.subf %get3A_141, %sub3A_1383 : vector<16xf32>
        %sub3A_1385 = vector.broadcast %squeeze3A_1342 : f32 to vector<16xf32>
        %sub3A_1386 = arith.subf %get3A_197, %sub3A_1385 : vector<16xf32>
        %mul3A_1387 = arith.mulf %sub3A_1382, %sub3A_1382 : vector<16xf32>
        %mul3A_1388 = arith.mulf %sub3A_1384, %sub3A_1384 : vector<16xf32>
        %add3A_1389 = arith.addf %mul3A_1387, %mul3A_1388 : vector<16xf32>
        %mul3A_1390 = arith.mulf %sub3A_1386, %sub3A_1386 : vector<16xf32>
        %add3A_1391 = arith.addf %add3A_1389, %mul3A_1390 : vector<16xf32>
        %min3A_1392 = arith.minimumf %min3A_1263, %add3A_1391 : vector<16xf32>
        %min3A_1393 = arith.minimumf %min3A_1380, %add3A_1391 : vector<16xf32>
        %sub3A_1394 = vector.broadcast %squeeze3A_1338 : f32 to vector<16xf32>
        %sub3A_1395 = arith.subf %get3A_92, %sub3A_1394 : vector<16xf32>
        %sub3A_1396 = vector.broadcast %squeeze3A_1340 : f32 to vector<16xf32>
        %sub3A_1397 = arith.subf %get3A_148, %sub3A_1396 : vector<16xf32>
        %sub3A_1398 = vector.broadcast %squeeze3A_1342 : f32 to vector<16xf32>
        %sub3A_1399 = arith.subf %get3A_204, %sub3A_1398 : vector<16xf32>
        %mul3A_1400 = arith.mulf %sub3A_1395, %sub3A_1395 : vector<16xf32>
        %mul3A_1401 = arith.mulf %sub3A_1397, %sub3A_1397 : vector<16xf32>
        %add3A_1402 = arith.addf %mul3A_1400, %mul3A_1401 : vector<16xf32>
        %mul3A_1403 = arith.mulf %sub3A_1399, %sub3A_1399 : vector<16xf32>
        %add3A_1404 = arith.addf %add3A_1402, %mul3A_1403 : vector<16xf32>
        %min3A_1405 = arith.minimumf %min3A_1276, %add3A_1404 : vector<16xf32>
        %min3A_1406 = arith.minimumf %min3A_1393, %add3A_1404 : vector<16xf32>
        %sub3A_1407 = vector.broadcast %squeeze3A_1338 : f32 to vector<16xf32>
        %sub3A_1408 = arith.subf %get3A_99, %sub3A_1407 : vector<16xf32>
        %sub3A_1409 = vector.broadcast %squeeze3A_1340 : f32 to vector<16xf32>
        %sub3A_1410 = arith.subf %get3A_155, %sub3A_1409 : vector<16xf32>
        %sub3A_1411 = vector.broadcast %squeeze3A_1342 : f32 to vector<16xf32>
        %sub3A_1412 = arith.subf %get3A_211, %sub3A_1411 : vector<16xf32>
        %mul3A_1413 = arith.mulf %sub3A_1408, %sub3A_1408 : vector<16xf32>
        %mul3A_1414 = arith.mulf %sub3A_1410, %sub3A_1410 : vector<16xf32>
        %add3A_1415 = arith.addf %mul3A_1413, %mul3A_1414 : vector<16xf32>
        %mul3A_1416 = arith.mulf %sub3A_1412, %sub3A_1412 : vector<16xf32>
        %add3A_1417 = arith.addf %add3A_1415, %mul3A_1416 : vector<16xf32>
        %min3A_1418 = arith.minimumf %min3A_1289, %add3A_1417 : vector<16xf32>
        %min3A_1419 = arith.minimumf %min3A_1406, %add3A_1417 : vector<16xf32>
        %sub3A_1420 = vector.broadcast %squeeze3A_1338 : f32 to vector<16xf32>
        %sub3A_1421 = arith.subf %get3A_106, %sub3A_1420 : vector<16xf32>
        %sub3A_1422 = vector.broadcast %squeeze3A_1340 : f32 to vector<16xf32>
        %sub3A_1423 = arith.subf %get3A_162, %sub3A_1422 : vector<16xf32>
        %sub3A_1424 = vector.broadcast %squeeze3A_1342 : f32 to vector<16xf32>
        %sub3A_1425 = arith.subf %get3A_218, %sub3A_1424 : vector<16xf32>
        %mul3A_1426 = arith.mulf %sub3A_1421, %sub3A_1421 : vector<16xf32>
        %mul3A_1427 = arith.mulf %sub3A_1423, %sub3A_1423 : vector<16xf32>
        %add3A_1428 = arith.addf %mul3A_1426, %mul3A_1427 : vector<16xf32>
        %mul3A_1429 = arith.mulf %sub3A_1425, %sub3A_1425 : vector<16xf32>
        %add3A_1430 = arith.addf %add3A_1428, %mul3A_1429 : vector<16xf32>
        %min3A_1431 = arith.minimumf %min3A_1302, %add3A_1430 : vector<16xf32>
        %min3A_1432 = arith.minimumf %min3A_1419, %add3A_1430 : vector<16xf32>
        %sub3A_1433 = vector.broadcast %squeeze3A_1338 : f32 to vector<16xf32>
        %sub3A_1434 = arith.subf %get3A_113, %sub3A_1433 : vector<16xf32>
        %sub3A_1435 = vector.broadcast %squeeze3A_1340 : f32 to vector<16xf32>
        %sub3A_1436 = arith.subf %get3A_169, %sub3A_1435 : vector<16xf32>
        %sub3A_1437 = vector.broadcast %squeeze3A_1342 : f32 to vector<16xf32>
        %sub3A_1438 = arith.subf %get3A_225, %sub3A_1437 : vector<16xf32>
        %mul3A_1439 = arith.mulf %sub3A_1434, %sub3A_1434 : vector<16xf32>
        %mul3A_1440 = arith.mulf %sub3A_1436, %sub3A_1436 : vector<16xf32>
        %add3A_1441 = arith.addf %mul3A_1439, %mul3A_1440 : vector<16xf32>
        %mul3A_1442 = arith.mulf %sub3A_1438, %sub3A_1438 : vector<16xf32>
        %add3A_1443 = arith.addf %add3A_1441, %mul3A_1442 : vector<16xf32>
        %min3A_1444 = arith.minimumf %min3A_1315, %add3A_1443 : vector<16xf32>
        %min3A_1445 = arith.minimumf %min3A_1432, %add3A_1443 : vector<16xf32>
        %broadcast_in_dim3A_1446 = vector.shape_cast %xor3A_35 : vector<16xi32> to vector<16x1xi32>
        %gather3A_1447 = vector.shape_cast %broadcast_in_dim3A_1446 : vector<16x1xi32> to vector<16xi32>
        %gather3A_1448 = tpu.dynamic_gather %min3A_1445[%gather3A_1447] in [0] : vector<16xf32>, vector<16xi32> -> vector<16xf32>
        %min3A_1449 = arith.minimumf %min3A_1445, %gather3A_1448 : vector<16xf32>
        %broadcast_in_dim3A_1450 = vector.shape_cast %xor3A_38 : vector<16xi32> to vector<16x1xi32>
        %gather3A_1451 = vector.shape_cast %broadcast_in_dim3A_1450 : vector<16x1xi32> to vector<16xi32>
        %gather3A_1452 = tpu.dynamic_gather %min3A_1449[%gather3A_1451] in [0] : vector<16xf32>, vector<16xi32> -> vector<16xf32>
        %min3A_1453 = arith.minimumf %min3A_1449, %gather3A_1452 : vector<16xf32>
        %broadcast_in_dim3A_1454 = vector.shape_cast %xor3A_41 : vector<16xi32> to vector<16x1xi32>
        %gather3A_1455 = vector.shape_cast %broadcast_in_dim3A_1454 : vector<16x1xi32> to vector<16xi32>
        %gather3A_1456 = tpu.dynamic_gather %min3A_1453[%gather3A_1455] in [0] : vector<16xf32>, vector<16xi32> -> vector<16xf32>
        %min3A_1457 = arith.minimumf %min3A_1453, %gather3A_1456 : vector<16xf32>
        %broadcast_in_dim3A_1458 = vector.shape_cast %xor3A_44 : vector<16xi32> to vector<16x1xi32>
        %gather3A_1459 = vector.shape_cast %broadcast_in_dim3A_1458 : vector<16x1xi32> to vector<16xi32>
        %gather3A_1460 = tpu.dynamic_gather %min3A_1457[%gather3A_1459] in [0] : vector<16xf32>, vector<16xi32> -> vector<16xf32>
        %min3A_1461 = arith.minimumf %min3A_1457, %gather3A_1460 : vector<16xf32>
        %eq3A_1462 = arith.constant 8 : i32
        %eq3A_1463 = vector.broadcast %eq3A_1462 : i32 to vector<16xi32>
        %eq3A_1464 = arith.cmpi eq, %iota3A, %eq3A_1463 : vector<16xi32>
        %select_n3A_1465 = arith.select %eq3A_1464, %min3A_1461, %select_n3A_1336 : vector<16xi1>, vector<16xf32>
        %slice3A_1466 = vector.extract_strided_slice %get3A_294 {offsets = [9], sizes = [1], strides = [1]} : vector<16xf32> to vector<1xf32>
        %squeeze3A_1467 = vector.extract %slice3A_1466[0] : f32 from vector<1xf32>
        %slice3A_1468 = vector.extract_strided_slice %get3A_301 {offsets = [9], sizes = [1], strides = [1]} : vector<16xf32> to vector<1xf32>
        %squeeze3A_1469 = vector.extract %slice3A_1468[0] : f32 from vector<1xf32>
        %slice3A_1470 = vector.extract_strided_slice %get3A_308 {offsets = [9], sizes = [1], strides = [1]} : vector<16xf32> to vector<1xf32>
        %squeeze3A_1471 = vector.extract %slice3A_1470[0] : f32 from vector<1xf32>
        %sub3A_1472 = vector.broadcast %squeeze3A_1467 : f32 to vector<16xf32>
        %sub3A_1473 = arith.subf %get3A_64, %sub3A_1472 : vector<16xf32>
        %sub3A_1474 = vector.broadcast %squeeze3A_1469 : f32 to vector<16xf32>
        %sub3A_1475 = arith.subf %get3A_120, %sub3A_1474 : vector<16xf32>
        %sub3A_1476 = vector.broadcast %squeeze3A_1471 : f32 to vector<16xf32>
        %sub3A_1477 = arith.subf %get3A_176, %sub3A_1476 : vector<16xf32>
        %mul3A_1478 = arith.mulf %sub3A_1473, %sub3A_1473 : vector<16xf32>
        %mul3A_1479 = arith.mulf %sub3A_1475, %sub3A_1475 : vector<16xf32>
        %add3A_1480 = arith.addf %mul3A_1478, %mul3A_1479 : vector<16xf32>
        %mul3A_1481 = arith.mulf %sub3A_1477, %sub3A_1477 : vector<16xf32>
        %add3A_1482 = arith.addf %add3A_1480, %mul3A_1481 : vector<16xf32>
        %min3A_1483 = arith.minimumf %min3A_1354, %add3A_1482 : vector<16xf32>
        %sub3A_1484 = vector.broadcast %squeeze3A_1467 : f32 to vector<16xf32>
        %sub3A_1485 = arith.subf %get3A_71, %sub3A_1484 : vector<16xf32>
        %sub3A_1486 = vector.broadcast %squeeze3A_1469 : f32 to vector<16xf32>
        %sub3A_1487 = arith.subf %get3A_127, %sub3A_1486 : vector<16xf32>
        %sub3A_1488 = vector.broadcast %squeeze3A_1471 : f32 to vector<16xf32>
        %sub3A_1489 = arith.subf %get3A_183, %sub3A_1488 : vector<16xf32>
        %mul3A_1490 = arith.mulf %sub3A_1485, %sub3A_1485 : vector<16xf32>
        %mul3A_1491 = arith.mulf %sub3A_1487, %sub3A_1487 : vector<16xf32>
        %add3A_1492 = arith.addf %mul3A_1490, %mul3A_1491 : vector<16xf32>
        %mul3A_1493 = arith.mulf %sub3A_1489, %sub3A_1489 : vector<16xf32>
        %add3A_1494 = arith.addf %add3A_1492, %mul3A_1493 : vector<16xf32>
        %min3A_1495 = arith.minimumf %min3A_1366, %add3A_1494 : vector<16xf32>
        %min3A_1496 = arith.minimumf %add3A_1482, %add3A_1494 : vector<16xf32>
        %sub3A_1497 = vector.broadcast %squeeze3A_1467 : f32 to vector<16xf32>
        %sub3A_1498 = arith.subf %get3A_78, %sub3A_1497 : vector<16xf32>
        %sub3A_1499 = vector.broadcast %squeeze3A_1469 : f32 to vector<16xf32>
        %sub3A_1500 = arith.subf %get3A_134, %sub3A_1499 : vector<16xf32>
        %sub3A_1501 = vector.broadcast %squeeze3A_1471 : f32 to vector<16xf32>
        %sub3A_1502 = arith.subf %get3A_190, %sub3A_1501 : vector<16xf32>
        %mul3A_1503 = arith.mulf %sub3A_1498, %sub3A_1498 : vector<16xf32>
        %mul3A_1504 = arith.mulf %sub3A_1500, %sub3A_1500 : vector<16xf32>
        %add3A_1505 = arith.addf %mul3A_1503, %mul3A_1504 : vector<16xf32>
        %mul3A_1506 = arith.mulf %sub3A_1502, %sub3A_1502 : vector<16xf32>
        %add3A_1507 = arith.addf %add3A_1505, %mul3A_1506 : vector<16xf32>
        %min3A_1508 = arith.minimumf %min3A_1379, %add3A_1507 : vector<16xf32>
        %min3A_1509 = arith.minimumf %min3A_1496, %add3A_1507 : vector<16xf32>
        %sub3A_1510 = vector.broadcast %squeeze3A_1467 : f32 to vector<16xf32>
        %sub3A_1511 = arith.subf %get3A_85, %sub3A_1510 : vector<16xf32>
        %sub3A_1512 = vector.broadcast %squeeze3A_1469 : f32 to vector<16xf32>
        %sub3A_1513 = arith.subf %get3A_141, %sub3A_1512 : vector<16xf32>
        %sub3A_1514 = vector.broadcast %squeeze3A_1471 : f32 to vector<16xf32>
        %sub3A_1515 = arith.subf %get3A_197, %sub3A_1514 : vector<16xf32>
        %mul3A_1516 = arith.mulf %sub3A_1511, %sub3A_1511 : vector<16xf32>
        %mul3A_1517 = arith.mulf %sub3A_1513, %sub3A_1513 : vector<16xf32>
        %add3A_1518 = arith.addf %mul3A_1516, %mul3A_1517 : vector<16xf32>
        %mul3A_1519 = arith.mulf %sub3A_1515, %sub3A_1515 : vector<16xf32>
        %add3A_1520 = arith.addf %add3A_1518, %mul3A_1519 : vector<16xf32>
        %min3A_1521 = arith.minimumf %min3A_1392, %add3A_1520 : vector<16xf32>
        %min3A_1522 = arith.minimumf %min3A_1509, %add3A_1520 : vector<16xf32>
        %sub3A_1523 = vector.broadcast %squeeze3A_1467 : f32 to vector<16xf32>
        %sub3A_1524 = arith.subf %get3A_92, %sub3A_1523 : vector<16xf32>
        %sub3A_1525 = vector.broadcast %squeeze3A_1469 : f32 to vector<16xf32>
        %sub3A_1526 = arith.subf %get3A_148, %sub3A_1525 : vector<16xf32>
        %sub3A_1527 = vector.broadcast %squeeze3A_1471 : f32 to vector<16xf32>
        %sub3A_1528 = arith.subf %get3A_204, %sub3A_1527 : vector<16xf32>
        %mul3A_1529 = arith.mulf %sub3A_1524, %sub3A_1524 : vector<16xf32>
        %mul3A_1530 = arith.mulf %sub3A_1526, %sub3A_1526 : vector<16xf32>
        %add3A_1531 = arith.addf %mul3A_1529, %mul3A_1530 : vector<16xf32>
        %mul3A_1532 = arith.mulf %sub3A_1528, %sub3A_1528 : vector<16xf32>
        %add3A_1533 = arith.addf %add3A_1531, %mul3A_1532 : vector<16xf32>
        %min3A_1534 = arith.minimumf %min3A_1405, %add3A_1533 : vector<16xf32>
        %min3A_1535 = arith.minimumf %min3A_1522, %add3A_1533 : vector<16xf32>
        %sub3A_1536 = vector.broadcast %squeeze3A_1467 : f32 to vector<16xf32>
        %sub3A_1537 = arith.subf %get3A_99, %sub3A_1536 : vector<16xf32>
        %sub3A_1538 = vector.broadcast %squeeze3A_1469 : f32 to vector<16xf32>
        %sub3A_1539 = arith.subf %get3A_155, %sub3A_1538 : vector<16xf32>
        %sub3A_1540 = vector.broadcast %squeeze3A_1471 : f32 to vector<16xf32>
        %sub3A_1541 = arith.subf %get3A_211, %sub3A_1540 : vector<16xf32>
        %mul3A_1542 = arith.mulf %sub3A_1537, %sub3A_1537 : vector<16xf32>
        %mul3A_1543 = arith.mulf %sub3A_1539, %sub3A_1539 : vector<16xf32>
        %add3A_1544 = arith.addf %mul3A_1542, %mul3A_1543 : vector<16xf32>
        %mul3A_1545 = arith.mulf %sub3A_1541, %sub3A_1541 : vector<16xf32>
        %add3A_1546 = arith.addf %add3A_1544, %mul3A_1545 : vector<16xf32>
        %min3A_1547 = arith.minimumf %min3A_1418, %add3A_1546 : vector<16xf32>
        %min3A_1548 = arith.minimumf %min3A_1535, %add3A_1546 : vector<16xf32>
        %sub3A_1549 = vector.broadcast %squeeze3A_1467 : f32 to vector<16xf32>
        %sub3A_1550 = arith.subf %get3A_106, %sub3A_1549 : vector<16xf32>
        %sub3A_1551 = vector.broadcast %squeeze3A_1469 : f32 to vector<16xf32>
        %sub3A_1552 = arith.subf %get3A_162, %sub3A_1551 : vector<16xf32>
        %sub3A_1553 = vector.broadcast %squeeze3A_1471 : f32 to vector<16xf32>
        %sub3A_1554 = arith.subf %get3A_218, %sub3A_1553 : vector<16xf32>
        %mul3A_1555 = arith.mulf %sub3A_1550, %sub3A_1550 : vector<16xf32>
        %mul3A_1556 = arith.mulf %sub3A_1552, %sub3A_1552 : vector<16xf32>
        %add3A_1557 = arith.addf %mul3A_1555, %mul3A_1556 : vector<16xf32>
        %mul3A_1558 = arith.mulf %sub3A_1554, %sub3A_1554 : vector<16xf32>
        %add3A_1559 = arith.addf %add3A_1557, %mul3A_1558 : vector<16xf32>
        %min3A_1560 = arith.minimumf %min3A_1431, %add3A_1559 : vector<16xf32>
        %min3A_1561 = arith.minimumf %min3A_1548, %add3A_1559 : vector<16xf32>
        %sub3A_1562 = vector.broadcast %squeeze3A_1467 : f32 to vector<16xf32>
        %sub3A_1563 = arith.subf %get3A_113, %sub3A_1562 : vector<16xf32>
        %sub3A_1564 = vector.broadcast %squeeze3A_1469 : f32 to vector<16xf32>
        %sub3A_1565 = arith.subf %get3A_169, %sub3A_1564 : vector<16xf32>
        %sub3A_1566 = vector.broadcast %squeeze3A_1471 : f32 to vector<16xf32>
        %sub3A_1567 = arith.subf %get3A_225, %sub3A_1566 : vector<16xf32>
        %mul3A_1568 = arith.mulf %sub3A_1563, %sub3A_1563 : vector<16xf32>
        %mul3A_1569 = arith.mulf %sub3A_1565, %sub3A_1565 : vector<16xf32>
        %add3A_1570 = arith.addf %mul3A_1568, %mul3A_1569 : vector<16xf32>
        %mul3A_1571 = arith.mulf %sub3A_1567, %sub3A_1567 : vector<16xf32>
        %add3A_1572 = arith.addf %add3A_1570, %mul3A_1571 : vector<16xf32>
        %min3A_1573 = arith.minimumf %min3A_1444, %add3A_1572 : vector<16xf32>
        %min3A_1574 = arith.minimumf %min3A_1561, %add3A_1572 : vector<16xf32>
        %broadcast_in_dim3A_1575 = vector.shape_cast %xor3A_35 : vector<16xi32> to vector<16x1xi32>
        %gather3A_1576 = vector.shape_cast %broadcast_in_dim3A_1575 : vector<16x1xi32> to vector<16xi32>
        %gather3A_1577 = tpu.dynamic_gather %min3A_1574[%gather3A_1576] in [0] : vector<16xf32>, vector<16xi32> -> vector<16xf32>
        %min3A_1578 = arith.minimumf %min3A_1574, %gather3A_1577 : vector<16xf32>
        %broadcast_in_dim3A_1579 = vector.shape_cast %xor3A_38 : vector<16xi32> to vector<16x1xi32>
        %gather3A_1580 = vector.shape_cast %broadcast_in_dim3A_1579 : vector<16x1xi32> to vector<16xi32>
        %gather3A_1581 = tpu.dynamic_gather %min3A_1578[%gather3A_1580] in [0] : vector<16xf32>, vector<16xi32> -> vector<16xf32>
        %min3A_1582 = arith.minimumf %min3A_1578, %gather3A_1581 : vector<16xf32>
        %broadcast_in_dim3A_1583 = vector.shape_cast %xor3A_41 : vector<16xi32> to vector<16x1xi32>
        %gather3A_1584 = vector.shape_cast %broadcast_in_dim3A_1583 : vector<16x1xi32> to vector<16xi32>
        %gather3A_1585 = tpu.dynamic_gather %min3A_1582[%gather3A_1584] in [0] : vector<16xf32>, vector<16xi32> -> vector<16xf32>
        %min3A_1586 = arith.minimumf %min3A_1582, %gather3A_1585 : vector<16xf32>
        %broadcast_in_dim3A_1587 = vector.shape_cast %xor3A_44 : vector<16xi32> to vector<16x1xi32>
        %gather3A_1588 = vector.shape_cast %broadcast_in_dim3A_1587 : vector<16x1xi32> to vector<16xi32>
        %gather3A_1589 = tpu.dynamic_gather %min3A_1586[%gather3A_1588] in [0] : vector<16xf32>, vector<16xi32> -> vector<16xf32>
        %min3A_1590 = arith.minimumf %min3A_1586, %gather3A_1589 : vector<16xf32>
        %eq3A_1591 = arith.constant 9 : i32
        %eq3A_1592 = vector.broadcast %eq3A_1591 : i32 to vector<16xi32>
        %eq3A_1593 = arith.cmpi eq, %iota3A, %eq3A_1592 : vector<16xi32>
        %select_n3A_1594 = arith.select %eq3A_1593, %min3A_1590, %select_n3A_1465 : vector<16xi1>, vector<16xf32>
        %slice3A_1595 = vector.extract_strided_slice %get3A_294 {offsets = [10], sizes = [1], strides = [1]} : vector<16xf32> to vector<1xf32>
        %squeeze3A_1596 = vector.extract %slice3A_1595[0] : f32 from vector<1xf32>
        %slice3A_1597 = vector.extract_strided_slice %get3A_301 {offsets = [10], sizes = [1], strides = [1]} : vector<16xf32> to vector<1xf32>
        %squeeze3A_1598 = vector.extract %slice3A_1597[0] : f32 from vector<1xf32>
        %slice3A_1599 = vector.extract_strided_slice %get3A_308 {offsets = [10], sizes = [1], strides = [1]} : vector<16xf32> to vector<1xf32>
        %squeeze3A_1600 = vector.extract %slice3A_1599[0] : f32 from vector<1xf32>
        %sub3A_1601 = vector.broadcast %squeeze3A_1596 : f32 to vector<16xf32>
        %sub3A_1602 = arith.subf %get3A_64, %sub3A_1601 : vector<16xf32>
        %sub3A_1603 = vector.broadcast %squeeze3A_1598 : f32 to vector<16xf32>
        %sub3A_1604 = arith.subf %get3A_120, %sub3A_1603 : vector<16xf32>
        %sub3A_1605 = vector.broadcast %squeeze3A_1600 : f32 to vector<16xf32>
        %sub3A_1606 = arith.subf %get3A_176, %sub3A_1605 : vector<16xf32>
        %mul3A_1607 = arith.mulf %sub3A_1602, %sub3A_1602 : vector<16xf32>
        %mul3A_1608 = arith.mulf %sub3A_1604, %sub3A_1604 : vector<16xf32>
        %add3A_1609 = arith.addf %mul3A_1607, %mul3A_1608 : vector<16xf32>
        %mul3A_1610 = arith.mulf %sub3A_1606, %sub3A_1606 : vector<16xf32>
        %add3A_1611 = arith.addf %add3A_1609, %mul3A_1610 : vector<16xf32>
        %min3A_1612 = arith.minimumf %min3A_1483, %add3A_1611 : vector<16xf32>
        %sub3A_1613 = vector.broadcast %squeeze3A_1596 : f32 to vector<16xf32>
        %sub3A_1614 = arith.subf %get3A_71, %sub3A_1613 : vector<16xf32>
        %sub3A_1615 = vector.broadcast %squeeze3A_1598 : f32 to vector<16xf32>
        %sub3A_1616 = arith.subf %get3A_127, %sub3A_1615 : vector<16xf32>
        %sub3A_1617 = vector.broadcast %squeeze3A_1600 : f32 to vector<16xf32>
        %sub3A_1618 = arith.subf %get3A_183, %sub3A_1617 : vector<16xf32>
        %mul3A_1619 = arith.mulf %sub3A_1614, %sub3A_1614 : vector<16xf32>
        %mul3A_1620 = arith.mulf %sub3A_1616, %sub3A_1616 : vector<16xf32>
        %add3A_1621 = arith.addf %mul3A_1619, %mul3A_1620 : vector<16xf32>
        %mul3A_1622 = arith.mulf %sub3A_1618, %sub3A_1618 : vector<16xf32>
        %add3A_1623 = arith.addf %add3A_1621, %mul3A_1622 : vector<16xf32>
        %min3A_1624 = arith.minimumf %min3A_1495, %add3A_1623 : vector<16xf32>
        %min3A_1625 = arith.minimumf %add3A_1611, %add3A_1623 : vector<16xf32>
        %sub3A_1626 = vector.broadcast %squeeze3A_1596 : f32 to vector<16xf32>
        %sub3A_1627 = arith.subf %get3A_78, %sub3A_1626 : vector<16xf32>
        %sub3A_1628 = vector.broadcast %squeeze3A_1598 : f32 to vector<16xf32>
        %sub3A_1629 = arith.subf %get3A_134, %sub3A_1628 : vector<16xf32>
        %sub3A_1630 = vector.broadcast %squeeze3A_1600 : f32 to vector<16xf32>
        %sub3A_1631 = arith.subf %get3A_190, %sub3A_1630 : vector<16xf32>
        %mul3A_1632 = arith.mulf %sub3A_1627, %sub3A_1627 : vector<16xf32>
        %mul3A_1633 = arith.mulf %sub3A_1629, %sub3A_1629 : vector<16xf32>
        %add3A_1634 = arith.addf %mul3A_1632, %mul3A_1633 : vector<16xf32>
        %mul3A_1635 = arith.mulf %sub3A_1631, %sub3A_1631 : vector<16xf32>
        %add3A_1636 = arith.addf %add3A_1634, %mul3A_1635 : vector<16xf32>
        %min3A_1637 = arith.minimumf %min3A_1508, %add3A_1636 : vector<16xf32>
        %min3A_1638 = arith.minimumf %min3A_1625, %add3A_1636 : vector<16xf32>
        %sub3A_1639 = vector.broadcast %squeeze3A_1596 : f32 to vector<16xf32>
        %sub3A_1640 = arith.subf %get3A_85, %sub3A_1639 : vector<16xf32>
        %sub3A_1641 = vector.broadcast %squeeze3A_1598 : f32 to vector<16xf32>
        %sub3A_1642 = arith.subf %get3A_141, %sub3A_1641 : vector<16xf32>
        %sub3A_1643 = vector.broadcast %squeeze3A_1600 : f32 to vector<16xf32>
        %sub3A_1644 = arith.subf %get3A_197, %sub3A_1643 : vector<16xf32>
        %mul3A_1645 = arith.mulf %sub3A_1640, %sub3A_1640 : vector<16xf32>
        %mul3A_1646 = arith.mulf %sub3A_1642, %sub3A_1642 : vector<16xf32>
        %add3A_1647 = arith.addf %mul3A_1645, %mul3A_1646 : vector<16xf32>
        %mul3A_1648 = arith.mulf %sub3A_1644, %sub3A_1644 : vector<16xf32>
        %add3A_1649 = arith.addf %add3A_1647, %mul3A_1648 : vector<16xf32>
        %min3A_1650 = arith.minimumf %min3A_1521, %add3A_1649 : vector<16xf32>
        %min3A_1651 = arith.minimumf %min3A_1638, %add3A_1649 : vector<16xf32>
        %sub3A_1652 = vector.broadcast %squeeze3A_1596 : f32 to vector<16xf32>
        %sub3A_1653 = arith.subf %get3A_92, %sub3A_1652 : vector<16xf32>
        %sub3A_1654 = vector.broadcast %squeeze3A_1598 : f32 to vector<16xf32>
        %sub3A_1655 = arith.subf %get3A_148, %sub3A_1654 : vector<16xf32>
        %sub3A_1656 = vector.broadcast %squeeze3A_1600 : f32 to vector<16xf32>
        %sub3A_1657 = arith.subf %get3A_204, %sub3A_1656 : vector<16xf32>
        %mul3A_1658 = arith.mulf %sub3A_1653, %sub3A_1653 : vector<16xf32>
        %mul3A_1659 = arith.mulf %sub3A_1655, %sub3A_1655 : vector<16xf32>
        %add3A_1660 = arith.addf %mul3A_1658, %mul3A_1659 : vector<16xf32>
        %mul3A_1661 = arith.mulf %sub3A_1657, %sub3A_1657 : vector<16xf32>
        %add3A_1662 = arith.addf %add3A_1660, %mul3A_1661 : vector<16xf32>
        %min3A_1663 = arith.minimumf %min3A_1534, %add3A_1662 : vector<16xf32>
        %min3A_1664 = arith.minimumf %min3A_1651, %add3A_1662 : vector<16xf32>
        %sub3A_1665 = vector.broadcast %squeeze3A_1596 : f32 to vector<16xf32>
        %sub3A_1666 = arith.subf %get3A_99, %sub3A_1665 : vector<16xf32>
        %sub3A_1667 = vector.broadcast %squeeze3A_1598 : f32 to vector<16xf32>
        %sub3A_1668 = arith.subf %get3A_155, %sub3A_1667 : vector<16xf32>
        %sub3A_1669 = vector.broadcast %squeeze3A_1600 : f32 to vector<16xf32>
        %sub3A_1670 = arith.subf %get3A_211, %sub3A_1669 : vector<16xf32>
        %mul3A_1671 = arith.mulf %sub3A_1666, %sub3A_1666 : vector<16xf32>
        %mul3A_1672 = arith.mulf %sub3A_1668, %sub3A_1668 : vector<16xf32>
        %add3A_1673 = arith.addf %mul3A_1671, %mul3A_1672 : vector<16xf32>
        %mul3A_1674 = arith.mulf %sub3A_1670, %sub3A_1670 : vector<16xf32>
        %add3A_1675 = arith.addf %add3A_1673, %mul3A_1674 : vector<16xf32>
        %min3A_1676 = arith.minimumf %min3A_1547, %add3A_1675 : vector<16xf32>
        %min3A_1677 = arith.minimumf %min3A_1664, %add3A_1675 : vector<16xf32>
        %sub3A_1678 = vector.broadcast %squeeze3A_1596 : f32 to vector<16xf32>
        %sub3A_1679 = arith.subf %get3A_106, %sub3A_1678 : vector<16xf32>
        %sub3A_1680 = vector.broadcast %squeeze3A_1598 : f32 to vector<16xf32>
        %sub3A_1681 = arith.subf %get3A_162, %sub3A_1680 : vector<16xf32>
        %sub3A_1682 = vector.broadcast %squeeze3A_1600 : f32 to vector<16xf32>
        %sub3A_1683 = arith.subf %get3A_218, %sub3A_1682 : vector<16xf32>
        %mul3A_1684 = arith.mulf %sub3A_1679, %sub3A_1679 : vector<16xf32>
        %mul3A_1685 = arith.mulf %sub3A_1681, %sub3A_1681 : vector<16xf32>
        %add3A_1686 = arith.addf %mul3A_1684, %mul3A_1685 : vector<16xf32>
        %mul3A_1687 = arith.mulf %sub3A_1683, %sub3A_1683 : vector<16xf32>
        %add3A_1688 = arith.addf %add3A_1686, %mul3A_1687 : vector<16xf32>
        %min3A_1689 = arith.minimumf %min3A_1560, %add3A_1688 : vector<16xf32>
        %min3A_1690 = arith.minimumf %min3A_1677, %add3A_1688 : vector<16xf32>
        %sub3A_1691 = vector.broadcast %squeeze3A_1596 : f32 to vector<16xf32>
        %sub3A_1692 = arith.subf %get3A_113, %sub3A_1691 : vector<16xf32>
        %sub3A_1693 = vector.broadcast %squeeze3A_1598 : f32 to vector<16xf32>
        %sub3A_1694 = arith.subf %get3A_169, %sub3A_1693 : vector<16xf32>
        %sub3A_1695 = vector.broadcast %squeeze3A_1600 : f32 to vector<16xf32>
        %sub3A_1696 = arith.subf %get3A_225, %sub3A_1695 : vector<16xf32>
        %mul3A_1697 = arith.mulf %sub3A_1692, %sub3A_1692 : vector<16xf32>
        %mul3A_1698 = arith.mulf %sub3A_1694, %sub3A_1694 : vector<16xf32>
        %add3A_1699 = arith.addf %mul3A_1697, %mul3A_1698 : vector<16xf32>
        %mul3A_1700 = arith.mulf %sub3A_1696, %sub3A_1696 : vector<16xf32>
        %add3A_1701 = arith.addf %add3A_1699, %mul3A_1700 : vector<16xf32>
        %min3A_1702 = arith.minimumf %min3A_1573, %add3A_1701 : vector<16xf32>
        %min3A_1703 = arith.minimumf %min3A_1690, %add3A_1701 : vector<16xf32>
        %broadcast_in_dim3A_1704 = vector.shape_cast %xor3A_35 : vector<16xi32> to vector<16x1xi32>
        %gather3A_1705 = vector.shape_cast %broadcast_in_dim3A_1704 : vector<16x1xi32> to vector<16xi32>
        %gather3A_1706 = tpu.dynamic_gather %min3A_1703[%gather3A_1705] in [0] : vector<16xf32>, vector<16xi32> -> vector<16xf32>
        %min3A_1707 = arith.minimumf %min3A_1703, %gather3A_1706 : vector<16xf32>
        %broadcast_in_dim3A_1708 = vector.shape_cast %xor3A_38 : vector<16xi32> to vector<16x1xi32>
        %gather3A_1709 = vector.shape_cast %broadcast_in_dim3A_1708 : vector<16x1xi32> to vector<16xi32>
        %gather3A_1710 = tpu.dynamic_gather %min3A_1707[%gather3A_1709] in [0] : vector<16xf32>, vector<16xi32> -> vector<16xf32>
        %min3A_1711 = arith.minimumf %min3A_1707, %gather3A_1710 : vector<16xf32>
        %broadcast_in_dim3A_1712 = vector.shape_cast %xor3A_41 : vector<16xi32> to vector<16x1xi32>
        %gather3A_1713 = vector.shape_cast %broadcast_in_dim3A_1712 : vector<16x1xi32> to vector<16xi32>
        %gather3A_1714 = tpu.dynamic_gather %min3A_1711[%gather3A_1713] in [0] : vector<16xf32>, vector<16xi32> -> vector<16xf32>
        %min3A_1715 = arith.minimumf %min3A_1711, %gather3A_1714 : vector<16xf32>
        %broadcast_in_dim3A_1716 = vector.shape_cast %xor3A_44 : vector<16xi32> to vector<16x1xi32>
        %gather3A_1717 = vector.shape_cast %broadcast_in_dim3A_1716 : vector<16x1xi32> to vector<16xi32>
        %gather3A_1718 = tpu.dynamic_gather %min3A_1715[%gather3A_1717] in [0] : vector<16xf32>, vector<16xi32> -> vector<16xf32>
        %min3A_1719 = arith.minimumf %min3A_1715, %gather3A_1718 : vector<16xf32>
        %eq3A_1720 = arith.constant 10 : i32
        %eq3A_1721 = vector.broadcast %eq3A_1720 : i32 to vector<16xi32>
        %eq3A_1722 = arith.cmpi eq, %iota3A, %eq3A_1721 : vector<16xi32>
        %select_n3A_1723 = arith.select %eq3A_1722, %min3A_1719, %select_n3A_1594 : vector<16xi1>, vector<16xf32>
        %slice3A_1724 = vector.extract_strided_slice %get3A_294 {offsets = [11], sizes = [1], strides = [1]} : vector<16xf32> to vector<1xf32>
        %squeeze3A_1725 = vector.extract %slice3A_1724[0] : f32 from vector<1xf32>
        %slice3A_1726 = vector.extract_strided_slice %get3A_301 {offsets = [11], sizes = [1], strides = [1]} : vector<16xf32> to vector<1xf32>
        %squeeze3A_1727 = vector.extract %slice3A_1726[0] : f32 from vector<1xf32>
        %slice3A_1728 = vector.extract_strided_slice %get3A_308 {offsets = [11], sizes = [1], strides = [1]} : vector<16xf32> to vector<1xf32>
        %squeeze3A_1729 = vector.extract %slice3A_1728[0] : f32 from vector<1xf32>
        %sub3A_1730 = vector.broadcast %squeeze3A_1725 : f32 to vector<16xf32>
        %sub3A_1731 = arith.subf %get3A_64, %sub3A_1730 : vector<16xf32>
        %sub3A_1732 = vector.broadcast %squeeze3A_1727 : f32 to vector<16xf32>
        %sub3A_1733 = arith.subf %get3A_120, %sub3A_1732 : vector<16xf32>
        %sub3A_1734 = vector.broadcast %squeeze3A_1729 : f32 to vector<16xf32>
        %sub3A_1735 = arith.subf %get3A_176, %sub3A_1734 : vector<16xf32>
        %mul3A_1736 = arith.mulf %sub3A_1731, %sub3A_1731 : vector<16xf32>
        %mul3A_1737 = arith.mulf %sub3A_1733, %sub3A_1733 : vector<16xf32>
        %add3A_1738 = arith.addf %mul3A_1736, %mul3A_1737 : vector<16xf32>
        %mul3A_1739 = arith.mulf %sub3A_1735, %sub3A_1735 : vector<16xf32>
        %add3A_1740 = arith.addf %add3A_1738, %mul3A_1739 : vector<16xf32>
        %min3A_1741 = arith.minimumf %min3A_1612, %add3A_1740 : vector<16xf32>
        %sub3A_1742 = vector.broadcast %squeeze3A_1725 : f32 to vector<16xf32>
        %sub3A_1743 = arith.subf %get3A_71, %sub3A_1742 : vector<16xf32>
        %sub3A_1744 = vector.broadcast %squeeze3A_1727 : f32 to vector<16xf32>
        %sub3A_1745 = arith.subf %get3A_127, %sub3A_1744 : vector<16xf32>
        %sub3A_1746 = vector.broadcast %squeeze3A_1729 : f32 to vector<16xf32>
        %sub3A_1747 = arith.subf %get3A_183, %sub3A_1746 : vector<16xf32>
        %mul3A_1748 = arith.mulf %sub3A_1743, %sub3A_1743 : vector<16xf32>
        %mul3A_1749 = arith.mulf %sub3A_1745, %sub3A_1745 : vector<16xf32>
        %add3A_1750 = arith.addf %mul3A_1748, %mul3A_1749 : vector<16xf32>
        %mul3A_1751 = arith.mulf %sub3A_1747, %sub3A_1747 : vector<16xf32>
        %add3A_1752 = arith.addf %add3A_1750, %mul3A_1751 : vector<16xf32>
        %min3A_1753 = arith.minimumf %min3A_1624, %add3A_1752 : vector<16xf32>
        %min3A_1754 = arith.minimumf %add3A_1740, %add3A_1752 : vector<16xf32>
        %sub3A_1755 = vector.broadcast %squeeze3A_1725 : f32 to vector<16xf32>
        %sub3A_1756 = arith.subf %get3A_78, %sub3A_1755 : vector<16xf32>
        %sub3A_1757 = vector.broadcast %squeeze3A_1727 : f32 to vector<16xf32>
        %sub3A_1758 = arith.subf %get3A_134, %sub3A_1757 : vector<16xf32>
        %sub3A_1759 = vector.broadcast %squeeze3A_1729 : f32 to vector<16xf32>
        %sub3A_1760 = arith.subf %get3A_190, %sub3A_1759 : vector<16xf32>
        %mul3A_1761 = arith.mulf %sub3A_1756, %sub3A_1756 : vector<16xf32>
        %mul3A_1762 = arith.mulf %sub3A_1758, %sub3A_1758 : vector<16xf32>
        %add3A_1763 = arith.addf %mul3A_1761, %mul3A_1762 : vector<16xf32>
        %mul3A_1764 = arith.mulf %sub3A_1760, %sub3A_1760 : vector<16xf32>
        %add3A_1765 = arith.addf %add3A_1763, %mul3A_1764 : vector<16xf32>
        %min3A_1766 = arith.minimumf %min3A_1637, %add3A_1765 : vector<16xf32>
        %min3A_1767 = arith.minimumf %min3A_1754, %add3A_1765 : vector<16xf32>
        %sub3A_1768 = vector.broadcast %squeeze3A_1725 : f32 to vector<16xf32>
        %sub3A_1769 = arith.subf %get3A_85, %sub3A_1768 : vector<16xf32>
        %sub3A_1770 = vector.broadcast %squeeze3A_1727 : f32 to vector<16xf32>
        %sub3A_1771 = arith.subf %get3A_141, %sub3A_1770 : vector<16xf32>
        %sub3A_1772 = vector.broadcast %squeeze3A_1729 : f32 to vector<16xf32>
        %sub3A_1773 = arith.subf %get3A_197, %sub3A_1772 : vector<16xf32>
        %mul3A_1774 = arith.mulf %sub3A_1769, %sub3A_1769 : vector<16xf32>
        %mul3A_1775 = arith.mulf %sub3A_1771, %sub3A_1771 : vector<16xf32>
        %add3A_1776 = arith.addf %mul3A_1774, %mul3A_1775 : vector<16xf32>
        %mul3A_1777 = arith.mulf %sub3A_1773, %sub3A_1773 : vector<16xf32>
        %add3A_1778 = arith.addf %add3A_1776, %mul3A_1777 : vector<16xf32>
        %min3A_1779 = arith.minimumf %min3A_1650, %add3A_1778 : vector<16xf32>
        %min3A_1780 = arith.minimumf %min3A_1767, %add3A_1778 : vector<16xf32>
        %sub3A_1781 = vector.broadcast %squeeze3A_1725 : f32 to vector<16xf32>
        %sub3A_1782 = arith.subf %get3A_92, %sub3A_1781 : vector<16xf32>
        %sub3A_1783 = vector.broadcast %squeeze3A_1727 : f32 to vector<16xf32>
        %sub3A_1784 = arith.subf %get3A_148, %sub3A_1783 : vector<16xf32>
        %sub3A_1785 = vector.broadcast %squeeze3A_1729 : f32 to vector<16xf32>
        %sub3A_1786 = arith.subf %get3A_204, %sub3A_1785 : vector<16xf32>
        %mul3A_1787 = arith.mulf %sub3A_1782, %sub3A_1782 : vector<16xf32>
        %mul3A_1788 = arith.mulf %sub3A_1784, %sub3A_1784 : vector<16xf32>
        %add3A_1789 = arith.addf %mul3A_1787, %mul3A_1788 : vector<16xf32>
        %mul3A_1790 = arith.mulf %sub3A_1786, %sub3A_1786 : vector<16xf32>
        %add3A_1791 = arith.addf %add3A_1789, %mul3A_1790 : vector<16xf32>
        %min3A_1792 = arith.minimumf %min3A_1663, %add3A_1791 : vector<16xf32>
        %min3A_1793 = arith.minimumf %min3A_1780, %add3A_1791 : vector<16xf32>
        %sub3A_1794 = vector.broadcast %squeeze3A_1725 : f32 to vector<16xf32>
        %sub3A_1795 = arith.subf %get3A_99, %sub3A_1794 : vector<16xf32>
        %sub3A_1796 = vector.broadcast %squeeze3A_1727 : f32 to vector<16xf32>
        %sub3A_1797 = arith.subf %get3A_155, %sub3A_1796 : vector<16xf32>
        %sub3A_1798 = vector.broadcast %squeeze3A_1729 : f32 to vector<16xf32>
        %sub3A_1799 = arith.subf %get3A_211, %sub3A_1798 : vector<16xf32>
        %mul3A_1800 = arith.mulf %sub3A_1795, %sub3A_1795 : vector<16xf32>
        %mul3A_1801 = arith.mulf %sub3A_1797, %sub3A_1797 : vector<16xf32>
        %add3A_1802 = arith.addf %mul3A_1800, %mul3A_1801 : vector<16xf32>
        %mul3A_1803 = arith.mulf %sub3A_1799, %sub3A_1799 : vector<16xf32>
        %add3A_1804 = arith.addf %add3A_1802, %mul3A_1803 : vector<16xf32>
        %min3A_1805 = arith.minimumf %min3A_1676, %add3A_1804 : vector<16xf32>
        %min3A_1806 = arith.minimumf %min3A_1793, %add3A_1804 : vector<16xf32>
        %sub3A_1807 = vector.broadcast %squeeze3A_1725 : f32 to vector<16xf32>
        %sub3A_1808 = arith.subf %get3A_106, %sub3A_1807 : vector<16xf32>
        %sub3A_1809 = vector.broadcast %squeeze3A_1727 : f32 to vector<16xf32>
        %sub3A_1810 = arith.subf %get3A_162, %sub3A_1809 : vector<16xf32>
        %sub3A_1811 = vector.broadcast %squeeze3A_1729 : f32 to vector<16xf32>
        %sub3A_1812 = arith.subf %get3A_218, %sub3A_1811 : vector<16xf32>
        %mul3A_1813 = arith.mulf %sub3A_1808, %sub3A_1808 : vector<16xf32>
        %mul3A_1814 = arith.mulf %sub3A_1810, %sub3A_1810 : vector<16xf32>
        %add3A_1815 = arith.addf %mul3A_1813, %mul3A_1814 : vector<16xf32>
        %mul3A_1816 = arith.mulf %sub3A_1812, %sub3A_1812 : vector<16xf32>
        %add3A_1817 = arith.addf %add3A_1815, %mul3A_1816 : vector<16xf32>
        %min3A_1818 = arith.minimumf %min3A_1689, %add3A_1817 : vector<16xf32>
        %min3A_1819 = arith.minimumf %min3A_1806, %add3A_1817 : vector<16xf32>
        %sub3A_1820 = vector.broadcast %squeeze3A_1725 : f32 to vector<16xf32>
        %sub3A_1821 = arith.subf %get3A_113, %sub3A_1820 : vector<16xf32>
        %sub3A_1822 = vector.broadcast %squeeze3A_1727 : f32 to vector<16xf32>
        %sub3A_1823 = arith.subf %get3A_169, %sub3A_1822 : vector<16xf32>
        %sub3A_1824 = vector.broadcast %squeeze3A_1729 : f32 to vector<16xf32>
        %sub3A_1825 = arith.subf %get3A_225, %sub3A_1824 : vector<16xf32>
        %mul3A_1826 = arith.mulf %sub3A_1821, %sub3A_1821 : vector<16xf32>
        %mul3A_1827 = arith.mulf %sub3A_1823, %sub3A_1823 : vector<16xf32>
        %add3A_1828 = arith.addf %mul3A_1826, %mul3A_1827 : vector<16xf32>
        %mul3A_1829 = arith.mulf %sub3A_1825, %sub3A_1825 : vector<16xf32>
        %add3A_1830 = arith.addf %add3A_1828, %mul3A_1829 : vector<16xf32>
        %min3A_1831 = arith.minimumf %min3A_1702, %add3A_1830 : vector<16xf32>
        %min3A_1832 = arith.minimumf %min3A_1819, %add3A_1830 : vector<16xf32>
        %broadcast_in_dim3A_1833 = vector.shape_cast %xor3A_35 : vector<16xi32> to vector<16x1xi32>
        %gather3A_1834 = vector.shape_cast %broadcast_in_dim3A_1833 : vector<16x1xi32> to vector<16xi32>
        %gather3A_1835 = tpu.dynamic_gather %min3A_1832[%gather3A_1834] in [0] : vector<16xf32>, vector<16xi32> -> vector<16xf32>
        %min3A_1836 = arith.minimumf %min3A_1832, %gather3A_1835 : vector<16xf32>
        %broadcast_in_dim3A_1837 = vector.shape_cast %xor3A_38 : vector<16xi32> to vector<16x1xi32>
        %gather3A_1838 = vector.shape_cast %broadcast_in_dim3A_1837 : vector<16x1xi32> to vector<16xi32>
        %gather3A_1839 = tpu.dynamic_gather %min3A_1836[%gather3A_1838] in [0] : vector<16xf32>, vector<16xi32> -> vector<16xf32>
        %min3A_1840 = arith.minimumf %min3A_1836, %gather3A_1839 : vector<16xf32>
        %broadcast_in_dim3A_1841 = vector.shape_cast %xor3A_41 : vector<16xi32> to vector<16x1xi32>
        %gather3A_1842 = vector.shape_cast %broadcast_in_dim3A_1841 : vector<16x1xi32> to vector<16xi32>
        %gather3A_1843 = tpu.dynamic_gather %min3A_1840[%gather3A_1842] in [0] : vector<16xf32>, vector<16xi32> -> vector<16xf32>
        %min3A_1844 = arith.minimumf %min3A_1840, %gather3A_1843 : vector<16xf32>
        %broadcast_in_dim3A_1845 = vector.shape_cast %xor3A_44 : vector<16xi32> to vector<16x1xi32>
        %gather3A_1846 = vector.shape_cast %broadcast_in_dim3A_1845 : vector<16x1xi32> to vector<16xi32>
        %gather3A_1847 = tpu.dynamic_gather %min3A_1844[%gather3A_1846] in [0] : vector<16xf32>, vector<16xi32> -> vector<16xf32>
        %min3A_1848 = arith.minimumf %min3A_1844, %gather3A_1847 : vector<16xf32>
        %eq3A_1849 = arith.constant 11 : i32
        %eq3A_1850 = vector.broadcast %eq3A_1849 : i32 to vector<16xi32>
        %eq3A_1851 = arith.cmpi eq, %iota3A, %eq3A_1850 : vector<16xi32>
        %select_n3A_1852 = arith.select %eq3A_1851, %min3A_1848, %select_n3A_1723 : vector<16xi1>, vector<16xf32>
        %slice3A_1853 = vector.extract_strided_slice %get3A_294 {offsets = [12], sizes = [1], strides = [1]} : vector<16xf32> to vector<1xf32>
        %squeeze3A_1854 = vector.extract %slice3A_1853[0] : f32 from vector<1xf32>
        %slice3A_1855 = vector.extract_strided_slice %get3A_301 {offsets = [12], sizes = [1], strides = [1]} : vector<16xf32> to vector<1xf32>
        %squeeze3A_1856 = vector.extract %slice3A_1855[0] : f32 from vector<1xf32>
        %slice3A_1857 = vector.extract_strided_slice %get3A_308 {offsets = [12], sizes = [1], strides = [1]} : vector<16xf32> to vector<1xf32>
        %squeeze3A_1858 = vector.extract %slice3A_1857[0] : f32 from vector<1xf32>
        %sub3A_1859 = vector.broadcast %squeeze3A_1854 : f32 to vector<16xf32>
        %sub3A_1860 = arith.subf %get3A_64, %sub3A_1859 : vector<16xf32>
        %sub3A_1861 = vector.broadcast %squeeze3A_1856 : f32 to vector<16xf32>
        %sub3A_1862 = arith.subf %get3A_120, %sub3A_1861 : vector<16xf32>
        %sub3A_1863 = vector.broadcast %squeeze3A_1858 : f32 to vector<16xf32>
        %sub3A_1864 = arith.subf %get3A_176, %sub3A_1863 : vector<16xf32>
        %mul3A_1865 = arith.mulf %sub3A_1860, %sub3A_1860 : vector<16xf32>
        %mul3A_1866 = arith.mulf %sub3A_1862, %sub3A_1862 : vector<16xf32>
        %add3A_1867 = arith.addf %mul3A_1865, %mul3A_1866 : vector<16xf32>
        %mul3A_1868 = arith.mulf %sub3A_1864, %sub3A_1864 : vector<16xf32>
        %add3A_1869 = arith.addf %add3A_1867, %mul3A_1868 : vector<16xf32>
        %min3A_1870 = arith.minimumf %min3A_1741, %add3A_1869 : vector<16xf32>
        %sub3A_1871 = vector.broadcast %squeeze3A_1854 : f32 to vector<16xf32>
        %sub3A_1872 = arith.subf %get3A_71, %sub3A_1871 : vector<16xf32>
        %sub3A_1873 = vector.broadcast %squeeze3A_1856 : f32 to vector<16xf32>
        %sub3A_1874 = arith.subf %get3A_127, %sub3A_1873 : vector<16xf32>
        %sub3A_1875 = vector.broadcast %squeeze3A_1858 : f32 to vector<16xf32>
        %sub3A_1876 = arith.subf %get3A_183, %sub3A_1875 : vector<16xf32>
        %mul3A_1877 = arith.mulf %sub3A_1872, %sub3A_1872 : vector<16xf32>
        %mul3A_1878 = arith.mulf %sub3A_1874, %sub3A_1874 : vector<16xf32>
        %add3A_1879 = arith.addf %mul3A_1877, %mul3A_1878 : vector<16xf32>
        %mul3A_1880 = arith.mulf %sub3A_1876, %sub3A_1876 : vector<16xf32>
        %add3A_1881 = arith.addf %add3A_1879, %mul3A_1880 : vector<16xf32>
        %min3A_1882 = arith.minimumf %min3A_1753, %add3A_1881 : vector<16xf32>
        %min3A_1883 = arith.minimumf %add3A_1869, %add3A_1881 : vector<16xf32>
        %sub3A_1884 = vector.broadcast %squeeze3A_1854 : f32 to vector<16xf32>
        %sub3A_1885 = arith.subf %get3A_78, %sub3A_1884 : vector<16xf32>
        %sub3A_1886 = vector.broadcast %squeeze3A_1856 : f32 to vector<16xf32>
        %sub3A_1887 = arith.subf %get3A_134, %sub3A_1886 : vector<16xf32>
        %sub3A_1888 = vector.broadcast %squeeze3A_1858 : f32 to vector<16xf32>
        %sub3A_1889 = arith.subf %get3A_190, %sub3A_1888 : vector<16xf32>
        %mul3A_1890 = arith.mulf %sub3A_1885, %sub3A_1885 : vector<16xf32>
        %mul3A_1891 = arith.mulf %sub3A_1887, %sub3A_1887 : vector<16xf32>
        %add3A_1892 = arith.addf %mul3A_1890, %mul3A_1891 : vector<16xf32>
        %mul3A_1893 = arith.mulf %sub3A_1889, %sub3A_1889 : vector<16xf32>
        %add3A_1894 = arith.addf %add3A_1892, %mul3A_1893 : vector<16xf32>
        %min3A_1895 = arith.minimumf %min3A_1766, %add3A_1894 : vector<16xf32>
        %min3A_1896 = arith.minimumf %min3A_1883, %add3A_1894 : vector<16xf32>
        %sub3A_1897 = vector.broadcast %squeeze3A_1854 : f32 to vector<16xf32>
        %sub3A_1898 = arith.subf %get3A_85, %sub3A_1897 : vector<16xf32>
        %sub3A_1899 = vector.broadcast %squeeze3A_1856 : f32 to vector<16xf32>
        %sub3A_1900 = arith.subf %get3A_141, %sub3A_1899 : vector<16xf32>
        %sub3A_1901 = vector.broadcast %squeeze3A_1858 : f32 to vector<16xf32>
        %sub3A_1902 = arith.subf %get3A_197, %sub3A_1901 : vector<16xf32>
        %mul3A_1903 = arith.mulf %sub3A_1898, %sub3A_1898 : vector<16xf32>
        %mul3A_1904 = arith.mulf %sub3A_1900, %sub3A_1900 : vector<16xf32>
        %add3A_1905 = arith.addf %mul3A_1903, %mul3A_1904 : vector<16xf32>
        %mul3A_1906 = arith.mulf %sub3A_1902, %sub3A_1902 : vector<16xf32>
        %add3A_1907 = arith.addf %add3A_1905, %mul3A_1906 : vector<16xf32>
        %min3A_1908 = arith.minimumf %min3A_1779, %add3A_1907 : vector<16xf32>
        %min3A_1909 = arith.minimumf %min3A_1896, %add3A_1907 : vector<16xf32>
        %sub3A_1910 = vector.broadcast %squeeze3A_1854 : f32 to vector<16xf32>
        %sub3A_1911 = arith.subf %get3A_92, %sub3A_1910 : vector<16xf32>
        %sub3A_1912 = vector.broadcast %squeeze3A_1856 : f32 to vector<16xf32>
        %sub3A_1913 = arith.subf %get3A_148, %sub3A_1912 : vector<16xf32>
        %sub3A_1914 = vector.broadcast %squeeze3A_1858 : f32 to vector<16xf32>
        %sub3A_1915 = arith.subf %get3A_204, %sub3A_1914 : vector<16xf32>
        %mul3A_1916 = arith.mulf %sub3A_1911, %sub3A_1911 : vector<16xf32>
        %mul3A_1917 = arith.mulf %sub3A_1913, %sub3A_1913 : vector<16xf32>
        %add3A_1918 = arith.addf %mul3A_1916, %mul3A_1917 : vector<16xf32>
        %mul3A_1919 = arith.mulf %sub3A_1915, %sub3A_1915 : vector<16xf32>
        %add3A_1920 = arith.addf %add3A_1918, %mul3A_1919 : vector<16xf32>
        %min3A_1921 = arith.minimumf %min3A_1792, %add3A_1920 : vector<16xf32>
        %min3A_1922 = arith.minimumf %min3A_1909, %add3A_1920 : vector<16xf32>
        %sub3A_1923 = vector.broadcast %squeeze3A_1854 : f32 to vector<16xf32>
        %sub3A_1924 = arith.subf %get3A_99, %sub3A_1923 : vector<16xf32>
        %sub3A_1925 = vector.broadcast %squeeze3A_1856 : f32 to vector<16xf32>
        %sub3A_1926 = arith.subf %get3A_155, %sub3A_1925 : vector<16xf32>
        %sub3A_1927 = vector.broadcast %squeeze3A_1858 : f32 to vector<16xf32>
        %sub3A_1928 = arith.subf %get3A_211, %sub3A_1927 : vector<16xf32>
        %mul3A_1929 = arith.mulf %sub3A_1924, %sub3A_1924 : vector<16xf32>
        %mul3A_1930 = arith.mulf %sub3A_1926, %sub3A_1926 : vector<16xf32>
        %add3A_1931 = arith.addf %mul3A_1929, %mul3A_1930 : vector<16xf32>
        %mul3A_1932 = arith.mulf %sub3A_1928, %sub3A_1928 : vector<16xf32>
        %add3A_1933 = arith.addf %add3A_1931, %mul3A_1932 : vector<16xf32>
        %min3A_1934 = arith.minimumf %min3A_1805, %add3A_1933 : vector<16xf32>
        %min3A_1935 = arith.minimumf %min3A_1922, %add3A_1933 : vector<16xf32>
        %sub3A_1936 = vector.broadcast %squeeze3A_1854 : f32 to vector<16xf32>
        %sub3A_1937 = arith.subf %get3A_106, %sub3A_1936 : vector<16xf32>
        %sub3A_1938 = vector.broadcast %squeeze3A_1856 : f32 to vector<16xf32>
        %sub3A_1939 = arith.subf %get3A_162, %sub3A_1938 : vector<16xf32>
        %sub3A_1940 = vector.broadcast %squeeze3A_1858 : f32 to vector<16xf32>
        %sub3A_1941 = arith.subf %get3A_218, %sub3A_1940 : vector<16xf32>
        %mul3A_1942 = arith.mulf %sub3A_1937, %sub3A_1937 : vector<16xf32>
        %mul3A_1943 = arith.mulf %sub3A_1939, %sub3A_1939 : vector<16xf32>
        %add3A_1944 = arith.addf %mul3A_1942, %mul3A_1943 : vector<16xf32>
        %mul3A_1945 = arith.mulf %sub3A_1941, %sub3A_1941 : vector<16xf32>
        %add3A_1946 = arith.addf %add3A_1944, %mul3A_1945 : vector<16xf32>
        %min3A_1947 = arith.minimumf %min3A_1818, %add3A_1946 : vector<16xf32>
        %min3A_1948 = arith.minimumf %min3A_1935, %add3A_1946 : vector<16xf32>
        %sub3A_1949 = vector.broadcast %squeeze3A_1854 : f32 to vector<16xf32>
        %sub3A_1950 = arith.subf %get3A_113, %sub3A_1949 : vector<16xf32>
        %sub3A_1951 = vector.broadcast %squeeze3A_1856 : f32 to vector<16xf32>
        %sub3A_1952 = arith.subf %get3A_169, %sub3A_1951 : vector<16xf32>
        %sub3A_1953 = vector.broadcast %squeeze3A_1858 : f32 to vector<16xf32>
        %sub3A_1954 = arith.subf %get3A_225, %sub3A_1953 : vector<16xf32>
        %mul3A_1955 = arith.mulf %sub3A_1950, %sub3A_1950 : vector<16xf32>
        %mul3A_1956 = arith.mulf %sub3A_1952, %sub3A_1952 : vector<16xf32>
        %add3A_1957 = arith.addf %mul3A_1955, %mul3A_1956 : vector<16xf32>
        %mul3A_1958 = arith.mulf %sub3A_1954, %sub3A_1954 : vector<16xf32>
        %add3A_1959 = arith.addf %add3A_1957, %mul3A_1958 : vector<16xf32>
        %min3A_1960 = arith.minimumf %min3A_1831, %add3A_1959 : vector<16xf32>
        %min3A_1961 = arith.minimumf %min3A_1948, %add3A_1959 : vector<16xf32>
        %broadcast_in_dim3A_1962 = vector.shape_cast %xor3A_35 : vector<16xi32> to vector<16x1xi32>
        %gather3A_1963 = vector.shape_cast %broadcast_in_dim3A_1962 : vector<16x1xi32> to vector<16xi32>
        %gather3A_1964 = tpu.dynamic_gather %min3A_1961[%gather3A_1963] in [0] : vector<16xf32>, vector<16xi32> -> vector<16xf32>
        %min3A_1965 = arith.minimumf %min3A_1961, %gather3A_1964 : vector<16xf32>
        %broadcast_in_dim3A_1966 = vector.shape_cast %xor3A_38 : vector<16xi32> to vector<16x1xi32>
        %gather3A_1967 = vector.shape_cast %broadcast_in_dim3A_1966 : vector<16x1xi32> to vector<16xi32>
        %gather3A_1968 = tpu.dynamic_gather %min3A_1965[%gather3A_1967] in [0] : vector<16xf32>, vector<16xi32> -> vector<16xf32>
        %min3A_1969 = arith.minimumf %min3A_1965, %gather3A_1968 : vector<16xf32>
        %broadcast_in_dim3A_1970 = vector.shape_cast %xor3A_41 : vector<16xi32> to vector<16x1xi32>
        %gather3A_1971 = vector.shape_cast %broadcast_in_dim3A_1970 : vector<16x1xi32> to vector<16xi32>
        %gather3A_1972 = tpu.dynamic_gather %min3A_1969[%gather3A_1971] in [0] : vector<16xf32>, vector<16xi32> -> vector<16xf32>
        %min3A_1973 = arith.minimumf %min3A_1969, %gather3A_1972 : vector<16xf32>
        %broadcast_in_dim3A_1974 = vector.shape_cast %xor3A_44 : vector<16xi32> to vector<16x1xi32>
        %gather3A_1975 = vector.shape_cast %broadcast_in_dim3A_1974 : vector<16x1xi32> to vector<16xi32>
        %gather3A_1976 = tpu.dynamic_gather %min3A_1973[%gather3A_1975] in [0] : vector<16xf32>, vector<16xi32> -> vector<16xf32>
        %min3A_1977 = arith.minimumf %min3A_1973, %gather3A_1976 : vector<16xf32>
        %eq3A_1978 = arith.constant 12 : i32
        %eq3A_1979 = vector.broadcast %eq3A_1978 : i32 to vector<16xi32>
        %eq3A_1980 = arith.cmpi eq, %iota3A, %eq3A_1979 : vector<16xi32>
        %select_n3A_1981 = arith.select %eq3A_1980, %min3A_1977, %select_n3A_1852 : vector<16xi1>, vector<16xf32>
        %slice3A_1982 = vector.extract_strided_slice %get3A_294 {offsets = [13], sizes = [1], strides = [1]} : vector<16xf32> to vector<1xf32>
        %squeeze3A_1983 = vector.extract %slice3A_1982[0] : f32 from vector<1xf32>
        %slice3A_1984 = vector.extract_strided_slice %get3A_301 {offsets = [13], sizes = [1], strides = [1]} : vector<16xf32> to vector<1xf32>
        %squeeze3A_1985 = vector.extract %slice3A_1984[0] : f32 from vector<1xf32>
        %slice3A_1986 = vector.extract_strided_slice %get3A_308 {offsets = [13], sizes = [1], strides = [1]} : vector<16xf32> to vector<1xf32>
        %squeeze3A_1987 = vector.extract %slice3A_1986[0] : f32 from vector<1xf32>
        %sub3A_1988 = vector.broadcast %squeeze3A_1983 : f32 to vector<16xf32>
        %sub3A_1989 = arith.subf %get3A_64, %sub3A_1988 : vector<16xf32>
        %sub3A_1990 = vector.broadcast %squeeze3A_1985 : f32 to vector<16xf32>
        %sub3A_1991 = arith.subf %get3A_120, %sub3A_1990 : vector<16xf32>
        %sub3A_1992 = vector.broadcast %squeeze3A_1987 : f32 to vector<16xf32>
        %sub3A_1993 = arith.subf %get3A_176, %sub3A_1992 : vector<16xf32>
        %mul3A_1994 = arith.mulf %sub3A_1989, %sub3A_1989 : vector<16xf32>
        %mul3A_1995 = arith.mulf %sub3A_1991, %sub3A_1991 : vector<16xf32>
        %add3A_1996 = arith.addf %mul3A_1994, %mul3A_1995 : vector<16xf32>
        %mul3A_1997 = arith.mulf %sub3A_1993, %sub3A_1993 : vector<16xf32>
        %add3A_1998 = arith.addf %add3A_1996, %mul3A_1997 : vector<16xf32>
        %min3A_1999 = arith.minimumf %min3A_1870, %add3A_1998 : vector<16xf32>
        %sub3A_2000 = vector.broadcast %squeeze3A_1983 : f32 to vector<16xf32>
        %sub3A_2001 = arith.subf %get3A_71, %sub3A_2000 : vector<16xf32>
        %sub3A_2002 = vector.broadcast %squeeze3A_1985 : f32 to vector<16xf32>
        %sub3A_2003 = arith.subf %get3A_127, %sub3A_2002 : vector<16xf32>
        %sub3A_2004 = vector.broadcast %squeeze3A_1987 : f32 to vector<16xf32>
        %sub3A_2005 = arith.subf %get3A_183, %sub3A_2004 : vector<16xf32>
        %mul3A_2006 = arith.mulf %sub3A_2001, %sub3A_2001 : vector<16xf32>
        %mul3A_2007 = arith.mulf %sub3A_2003, %sub3A_2003 : vector<16xf32>
        %add3A_2008 = arith.addf %mul3A_2006, %mul3A_2007 : vector<16xf32>
        %mul3A_2009 = arith.mulf %sub3A_2005, %sub3A_2005 : vector<16xf32>
        %add3A_2010 = arith.addf %add3A_2008, %mul3A_2009 : vector<16xf32>
        %min3A_2011 = arith.minimumf %min3A_1882, %add3A_2010 : vector<16xf32>
        %min3A_2012 = arith.minimumf %add3A_1998, %add3A_2010 : vector<16xf32>
        %sub3A_2013 = vector.broadcast %squeeze3A_1983 : f32 to vector<16xf32>
        %sub3A_2014 = arith.subf %get3A_78, %sub3A_2013 : vector<16xf32>
        %sub3A_2015 = vector.broadcast %squeeze3A_1985 : f32 to vector<16xf32>
        %sub3A_2016 = arith.subf %get3A_134, %sub3A_2015 : vector<16xf32>
        %sub3A_2017 = vector.broadcast %squeeze3A_1987 : f32 to vector<16xf32>
        %sub3A_2018 = arith.subf %get3A_190, %sub3A_2017 : vector<16xf32>
        %mul3A_2019 = arith.mulf %sub3A_2014, %sub3A_2014 : vector<16xf32>
        %mul3A_2020 = arith.mulf %sub3A_2016, %sub3A_2016 : vector<16xf32>
        %add3A_2021 = arith.addf %mul3A_2019, %mul3A_2020 : vector<16xf32>
        %mul3A_2022 = arith.mulf %sub3A_2018, %sub3A_2018 : vector<16xf32>
        %add3A_2023 = arith.addf %add3A_2021, %mul3A_2022 : vector<16xf32>
        %min3A_2024 = arith.minimumf %min3A_1895, %add3A_2023 : vector<16xf32>
        %min3A_2025 = arith.minimumf %min3A_2012, %add3A_2023 : vector<16xf32>
        %sub3A_2026 = vector.broadcast %squeeze3A_1983 : f32 to vector<16xf32>
        %sub3A_2027 = arith.subf %get3A_85, %sub3A_2026 : vector<16xf32>
        %sub3A_2028 = vector.broadcast %squeeze3A_1985 : f32 to vector<16xf32>
        %sub3A_2029 = arith.subf %get3A_141, %sub3A_2028 : vector<16xf32>
        %sub3A_2030 = vector.broadcast %squeeze3A_1987 : f32 to vector<16xf32>
        %sub3A_2031 = arith.subf %get3A_197, %sub3A_2030 : vector<16xf32>
        %mul3A_2032 = arith.mulf %sub3A_2027, %sub3A_2027 : vector<16xf32>
        %mul3A_2033 = arith.mulf %sub3A_2029, %sub3A_2029 : vector<16xf32>
        %add3A_2034 = arith.addf %mul3A_2032, %mul3A_2033 : vector<16xf32>
        %mul3A_2035 = arith.mulf %sub3A_2031, %sub3A_2031 : vector<16xf32>
        %add3A_2036 = arith.addf %add3A_2034, %mul3A_2035 : vector<16xf32>
        %min3A_2037 = arith.minimumf %min3A_1908, %add3A_2036 : vector<16xf32>
        %min3A_2038 = arith.minimumf %min3A_2025, %add3A_2036 : vector<16xf32>
        %sub3A_2039 = vector.broadcast %squeeze3A_1983 : f32 to vector<16xf32>
        %sub3A_2040 = arith.subf %get3A_92, %sub3A_2039 : vector<16xf32>
        %sub3A_2041 = vector.broadcast %squeeze3A_1985 : f32 to vector<16xf32>
        %sub3A_2042 = arith.subf %get3A_148, %sub3A_2041 : vector<16xf32>
        %sub3A_2043 = vector.broadcast %squeeze3A_1987 : f32 to vector<16xf32>
        %sub3A_2044 = arith.subf %get3A_204, %sub3A_2043 : vector<16xf32>
        %mul3A_2045 = arith.mulf %sub3A_2040, %sub3A_2040 : vector<16xf32>
        %mul3A_2046 = arith.mulf %sub3A_2042, %sub3A_2042 : vector<16xf32>
        %add3A_2047 = arith.addf %mul3A_2045, %mul3A_2046 : vector<16xf32>
        %mul3A_2048 = arith.mulf %sub3A_2044, %sub3A_2044 : vector<16xf32>
        %add3A_2049 = arith.addf %add3A_2047, %mul3A_2048 : vector<16xf32>
        %min3A_2050 = arith.minimumf %min3A_1921, %add3A_2049 : vector<16xf32>
        %min3A_2051 = arith.minimumf %min3A_2038, %add3A_2049 : vector<16xf32>
        %sub3A_2052 = vector.broadcast %squeeze3A_1983 : f32 to vector<16xf32>
        %sub3A_2053 = arith.subf %get3A_99, %sub3A_2052 : vector<16xf32>
        %sub3A_2054 = vector.broadcast %squeeze3A_1985 : f32 to vector<16xf32>
        %sub3A_2055 = arith.subf %get3A_155, %sub3A_2054 : vector<16xf32>
        %sub3A_2056 = vector.broadcast %squeeze3A_1987 : f32 to vector<16xf32>
        %sub3A_2057 = arith.subf %get3A_211, %sub3A_2056 : vector<16xf32>
        %mul3A_2058 = arith.mulf %sub3A_2053, %sub3A_2053 : vector<16xf32>
        %mul3A_2059 = arith.mulf %sub3A_2055, %sub3A_2055 : vector<16xf32>
        %add3A_2060 = arith.addf %mul3A_2058, %mul3A_2059 : vector<16xf32>
        %mul3A_2061 = arith.mulf %sub3A_2057, %sub3A_2057 : vector<16xf32>
        %add3A_2062 = arith.addf %add3A_2060, %mul3A_2061 : vector<16xf32>
        %min3A_2063 = arith.minimumf %min3A_1934, %add3A_2062 : vector<16xf32>
        %min3A_2064 = arith.minimumf %min3A_2051, %add3A_2062 : vector<16xf32>
        %sub3A_2065 = vector.broadcast %squeeze3A_1983 : f32 to vector<16xf32>
        %sub3A_2066 = arith.subf %get3A_106, %sub3A_2065 : vector<16xf32>
        %sub3A_2067 = vector.broadcast %squeeze3A_1985 : f32 to vector<16xf32>
        %sub3A_2068 = arith.subf %get3A_162, %sub3A_2067 : vector<16xf32>
        %sub3A_2069 = vector.broadcast %squeeze3A_1987 : f32 to vector<16xf32>
        %sub3A_2070 = arith.subf %get3A_218, %sub3A_2069 : vector<16xf32>
        %mul3A_2071 = arith.mulf %sub3A_2066, %sub3A_2066 : vector<16xf32>
        %mul3A_2072 = arith.mulf %sub3A_2068, %sub3A_2068 : vector<16xf32>
        %add3A_2073 = arith.addf %mul3A_2071, %mul3A_2072 : vector<16xf32>
        %mul3A_2074 = arith.mulf %sub3A_2070, %sub3A_2070 : vector<16xf32>
        %add3A_2075 = arith.addf %add3A_2073, %mul3A_2074 : vector<16xf32>
        %min3A_2076 = arith.minimumf %min3A_1947, %add3A_2075 : vector<16xf32>
        %min3A_2077 = arith.minimumf %min3A_2064, %add3A_2075 : vector<16xf32>
        %sub3A_2078 = vector.broadcast %squeeze3A_1983 : f32 to vector<16xf32>
        %sub3A_2079 = arith.subf %get3A_113, %sub3A_2078 : vector<16xf32>
        %sub3A_2080 = vector.broadcast %squeeze3A_1985 : f32 to vector<16xf32>
        %sub3A_2081 = arith.subf %get3A_169, %sub3A_2080 : vector<16xf32>
        %sub3A_2082 = vector.broadcast %squeeze3A_1987 : f32 to vector<16xf32>
        %sub3A_2083 = arith.subf %get3A_225, %sub3A_2082 : vector<16xf32>
        %mul3A_2084 = arith.mulf %sub3A_2079, %sub3A_2079 : vector<16xf32>
        %mul3A_2085 = arith.mulf %sub3A_2081, %sub3A_2081 : vector<16xf32>
        %add3A_2086 = arith.addf %mul3A_2084, %mul3A_2085 : vector<16xf32>
        %mul3A_2087 = arith.mulf %sub3A_2083, %sub3A_2083 : vector<16xf32>
        %add3A_2088 = arith.addf %add3A_2086, %mul3A_2087 : vector<16xf32>
        %min3A_2089 = arith.minimumf %min3A_1960, %add3A_2088 : vector<16xf32>
        %min3A_2090 = arith.minimumf %min3A_2077, %add3A_2088 : vector<16xf32>
        %broadcast_in_dim3A_2091 = vector.shape_cast %xor3A_35 : vector<16xi32> to vector<16x1xi32>
        %gather3A_2092 = vector.shape_cast %broadcast_in_dim3A_2091 : vector<16x1xi32> to vector<16xi32>
        %gather3A_2093 = tpu.dynamic_gather %min3A_2090[%gather3A_2092] in [0] : vector<16xf32>, vector<16xi32> -> vector<16xf32>
        %min3A_2094 = arith.minimumf %min3A_2090, %gather3A_2093 : vector<16xf32>
        %broadcast_in_dim3A_2095 = vector.shape_cast %xor3A_38 : vector<16xi32> to vector<16x1xi32>
        %gather3A_2096 = vector.shape_cast %broadcast_in_dim3A_2095 : vector<16x1xi32> to vector<16xi32>
        %gather3A_2097 = tpu.dynamic_gather %min3A_2094[%gather3A_2096] in [0] : vector<16xf32>, vector<16xi32> -> vector<16xf32>
        %min3A_2098 = arith.minimumf %min3A_2094, %gather3A_2097 : vector<16xf32>
        %broadcast_in_dim3A_2099 = vector.shape_cast %xor3A_41 : vector<16xi32> to vector<16x1xi32>
        %gather3A_2100 = vector.shape_cast %broadcast_in_dim3A_2099 : vector<16x1xi32> to vector<16xi32>
        %gather3A_2101 = tpu.dynamic_gather %min3A_2098[%gather3A_2100] in [0] : vector<16xf32>, vector<16xi32> -> vector<16xf32>
        %min3A_2102 = arith.minimumf %min3A_2098, %gather3A_2101 : vector<16xf32>
        %broadcast_in_dim3A_2103 = vector.shape_cast %xor3A_44 : vector<16xi32> to vector<16x1xi32>
        %gather3A_2104 = vector.shape_cast %broadcast_in_dim3A_2103 : vector<16x1xi32> to vector<16xi32>
        %gather3A_2105 = tpu.dynamic_gather %min3A_2102[%gather3A_2104] in [0] : vector<16xf32>, vector<16xi32> -> vector<16xf32>
        %min3A_2106 = arith.minimumf %min3A_2102, %gather3A_2105 : vector<16xf32>
        %eq3A_2107 = arith.constant 13 : i32
        %eq3A_2108 = vector.broadcast %eq3A_2107 : i32 to vector<16xi32>
        %eq3A_2109 = arith.cmpi eq, %iota3A, %eq3A_2108 : vector<16xi32>
        %select_n3A_2110 = arith.select %eq3A_2109, %min3A_2106, %select_n3A_1981 : vector<16xi1>, vector<16xf32>
        %slice3A_2111 = vector.extract_strided_slice %get3A_294 {offsets = [14], sizes = [1], strides = [1]} : vector<16xf32> to vector<1xf32>
        %squeeze3A_2112 = vector.extract %slice3A_2111[0] : f32 from vector<1xf32>
        %slice3A_2113 = vector.extract_strided_slice %get3A_301 {offsets = [14], sizes = [1], strides = [1]} : vector<16xf32> to vector<1xf32>
        %squeeze3A_2114 = vector.extract %slice3A_2113[0] : f32 from vector<1xf32>
        %slice3A_2115 = vector.extract_strided_slice %get3A_308 {offsets = [14], sizes = [1], strides = [1]} : vector<16xf32> to vector<1xf32>
        %squeeze3A_2116 = vector.extract %slice3A_2115[0] : f32 from vector<1xf32>
        %sub3A_2117 = vector.broadcast %squeeze3A_2112 : f32 to vector<16xf32>
        %sub3A_2118 = arith.subf %get3A_64, %sub3A_2117 : vector<16xf32>
        %sub3A_2119 = vector.broadcast %squeeze3A_2114 : f32 to vector<16xf32>
        %sub3A_2120 = arith.subf %get3A_120, %sub3A_2119 : vector<16xf32>
        %sub3A_2121 = vector.broadcast %squeeze3A_2116 : f32 to vector<16xf32>
        %sub3A_2122 = arith.subf %get3A_176, %sub3A_2121 : vector<16xf32>
        %mul3A_2123 = arith.mulf %sub3A_2118, %sub3A_2118 : vector<16xf32>
        %mul3A_2124 = arith.mulf %sub3A_2120, %sub3A_2120 : vector<16xf32>
        %add3A_2125 = arith.addf %mul3A_2123, %mul3A_2124 : vector<16xf32>
        %mul3A_2126 = arith.mulf %sub3A_2122, %sub3A_2122 : vector<16xf32>
        %add3A_2127 = arith.addf %add3A_2125, %mul3A_2126 : vector<16xf32>
        %min3A_2128 = arith.minimumf %min3A_1999, %add3A_2127 : vector<16xf32>
        %sub3A_2129 = vector.broadcast %squeeze3A_2112 : f32 to vector<16xf32>
        %sub3A_2130 = arith.subf %get3A_71, %sub3A_2129 : vector<16xf32>
        %sub3A_2131 = vector.broadcast %squeeze3A_2114 : f32 to vector<16xf32>
        %sub3A_2132 = arith.subf %get3A_127, %sub3A_2131 : vector<16xf32>
        %sub3A_2133 = vector.broadcast %squeeze3A_2116 : f32 to vector<16xf32>
        %sub3A_2134 = arith.subf %get3A_183, %sub3A_2133 : vector<16xf32>
        %mul3A_2135 = arith.mulf %sub3A_2130, %sub3A_2130 : vector<16xf32>
        %mul3A_2136 = arith.mulf %sub3A_2132, %sub3A_2132 : vector<16xf32>
        %add3A_2137 = arith.addf %mul3A_2135, %mul3A_2136 : vector<16xf32>
        %mul3A_2138 = arith.mulf %sub3A_2134, %sub3A_2134 : vector<16xf32>
        %add3A_2139 = arith.addf %add3A_2137, %mul3A_2138 : vector<16xf32>
        %min3A_2140 = arith.minimumf %min3A_2011, %add3A_2139 : vector<16xf32>
        %min3A_2141 = arith.minimumf %add3A_2127, %add3A_2139 : vector<16xf32>
        %sub3A_2142 = vector.broadcast %squeeze3A_2112 : f32 to vector<16xf32>
        %sub3A_2143 = arith.subf %get3A_78, %sub3A_2142 : vector<16xf32>
        %sub3A_2144 = vector.broadcast %squeeze3A_2114 : f32 to vector<16xf32>
        %sub3A_2145 = arith.subf %get3A_134, %sub3A_2144 : vector<16xf32>
        %sub3A_2146 = vector.broadcast %squeeze3A_2116 : f32 to vector<16xf32>
        %sub3A_2147 = arith.subf %get3A_190, %sub3A_2146 : vector<16xf32>
        %mul3A_2148 = arith.mulf %sub3A_2143, %sub3A_2143 : vector<16xf32>
        %mul3A_2149 = arith.mulf %sub3A_2145, %sub3A_2145 : vector<16xf32>
        %add3A_2150 = arith.addf %mul3A_2148, %mul3A_2149 : vector<16xf32>
        %mul3A_2151 = arith.mulf %sub3A_2147, %sub3A_2147 : vector<16xf32>
        %add3A_2152 = arith.addf %add3A_2150, %mul3A_2151 : vector<16xf32>
        %min3A_2153 = arith.minimumf %min3A_2024, %add3A_2152 : vector<16xf32>
        %min3A_2154 = arith.minimumf %min3A_2141, %add3A_2152 : vector<16xf32>
        %sub3A_2155 = vector.broadcast %squeeze3A_2112 : f32 to vector<16xf32>
        %sub3A_2156 = arith.subf %get3A_85, %sub3A_2155 : vector<16xf32>
        %sub3A_2157 = vector.broadcast %squeeze3A_2114 : f32 to vector<16xf32>
        %sub3A_2158 = arith.subf %get3A_141, %sub3A_2157 : vector<16xf32>
        %sub3A_2159 = vector.broadcast %squeeze3A_2116 : f32 to vector<16xf32>
        %sub3A_2160 = arith.subf %get3A_197, %sub3A_2159 : vector<16xf32>
        %mul3A_2161 = arith.mulf %sub3A_2156, %sub3A_2156 : vector<16xf32>
        %mul3A_2162 = arith.mulf %sub3A_2158, %sub3A_2158 : vector<16xf32>
        %add3A_2163 = arith.addf %mul3A_2161, %mul3A_2162 : vector<16xf32>
        %mul3A_2164 = arith.mulf %sub3A_2160, %sub3A_2160 : vector<16xf32>
        %add3A_2165 = arith.addf %add3A_2163, %mul3A_2164 : vector<16xf32>
        %min3A_2166 = arith.minimumf %min3A_2037, %add3A_2165 : vector<16xf32>
        %min3A_2167 = arith.minimumf %min3A_2154, %add3A_2165 : vector<16xf32>
        %sub3A_2168 = vector.broadcast %squeeze3A_2112 : f32 to vector<16xf32>
        %sub3A_2169 = arith.subf %get3A_92, %sub3A_2168 : vector<16xf32>
        %sub3A_2170 = vector.broadcast %squeeze3A_2114 : f32 to vector<16xf32>
        %sub3A_2171 = arith.subf %get3A_148, %sub3A_2170 : vector<16xf32>
        %sub3A_2172 = vector.broadcast %squeeze3A_2116 : f32 to vector<16xf32>
        %sub3A_2173 = arith.subf %get3A_204, %sub3A_2172 : vector<16xf32>
        %mul3A_2174 = arith.mulf %sub3A_2169, %sub3A_2169 : vector<16xf32>
        %mul3A_2175 = arith.mulf %sub3A_2171, %sub3A_2171 : vector<16xf32>
        %add3A_2176 = arith.addf %mul3A_2174, %mul3A_2175 : vector<16xf32>
        %mul3A_2177 = arith.mulf %sub3A_2173, %sub3A_2173 : vector<16xf32>
        %add3A_2178 = arith.addf %add3A_2176, %mul3A_2177 : vector<16xf32>
        %min3A_2179 = arith.minimumf %min3A_2050, %add3A_2178 : vector<16xf32>
        %min3A_2180 = arith.minimumf %min3A_2167, %add3A_2178 : vector<16xf32>
        %sub3A_2181 = vector.broadcast %squeeze3A_2112 : f32 to vector<16xf32>
        %sub3A_2182 = arith.subf %get3A_99, %sub3A_2181 : vector<16xf32>
        %sub3A_2183 = vector.broadcast %squeeze3A_2114 : f32 to vector<16xf32>
        %sub3A_2184 = arith.subf %get3A_155, %sub3A_2183 : vector<16xf32>
        %sub3A_2185 = vector.broadcast %squeeze3A_2116 : f32 to vector<16xf32>
        %sub3A_2186 = arith.subf %get3A_211, %sub3A_2185 : vector<16xf32>
        %mul3A_2187 = arith.mulf %sub3A_2182, %sub3A_2182 : vector<16xf32>
        %mul3A_2188 = arith.mulf %sub3A_2184, %sub3A_2184 : vector<16xf32>
        %add3A_2189 = arith.addf %mul3A_2187, %mul3A_2188 : vector<16xf32>
        %mul3A_2190 = arith.mulf %sub3A_2186, %sub3A_2186 : vector<16xf32>
        %add3A_2191 = arith.addf %add3A_2189, %mul3A_2190 : vector<16xf32>
        %min3A_2192 = arith.minimumf %min3A_2063, %add3A_2191 : vector<16xf32>
        %min3A_2193 = arith.minimumf %min3A_2180, %add3A_2191 : vector<16xf32>
        %sub3A_2194 = vector.broadcast %squeeze3A_2112 : f32 to vector<16xf32>
        %sub3A_2195 = arith.subf %get3A_106, %sub3A_2194 : vector<16xf32>
        %sub3A_2196 = vector.broadcast %squeeze3A_2114 : f32 to vector<16xf32>
        %sub3A_2197 = arith.subf %get3A_162, %sub3A_2196 : vector<16xf32>
        %sub3A_2198 = vector.broadcast %squeeze3A_2116 : f32 to vector<16xf32>
        %sub3A_2199 = arith.subf %get3A_218, %sub3A_2198 : vector<16xf32>
        %mul3A_2200 = arith.mulf %sub3A_2195, %sub3A_2195 : vector<16xf32>
        %mul3A_2201 = arith.mulf %sub3A_2197, %sub3A_2197 : vector<16xf32>
        %add3A_2202 = arith.addf %mul3A_2200, %mul3A_2201 : vector<16xf32>
        %mul3A_2203 = arith.mulf %sub3A_2199, %sub3A_2199 : vector<16xf32>
        %add3A_2204 = arith.addf %add3A_2202, %mul3A_2203 : vector<16xf32>
        %min3A_2205 = arith.minimumf %min3A_2076, %add3A_2204 : vector<16xf32>
        %min3A_2206 = arith.minimumf %min3A_2193, %add3A_2204 : vector<16xf32>
        %sub3A_2207 = vector.broadcast %squeeze3A_2112 : f32 to vector<16xf32>
        %sub3A_2208 = arith.subf %get3A_113, %sub3A_2207 : vector<16xf32>
        %sub3A_2209 = vector.broadcast %squeeze3A_2114 : f32 to vector<16xf32>
        %sub3A_2210 = arith.subf %get3A_169, %sub3A_2209 : vector<16xf32>
        %sub3A_2211 = vector.broadcast %squeeze3A_2116 : f32 to vector<16xf32>
        %sub3A_2212 = arith.subf %get3A_225, %sub3A_2211 : vector<16xf32>
        %mul3A_2213 = arith.mulf %sub3A_2208, %sub3A_2208 : vector<16xf32>
        %mul3A_2214 = arith.mulf %sub3A_2210, %sub3A_2210 : vector<16xf32>
        %add3A_2215 = arith.addf %mul3A_2213, %mul3A_2214 : vector<16xf32>
        %mul3A_2216 = arith.mulf %sub3A_2212, %sub3A_2212 : vector<16xf32>
        %add3A_2217 = arith.addf %add3A_2215, %mul3A_2216 : vector<16xf32>
        %min3A_2218 = arith.minimumf %min3A_2089, %add3A_2217 : vector<16xf32>
        %min3A_2219 = arith.minimumf %min3A_2206, %add3A_2217 : vector<16xf32>
        %broadcast_in_dim3A_2220 = vector.shape_cast %xor3A_35 : vector<16xi32> to vector<16x1xi32>
        %gather3A_2221 = vector.shape_cast %broadcast_in_dim3A_2220 : vector<16x1xi32> to vector<16xi32>
        %gather3A_2222 = tpu.dynamic_gather %min3A_2219[%gather3A_2221] in [0] : vector<16xf32>, vector<16xi32> -> vector<16xf32>
        %min3A_2223 = arith.minimumf %min3A_2219, %gather3A_2222 : vector<16xf32>
        %broadcast_in_dim3A_2224 = vector.shape_cast %xor3A_38 : vector<16xi32> to vector<16x1xi32>
        %gather3A_2225 = vector.shape_cast %broadcast_in_dim3A_2224 : vector<16x1xi32> to vector<16xi32>
        %gather3A_2226 = tpu.dynamic_gather %min3A_2223[%gather3A_2225] in [0] : vector<16xf32>, vector<16xi32> -> vector<16xf32>
        %min3A_2227 = arith.minimumf %min3A_2223, %gather3A_2226 : vector<16xf32>
        %broadcast_in_dim3A_2228 = vector.shape_cast %xor3A_41 : vector<16xi32> to vector<16x1xi32>
        %gather3A_2229 = vector.shape_cast %broadcast_in_dim3A_2228 : vector<16x1xi32> to vector<16xi32>
        %gather3A_2230 = tpu.dynamic_gather %min3A_2227[%gather3A_2229] in [0] : vector<16xf32>, vector<16xi32> -> vector<16xf32>
        %min3A_2231 = arith.minimumf %min3A_2227, %gather3A_2230 : vector<16xf32>
        %broadcast_in_dim3A_2232 = vector.shape_cast %xor3A_44 : vector<16xi32> to vector<16x1xi32>
        %gather3A_2233 = vector.shape_cast %broadcast_in_dim3A_2232 : vector<16x1xi32> to vector<16xi32>
        %gather3A_2234 = tpu.dynamic_gather %min3A_2231[%gather3A_2233] in [0] : vector<16xf32>, vector<16xi32> -> vector<16xf32>
        %min3A_2235 = arith.minimumf %min3A_2231, %gather3A_2234 : vector<16xf32>
        %eq3A_2236 = arith.constant 14 : i32
        %eq3A_2237 = vector.broadcast %eq3A_2236 : i32 to vector<16xi32>
        %eq3A_2238 = arith.cmpi eq, %iota3A, %eq3A_2237 : vector<16xi32>
        %select_n3A_2239 = arith.select %eq3A_2238, %min3A_2235, %select_n3A_2110 : vector<16xi1>, vector<16xf32>
        %slice3A_2240 = vector.extract_strided_slice %get3A_294 {offsets = [15], sizes = [1], strides = [1]} : vector<16xf32> to vector<1xf32>
        %squeeze3A_2241 = vector.extract %slice3A_2240[0] : f32 from vector<1xf32>
        %slice3A_2242 = vector.extract_strided_slice %get3A_301 {offsets = [15], sizes = [1], strides = [1]} : vector<16xf32> to vector<1xf32>
        %squeeze3A_2243 = vector.extract %slice3A_2242[0] : f32 from vector<1xf32>
        %slice3A_2244 = vector.extract_strided_slice %get3A_308 {offsets = [15], sizes = [1], strides = [1]} : vector<16xf32> to vector<1xf32>
        %squeeze3A_2245 = vector.extract %slice3A_2244[0] : f32 from vector<1xf32>
        %sub3A_2246 = vector.broadcast %squeeze3A_2241 : f32 to vector<16xf32>
        %sub3A_2247 = arith.subf %get3A_64, %sub3A_2246 : vector<16xf32>
        %sub3A_2248 = vector.broadcast %squeeze3A_2243 : f32 to vector<16xf32>
        %sub3A_2249 = arith.subf %get3A_120, %sub3A_2248 : vector<16xf32>
        %sub3A_2250 = vector.broadcast %squeeze3A_2245 : f32 to vector<16xf32>
        %sub3A_2251 = arith.subf %get3A_176, %sub3A_2250 : vector<16xf32>
        %mul3A_2252 = arith.mulf %sub3A_2247, %sub3A_2247 : vector<16xf32>
        %mul3A_2253 = arith.mulf %sub3A_2249, %sub3A_2249 : vector<16xf32>
        %add3A_2254 = arith.addf %mul3A_2252, %mul3A_2253 : vector<16xf32>
        %mul3A_2255 = arith.mulf %sub3A_2251, %sub3A_2251 : vector<16xf32>
        %add3A_2256 = arith.addf %add3A_2254, %mul3A_2255 : vector<16xf32>
        %min3A_2257 = arith.minimumf %min3A_2128, %add3A_2256 : vector<16xf32>
        %sub3A_2258 = vector.broadcast %squeeze3A_2241 : f32 to vector<16xf32>
        %sub3A_2259 = arith.subf %get3A_71, %sub3A_2258 : vector<16xf32>
        %sub3A_2260 = vector.broadcast %squeeze3A_2243 : f32 to vector<16xf32>
        %sub3A_2261 = arith.subf %get3A_127, %sub3A_2260 : vector<16xf32>
        %sub3A_2262 = vector.broadcast %squeeze3A_2245 : f32 to vector<16xf32>
        %sub3A_2263 = arith.subf %get3A_183, %sub3A_2262 : vector<16xf32>
        %mul3A_2264 = arith.mulf %sub3A_2259, %sub3A_2259 : vector<16xf32>
        %mul3A_2265 = arith.mulf %sub3A_2261, %sub3A_2261 : vector<16xf32>
        %add3A_2266 = arith.addf %mul3A_2264, %mul3A_2265 : vector<16xf32>
        %mul3A_2267 = arith.mulf %sub3A_2263, %sub3A_2263 : vector<16xf32>
        %add3A_2268 = arith.addf %add3A_2266, %mul3A_2267 : vector<16xf32>
        %min3A_2269 = arith.minimumf %min3A_2140, %add3A_2268 : vector<16xf32>
        %min3A_2270 = arith.minimumf %add3A_2256, %add3A_2268 : vector<16xf32>
        %sub3A_2271 = vector.broadcast %squeeze3A_2241 : f32 to vector<16xf32>
        %sub3A_2272 = arith.subf %get3A_78, %sub3A_2271 : vector<16xf32>
        %sub3A_2273 = vector.broadcast %squeeze3A_2243 : f32 to vector<16xf32>
        %sub3A_2274 = arith.subf %get3A_134, %sub3A_2273 : vector<16xf32>
        %sub3A_2275 = vector.broadcast %squeeze3A_2245 : f32 to vector<16xf32>
        %sub3A_2276 = arith.subf %get3A_190, %sub3A_2275 : vector<16xf32>
        %mul3A_2277 = arith.mulf %sub3A_2272, %sub3A_2272 : vector<16xf32>
        %mul3A_2278 = arith.mulf %sub3A_2274, %sub3A_2274 : vector<16xf32>
        %add3A_2279 = arith.addf %mul3A_2277, %mul3A_2278 : vector<16xf32>
        %mul3A_2280 = arith.mulf %sub3A_2276, %sub3A_2276 : vector<16xf32>
        %add3A_2281 = arith.addf %add3A_2279, %mul3A_2280 : vector<16xf32>
        %min3A_2282 = arith.minimumf %min3A_2153, %add3A_2281 : vector<16xf32>
        %min3A_2283 = arith.minimumf %min3A_2270, %add3A_2281 : vector<16xf32>
        %sub3A_2284 = vector.broadcast %squeeze3A_2241 : f32 to vector<16xf32>
        %sub3A_2285 = arith.subf %get3A_85, %sub3A_2284 : vector<16xf32>
        %sub3A_2286 = vector.broadcast %squeeze3A_2243 : f32 to vector<16xf32>
        %sub3A_2287 = arith.subf %get3A_141, %sub3A_2286 : vector<16xf32>
        %sub3A_2288 = vector.broadcast %squeeze3A_2245 : f32 to vector<16xf32>
        %sub3A_2289 = arith.subf %get3A_197, %sub3A_2288 : vector<16xf32>
        %mul3A_2290 = arith.mulf %sub3A_2285, %sub3A_2285 : vector<16xf32>
        %mul3A_2291 = arith.mulf %sub3A_2287, %sub3A_2287 : vector<16xf32>
        %add3A_2292 = arith.addf %mul3A_2290, %mul3A_2291 : vector<16xf32>
        %mul3A_2293 = arith.mulf %sub3A_2289, %sub3A_2289 : vector<16xf32>
        %add3A_2294 = arith.addf %add3A_2292, %mul3A_2293 : vector<16xf32>
        %min3A_2295 = arith.minimumf %min3A_2166, %add3A_2294 : vector<16xf32>
        %min3A_2296 = arith.minimumf %min3A_2283, %add3A_2294 : vector<16xf32>
        %sub3A_2297 = vector.broadcast %squeeze3A_2241 : f32 to vector<16xf32>
        %sub3A_2298 = arith.subf %get3A_92, %sub3A_2297 : vector<16xf32>
        %sub3A_2299 = vector.broadcast %squeeze3A_2243 : f32 to vector<16xf32>
        %sub3A_2300 = arith.subf %get3A_148, %sub3A_2299 : vector<16xf32>
        %sub3A_2301 = vector.broadcast %squeeze3A_2245 : f32 to vector<16xf32>
        %sub3A_2302 = arith.subf %get3A_204, %sub3A_2301 : vector<16xf32>
        %mul3A_2303 = arith.mulf %sub3A_2298, %sub3A_2298 : vector<16xf32>
        %mul3A_2304 = arith.mulf %sub3A_2300, %sub3A_2300 : vector<16xf32>
        %add3A_2305 = arith.addf %mul3A_2303, %mul3A_2304 : vector<16xf32>
        %mul3A_2306 = arith.mulf %sub3A_2302, %sub3A_2302 : vector<16xf32>
        %add3A_2307 = arith.addf %add3A_2305, %mul3A_2306 : vector<16xf32>
        %min3A_2308 = arith.minimumf %min3A_2179, %add3A_2307 : vector<16xf32>
        %min3A_2309 = arith.minimumf %min3A_2296, %add3A_2307 : vector<16xf32>
        %sub3A_2310 = vector.broadcast %squeeze3A_2241 : f32 to vector<16xf32>
        %sub3A_2311 = arith.subf %get3A_99, %sub3A_2310 : vector<16xf32>
        %sub3A_2312 = vector.broadcast %squeeze3A_2243 : f32 to vector<16xf32>
        %sub3A_2313 = arith.subf %get3A_155, %sub3A_2312 : vector<16xf32>
        %sub3A_2314 = vector.broadcast %squeeze3A_2245 : f32 to vector<16xf32>
        %sub3A_2315 = arith.subf %get3A_211, %sub3A_2314 : vector<16xf32>
        %mul3A_2316 = arith.mulf %sub3A_2311, %sub3A_2311 : vector<16xf32>
        %mul3A_2317 = arith.mulf %sub3A_2313, %sub3A_2313 : vector<16xf32>
        %add3A_2318 = arith.addf %mul3A_2316, %mul3A_2317 : vector<16xf32>
        %mul3A_2319 = arith.mulf %sub3A_2315, %sub3A_2315 : vector<16xf32>
        %add3A_2320 = arith.addf %add3A_2318, %mul3A_2319 : vector<16xf32>
        %min3A_2321 = arith.minimumf %min3A_2192, %add3A_2320 : vector<16xf32>
        %min3A_2322 = arith.minimumf %min3A_2309, %add3A_2320 : vector<16xf32>
        %sub3A_2323 = vector.broadcast %squeeze3A_2241 : f32 to vector<16xf32>
        %sub3A_2324 = arith.subf %get3A_106, %sub3A_2323 : vector<16xf32>
        %sub3A_2325 = vector.broadcast %squeeze3A_2243 : f32 to vector<16xf32>
        %sub3A_2326 = arith.subf %get3A_162, %sub3A_2325 : vector<16xf32>
        %sub3A_2327 = vector.broadcast %squeeze3A_2245 : f32 to vector<16xf32>
        %sub3A_2328 = arith.subf %get3A_218, %sub3A_2327 : vector<16xf32>
        %mul3A_2329 = arith.mulf %sub3A_2324, %sub3A_2324 : vector<16xf32>
        %mul3A_2330 = arith.mulf %sub3A_2326, %sub3A_2326 : vector<16xf32>
        %add3A_2331 = arith.addf %mul3A_2329, %mul3A_2330 : vector<16xf32>
        %mul3A_2332 = arith.mulf %sub3A_2328, %sub3A_2328 : vector<16xf32>
        %add3A_2333 = arith.addf %add3A_2331, %mul3A_2332 : vector<16xf32>
        %min3A_2334 = arith.minimumf %min3A_2205, %add3A_2333 : vector<16xf32>
        %min3A_2335 = arith.minimumf %min3A_2322, %add3A_2333 : vector<16xf32>
        %sub3A_2336 = vector.broadcast %squeeze3A_2241 : f32 to vector<16xf32>
        %sub3A_2337 = arith.subf %get3A_113, %sub3A_2336 : vector<16xf32>
        %sub3A_2338 = vector.broadcast %squeeze3A_2243 : f32 to vector<16xf32>
        %sub3A_2339 = arith.subf %get3A_169, %sub3A_2338 : vector<16xf32>
        %sub3A_2340 = vector.broadcast %squeeze3A_2245 : f32 to vector<16xf32>
        %sub3A_2341 = arith.subf %get3A_225, %sub3A_2340 : vector<16xf32>
        %mul3A_2342 = arith.mulf %sub3A_2337, %sub3A_2337 : vector<16xf32>
        %mul3A_2343 = arith.mulf %sub3A_2339, %sub3A_2339 : vector<16xf32>
        %add3A_2344 = arith.addf %mul3A_2342, %mul3A_2343 : vector<16xf32>
        %mul3A_2345 = arith.mulf %sub3A_2341, %sub3A_2341 : vector<16xf32>
        %add3A_2346 = arith.addf %add3A_2344, %mul3A_2345 : vector<16xf32>
        %min3A_2347 = arith.minimumf %min3A_2218, %add3A_2346 : vector<16xf32>
        %min3A_2348 = arith.minimumf %min3A_2335, %add3A_2346 : vector<16xf32>
        %broadcast_in_dim3A_2349 = vector.shape_cast %xor3A_35 : vector<16xi32> to vector<16x1xi32>
        %gather3A_2350 = vector.shape_cast %broadcast_in_dim3A_2349 : vector<16x1xi32> to vector<16xi32>
        %gather3A_2351 = tpu.dynamic_gather %min3A_2348[%gather3A_2350] in [0] : vector<16xf32>, vector<16xi32> -> vector<16xf32>
        %min3A_2352 = arith.minimumf %min3A_2348, %gather3A_2351 : vector<16xf32>
        %broadcast_in_dim3A_2353 = vector.shape_cast %xor3A_38 : vector<16xi32> to vector<16x1xi32>
        %gather3A_2354 = vector.shape_cast %broadcast_in_dim3A_2353 : vector<16x1xi32> to vector<16xi32>
        %gather3A_2355 = tpu.dynamic_gather %min3A_2352[%gather3A_2354] in [0] : vector<16xf32>, vector<16xi32> -> vector<16xf32>
        %min3A_2356 = arith.minimumf %min3A_2352, %gather3A_2355 : vector<16xf32>
        %broadcast_in_dim3A_2357 = vector.shape_cast %xor3A_41 : vector<16xi32> to vector<16x1xi32>
        %gather3A_2358 = vector.shape_cast %broadcast_in_dim3A_2357 : vector<16x1xi32> to vector<16xi32>
        %gather3A_2359 = tpu.dynamic_gather %min3A_2356[%gather3A_2358] in [0] : vector<16xf32>, vector<16xi32> -> vector<16xf32>
        %min3A_2360 = arith.minimumf %min3A_2356, %gather3A_2359 : vector<16xf32>
        %broadcast_in_dim3A_2361 = vector.shape_cast %xor3A_44 : vector<16xi32> to vector<16x1xi32>
        %gather3A_2362 = vector.shape_cast %broadcast_in_dim3A_2361 : vector<16x1xi32> to vector<16xi32>
        %gather3A_2363 = tpu.dynamic_gather %min3A_2360[%gather3A_2362] in [0] : vector<16xf32>, vector<16xi32> -> vector<16xf32>
        %min3A_2364 = arith.minimumf %min3A_2360, %gather3A_2363 : vector<16xf32>
        %eq3A_2365 = arith.constant 15 : i32
        %eq3A_2366 = vector.broadcast %eq3A_2365 : i32 to vector<16xi32>
        %eq3A_2367 = arith.cmpi eq, %iota3A, %eq3A_2366 : vector<16xi32>
        %select_n3A_2368 = arith.select %eq3A_2367, %min3A_2364, %select_n3A_2239 : vector<16xi1>, vector<16xf32>
        %mul3A_2369 = arith.constant 16 : i32
        %mul3A_2370 = arith.muli %scan3A_279, %mul3A_2369 : i32
        %get3A_2371 = arith.index_cast %mul3A_2370 : i32 to index
        %get3A_2372 = tpu.vector_load %arg12[%get3A_2371] {strides = array<i32>} : memref<640xf32, #tpu.memory_space<vmem>>, vector<16xf32>,
        %get3A_2373 = vector.shape_cast %get3A_2372 : vector<16xf32> to vector<16xf32>
        %min3A_2374 = arith.minimumf %get3A_2373, %select_n3A_2368 : vector<16xf32>
        %mul3A_2375 = arith.constant 16 : i32
        %mul3A_2376 = arith.muli %scan3A_279, %mul3A_2375 : i32
        %swap3A_2377 = arith.index_cast %mul3A_2376 : i32 to index
        %swap3A_2378 = tpu.vector_load %arg12[%swap3A_2377] {strides = array<i32>} : memref<640xf32, #tpu.memory_space<vmem>>, vector<16xf32>,
        %swap3A_2379 = vector.shape_cast %swap3A_2378 : vector<16xf32> to vector<16xf32>
        %swap3A_2380 = vector.shape_cast %min3A_2374 : vector<16xf32> to vector<16xf32>
        tpu.vector_store %arg12[%swap3A_2377], %swap3A_2380 {strides = array<i32>} : memref<640xf32, #tpu.memory_space<vmem>>, vector<16xf32>,
        scf.yield %min3A_2257, %min3A_2269, %min3A_2282, %min3A_2295, %min3A_2308, %min3A_2321, %min3A_2334, %min3A_2347 : vector<16xf32>, vector<16xf32>, vector<16xf32>, vector<16xf32>, vector<16xf32>, vector<16xf32>, vector<16xf32>, vector<16xf32>
      }
      %scan3A_231 = arith.constant 40 : i32
      %add3A_232 = arith.constant 0 : i32
      %add3A_233 = arith.addi %mul3A_58, %add3A_232 : i32
      %swap3A = arith.index_cast %add3A_233 : i32 to index
      %swap3A_234 = tpu.vector_load %arg13[%swap3A] {strides = array<i32>} : memref<4096xf32, #tpu.memory_space<vmem>>, vector<16xf32>,
      %swap3A_235 = vector.shape_cast %swap3A_234 : vector<16xf32> to vector<16xf32>
      %swap3A_236 = vector.shape_cast %scan3A_230#0 : vector<16xf32> to vector<16xf32>
      tpu.vector_store %arg13[%swap3A], %swap3A_236 {strides = array<i32>} : memref<4096xf32, #tpu.memory_space<vmem>>, vector<16xf32>,
      %add3A_237 = arith.constant 16 : i32
      %add3A_238 = arith.addi %mul3A_58, %add3A_237 : i32
      %swap3A_239 = arith.index_cast %add3A_238 : i32 to index
      %swap3A_240 = tpu.vector_load %arg13[%swap3A_239] {strides = array<i32>} : memref<4096xf32, #tpu.memory_space<vmem>>, vector<16xf32>,
      %swap3A_241 = vector.shape_cast %swap3A_240 : vector<16xf32> to vector<16xf32>
      %swap3A_242 = vector.shape_cast %scan3A_230#1 : vector<16xf32> to vector<16xf32>
      tpu.vector_store %arg13[%swap3A_239], %swap3A_242 {strides = array<i32>} : memref<4096xf32, #tpu.memory_space<vmem>>, vector<16xf32>,
      %add3A_243 = arith.constant 32 : i32
      %add3A_244 = arith.addi %mul3A_58, %add3A_243 : i32
      %swap3A_245 = arith.index_cast %add3A_244 : i32 to index
      %swap3A_246 = tpu.vector_load %arg13[%swap3A_245] {strides = array<i32>} : memref<4096xf32, #tpu.memory_space<vmem>>, vector<16xf32>,
      %swap3A_247 = vector.shape_cast %swap3A_246 : vector<16xf32> to vector<16xf32>
      %swap3A_248 = vector.shape_cast %scan3A_230#2 : vector<16xf32> to vector<16xf32>
      tpu.vector_store %arg13[%swap3A_245], %swap3A_248 {strides = array<i32>} : memref<4096xf32, #tpu.memory_space<vmem>>, vector<16xf32>,
      %add3A_249 = arith.constant 48 : i32
      %add3A_250 = arith.addi %mul3A_58, %add3A_249 : i32
      %swap3A_251 = arith.index_cast %add3A_250 : i32 to index
      %swap3A_252 = tpu.vector_load %arg13[%swap3A_251] {strides = array<i32>} : memref<4096xf32, #tpu.memory_space<vmem>>, vector<16xf32>,
      %swap3A_253 = vector.shape_cast %swap3A_252 : vector<16xf32> to vector<16xf32>
      %swap3A_254 = vector.shape_cast %scan3A_230#3 : vector<16xf32> to vector<16xf32>
      tpu.vector_store %arg13[%swap3A_251], %swap3A_254 {strides = array<i32>} : memref<4096xf32, #tpu.memory_space<vmem>>, vector<16xf32>,
      %add3A_255 = arith.constant 64 : i32
      %add3A_256 = arith.addi %mul3A_58, %add3A_255 : i32
      %swap3A_257 = arith.index_cast %add3A_256 : i32 to index
      %swap3A_258 = tpu.vector_load %arg13[%swap3A_257] {strides = array<i32>} : memref<4096xf32, #tpu.memory_space<vmem>>, vector<16xf32>,
      %swap3A_259 = vector.shape_cast %swap3A_258 : vector<16xf32> to vector<16xf32>
      %swap3A_260 = vector.shape_cast %scan3A_230#4 : vector<16xf32> to vector<16xf32>
      tpu.vector_store %arg13[%swap3A_257], %swap3A_260 {strides = array<i32>} : memref<4096xf32, #tpu.memory_space<vmem>>, vector<16xf32>,
      %add3A_261 = arith.constant 80 : i32
      %add3A_262 = arith.addi %mul3A_58, %add3A_261 : i32
      %swap3A_263 = arith.index_cast %add3A_262 : i32 to index
      %swap3A_264 = tpu.vector_load %arg13[%swap3A_263] {strides = array<i32>} : memref<4096xf32, #tpu.memory_space<vmem>>, vector<16xf32>,
      %swap3A_265 = vector.shape_cast %swap3A_264 : vector<16xf32> to vector<16xf32>
      %swap3A_266 = vector.shape_cast %scan3A_230#5 : vector<16xf32> to vector<16xf32>
      tpu.vector_store %arg13[%swap3A_263], %swap3A_266 {strides = array<i32>} : memref<4096xf32, #tpu.memory_space<vmem>>, vector<16xf32>,
      %add3A_267 = arith.constant 96 : i32
      %add3A_268 = arith.addi %mul3A_58, %add3A_267 : i32
      %swap3A_269 = arith.index_cast %add3A_268 : i32 to index
      %swap3A_270 = tpu.vector_load %arg13[%swap3A_269] {strides = array<i32>} : memref<4096xf32, #tpu.memory_space<vmem>>, vector<16xf32>,
      %swap3A_271 = vector.shape_cast %swap3A_270 : vector<16xf32> to vector<16xf32>
      %swap3A_272 = vector.shape_cast %scan3A_230#6 : vector<16xf32> to vector<16xf32>
      tpu.vector_store %arg13[%swap3A_269], %swap3A_272 {strides = array<i32>} : memref<4096xf32, #tpu.memory_space<vmem>>, vector<16xf32>,
      %add3A_273 = arith.constant 112 : i32
      %add3A_274 = arith.addi %mul3A_58, %add3A_273 : i32
      %swap3A_275 = arith.index_cast %add3A_274 : i32 to index
      %swap3A_276 = tpu.vector_load %arg13[%swap3A_275] {strides = array<i32>} : memref<4096xf32, #tpu.memory_space<vmem>>, vector<16xf32>,
      %swap3A_277 = vector.shape_cast %swap3A_276 : vector<16xf32> to vector<16xf32>
      %swap3A_278 = vector.shape_cast %scan3A_230#7 : vector<16xf32> to vector<16xf32>
      tpu.vector_store %arg13[%swap3A_275], %swap3A_278 {strides = array<i32>} : memref<4096xf32, #tpu.memory_space<vmem>>, vector<16xf32>,
    }
    %scan3A_55 = arith.constant 32 : i32
    "tpu.region"() ({
      %run_scoped3A = tpu.sem_alloc : memref<!tpu.dma_semaphore, #tpu.memory_space<semaphore_mem>>
      %dma_start3A = tpu.memref_slice %arg4[%select_n3A, %mul3A_32] : memref<8x2560xf32, #tpu.memory_space<hbm>> -> memref<1x640xf32, #tpu.memory_space<hbm>>
      %dma_start3A_56 = tpu.memref_squeeze %dma_start3A : memref<1x640xf32, #tpu.memory_space<hbm>> -> memref<640xf32, #tpu.memory_space<hbm>>
      %dma_start3A_57 = tpu.memref_slice %arg4[%select_n3A, %mul3A_32] : memref<8x2560xf32, #tpu.memory_space<hbm>> -> memref<1x640xf32, #tpu.memory_space<hbm>>
      %dma_start3A_58 = tpu.memref_squeeze %dma_start3A_57 : memref<1x640xf32, #tpu.memory_space<hbm>> -> memref<640xf32, #tpu.memory_space<hbm>>
      tpu.enqueue_dma source(%arg12 : memref<640xf32, #tpu.memory_space<vmem>>) target(%dma_start3A_58 : memref<640xf32, #tpu.memory_space<hbm>>) target_semaphore(%run_scoped3A : memref<!tpu.dma_semaphore, #tpu.memory_space<semaphore_mem>>)
      %dma_wait3A = tpu.memref_slice %arg4[%select_n3A, %mul3A_32] : memref<8x2560xf32, #tpu.memory_space<hbm>> -> memref<1x640xf32, #tpu.memory_space<hbm>>
      %dma_wait3A_59 = tpu.memref_squeeze %dma_wait3A : memref<1x640xf32, #tpu.memory_space<hbm>> -> memref<640xf32, #tpu.memory_space<hbm>>
      %dma_wait3A_60 = tpu.memref_slice %arg4[%select_n3A, %mul3A_32] : memref<8x2560xf32, #tpu.memory_space<hbm>> -> memref<1x640xf32, #tpu.memory_space<hbm>>
      %dma_wait3A_61 = tpu.memref_squeeze %dma_wait3A_60 : memref<1x640xf32, #tpu.memory_space<hbm>> -> memref<640xf32, #tpu.memory_space<hbm>>
      tpu.wait_dma2 semaphore(%run_scoped3A : memref<!tpu.dma_semaphore, #tpu.memory_space<semaphore_mem>>) src(%arg12 : memref<640xf32, #tpu.memory_space<vmem>>) dst(%dma_wait3A_61 : memref<640xf32, #tpu.memory_space<hbm>>)
      tpu.yield
    }) : () -> ()
    "tpu.region"() ({
      %run_scoped3A = tpu.sem_alloc : memref<!tpu.dma_semaphore, #tpu.memory_space<semaphore_mem>>
      %dma_start3A = arith.constant 0 : i32
      %dma_start3A_56 = tpu.memref_slice %arg5[%select_n3A, %select_n3A_30, %dma_start3A] : memref<8x4x4096xf32, #tpu.memory_space<hbm>> -> memref<1x1x4096xf32, #tpu.memory_space<hbm>>
      %dma_start3A_57 = tpu.memref_squeeze %dma_start3A_56 : memref<1x1x4096xf32, #tpu.memory_space<hbm>> -> memref<4096xf32, #tpu.memory_space<hbm>>
      %dma_start3A_58 = arith.constant 0 : i32
      %dma_start3A_59 = tpu.memref_slice %arg5[%select_n3A, %select_n3A_30, %dma_start3A_58] : memref<8x4x4096xf32, #tpu.memory_space<hbm>> -> memref<1x1x4096xf32, #tpu.memory_space<hbm>>
      %dma_start3A_60 = tpu.memref_squeeze %dma_start3A_59 : memref<1x1x4096xf32, #tpu.memory_space<hbm>> -> memref<4096xf32, #tpu.memory_space<hbm>>
      tpu.enqueue_dma source(%arg13 : memref<4096xf32, #tpu.memory_space<vmem>>) target(%dma_start3A_60 : memref<4096xf32, #tpu.memory_space<hbm>>) target_semaphore(%run_scoped3A : memref<!tpu.dma_semaphore, #tpu.memory_space<semaphore_mem>>)
      %dma_wait3A = arith.constant 0 : i32
      %dma_wait3A_61 = tpu.memref_slice %arg5[%select_n3A, %select_n3A_30, %dma_wait3A] : memref<8x4x4096xf32, #tpu.memory_space<hbm>> -> memref<1x1x4096xf32, #tpu.memory_space<hbm>>
      %dma_wait3A_62 = tpu.memref_squeeze %dma_wait3A_61 : memref<1x1x4096xf32, #tpu.memory_space<hbm>> -> memref<4096xf32, #tpu.memory_space<hbm>>
      %dma_wait3A_63 = arith.constant 0 : i32
      %dma_wait3A_64 = tpu.memref_slice %arg5[%select_n3A, %select_n3A_30, %dma_wait3A_63] : memref<8x4x4096xf32, #tpu.memory_space<hbm>> -> memref<1x1x4096xf32, #tpu.memory_space<hbm>>
      %dma_wait3A_65 = tpu.memref_squeeze %dma_wait3A_64 : memref<1x1x4096xf32, #tpu.memory_space<hbm>> -> memref<4096xf32, #tpu.memory_space<hbm>>
      tpu.wait_dma2 semaphore(%run_scoped3A : memref<!tpu.dma_semaphore, #tpu.memory_space<semaphore_mem>>) src(%arg13 : memref<4096xf32, #tpu.memory_space<vmem>>) dst(%dma_wait3A_65 : memref<4096xf32, #tpu.memory_space<hbm>>)
      tpu.yield
    }) : () -> ()
    return
  }
}

module attributes {stable_mosaic.version = 14 : i64} {
  func.func @_tp_body(%arg0: i32, %arg1: memref<1x8192x3xf32, #tpu.memory_space<vmem>>, %arg2: memref<1x4096x3xf32, #tpu.memory_space<vmem>>, %arg3: memref<1x3x8192xf32, #tpu.memory_space<vmem>>, %arg4: memref<1x3x4096xf32, #tpu.memory_space<vmem>>) attributes {dimension_semantics = [#tpu.dimension_semantics<arbitrary>], iteration_bounds = array<i64: 8>, scalar_prefetch = 0 : i64, scratch_operands = 0 : i64, tpu.core_type = #tpu.core_type<tc>, window_params = [{transform_indices = @transform_0, window_bounds = array<i64: 1, 8192, 3>}, {transform_indices = @transform_1, window_bounds = array<i64: 1, 4096, 3>}, {transform_indices = @transform_2, window_bounds = array<i64: 1, 3, 8192>}, {transform_indices = @transform_3, window_bounds = array<i64: 1, 3, 4096>}]} {
    %get3A = arith.constant 0 : index
    %get3A_0 = arith.constant 0 : index
    %get3A_1 = arith.constant 0 : index
    %get3A_2 = vector.load %arg1[%get3A, %get3A_0, %get3A_1] : memref<1x8192x3xf32, #tpu.memory_space<vmem>>, vector<1x8192x3xf32>
    %get3A_3 = vector.shape_cast %get3A_2 : vector<1x8192x3xf32> to vector<8192x3xf32>
    %transpose3A = tpu.transpose %get3A_3, [1, 0] : vector<8192x3xf32> -> vector<3x8192xf32>
    %swap3A = arith.constant 0 : index
    %swap3A_4 = arith.constant 0 : index
    %swap3A_5 = arith.constant 0 : index
    %swap3A_6 = vector.load %arg3[%swap3A, %swap3A_4, %swap3A_5] : memref<1x3x8192xf32, #tpu.memory_space<vmem>>, vector<1x3x8192xf32>
    %swap3A_7 = vector.shape_cast %swap3A_6 : vector<1x3x8192xf32> to vector<3x8192xf32>
    %swap3A_8 = vector.shape_cast %transpose3A : vector<3x8192xf32> to vector<1x3x8192xf32>
    tpu.vector_store %arg3[%swap3A, %swap3A_4, %swap3A_5], %swap3A_8 {strides = array<i32>} : memref<1x3x8192xf32, #tpu.memory_space<vmem>>, vector<1x3x8192xf32>,
    %get3A_9 = arith.constant 0 : index
    %get3A_10 = arith.constant 0 : index
    %get3A_11 = arith.constant 0 : index
    %get3A_12 = vector.load %arg2[%get3A_9, %get3A_10, %get3A_11] : memref<1x4096x3xf32, #tpu.memory_space<vmem>>, vector<1x4096x3xf32>
    %get3A_13 = vector.shape_cast %get3A_12 : vector<1x4096x3xf32> to vector<4096x3xf32>
    %transpose3A_14 = tpu.transpose %get3A_13, [1, 0] : vector<4096x3xf32> -> vector<3x4096xf32>
    %swap3A_15 = arith.constant 0 : index
    %swap3A_16 = arith.constant 0 : index
    %swap3A_17 = arith.constant 0 : index
    %swap3A_18 = vector.load %arg4[%swap3A_15, %swap3A_16, %swap3A_17] : memref<1x3x4096xf32, #tpu.memory_space<vmem>>, vector<1x3x4096xf32>
    %swap3A_19 = vector.shape_cast %swap3A_18 : vector<1x3x4096xf32> to vector<3x4096xf32>
    %swap3A_20 = vector.shape_cast %transpose3A_14 : vector<3x4096xf32> to vector<1x3x4096xf32>
    tpu.vector_store %arg4[%swap3A_15, %swap3A_16, %swap3A_17], %swap3A_20 {strides = array<i32>} : memref<1x3x4096xf32, #tpu.memory_space<vmem>>, vector<1x3x4096xf32>,
    return
  }
  func.func @transform_0(%arg0: i32) -> (i32, i32, i32) {
    %c0_i32 = arith.constant 0 : i32
    %c0_i32_0 = arith.constant 0 : i32
    %c0_i32_1 = arith.constant 0 : i32
    return %arg0, %c0_i32, %c0_i32_0 : i32, i32, i32
  }
  func.func @transform_1(%arg0: i32) -> (i32, i32, i32) {
    %c0_i32 = arith.constant 0 : i32
    %c0_i32_0 = arith.constant 0 : i32
    %c0_i32_1 = arith.constant 0 : i32
    return %arg0, %c0_i32, %c0_i32_0 : i32, i32, i32
  }
  func.func @transform_2(%arg0: i32) -> (i32, i32, i32) {
    %c0_i32 = arith.constant 0 : i32
    %c0_i32_0 = arith.constant 0 : i32
    %c0_i32_1 = arith.constant 0 : i32
    return %arg0, %c0_i32, %c0_i32_0 : i32, i32, i32
  }
  func.func @transform_3(%arg0: i32) -> (i32, i32, i32) {
    %c0_i32 = arith.constant 0 : i32
    %c0_i32_0 = arith.constant 0 : i32
    %c0_i32_1 = arith.constant 0 : i32
    return %arg0, %c0_i32, %c0_i32_0 : i32, i32, i32
  }
}

module attributes {stable_mosaic.version = 14 : i64} {
  func.func @_finish_body(%arg0: memref<8x2560xf32, #tpu.memory_space<vmem>>, %arg1: memref<8x11x1x512xf32, #tpu.memory_space<vmem>>, %arg2: memref<8x4x4096xf32, #tpu.memory_space<vmem>>, %arg3: memref<8x11x1x4096xf32, #tpu.memory_space<vmem>>, %arg4: memref<1x1xf32, #tpu.memory_space<vmem>>) attributes {dimension_semantics = [], scalar_prefetch = 0 : i64, scratch_operands = 0 : i64, tpu.core_type = #tpu.core_type<tc>} {
    %get3A = arith.constant 0 : index
    %get3A_0 = arith.constant 0 : index
    %get3A_1 = arith.constant 0 : index
    %get3A_2 = arith.constant 0 : index
    %get3A_3 = vector.load %arg1[%get3A, %get3A_0, %get3A_1, %get3A_2] : memref<8x11x1x512xf32, #tpu.memory_space<vmem>>, vector<8x11x1x512xf32>
    %reshape3A = vector.shape_cast %get3A_3 : vector<8x11x1x512xf32> to vector<8x5632xf32>
    %get3A_4 = arith.constant 0 : index
    %get3A_5 = arith.constant 0 : index
    %get3A_6 = vector.load %arg0[%get3A_4, %get3A_5] : memref<8x2560xf32, #tpu.memory_space<vmem>>, vector<8x2560xf32>
    %concatenate3A = tpu.concatenate %get3A_6, %reshape3A in 1 : vector<8x2560xf32>, vector<8x5632xf32> -> vector<8x8192xf32>
    %get3A_7 = arith.constant 0 : index
    %get3A_8 = arith.constant 0 : index
    %get3A_9 = arith.constant 0 : index
    %get3A_10 = vector.load %arg2[%get3A_7, %get3A_8, %get3A_9] : memref<8x4x4096xf32, #tpu.memory_space<vmem>>, vector<8x4x4096xf32>
    %reduce_min3A = arith.constant dense<0x7F800000> : vector<8x4096xf32>
    %reduce_min3A_11 = vector.multi_reduction <minimumf>, %get3A_10, %reduce_min3A [1] : vector<8x4x4096xf32> to vector<8x4096xf32>
    %get3A_12 = arith.constant 0 : index
    %get3A_13 = arith.constant 0 : index
    %get3A_14 = arith.constant 0 : index
    %get3A_15 = arith.constant 0 : index
    %get3A_16 = vector.load %arg3[%get3A_12, %get3A_13, %get3A_14, %get3A_15] : memref<8x11x1x4096xf32, #tpu.memory_space<vmem>>, vector<8x11x1x4096xf32>
    %reshape3A_17 = vector.shape_cast %get3A_16 : vector<8x11x1x4096xf32> to vector<8x11x4096xf32>
    %reduce_min3A_18 = arith.constant dense<0x7F800000> : vector<8x4096xf32>
    %reduce_min3A_19 = vector.multi_reduction <minimumf>, %reshape3A_17, %reduce_min3A_18 [1] : vector<8x11x4096xf32> to vector<8x4096xf32>
    %min3A = arith.minimumf %reduce_min3A_11, %reduce_min3A_19 : vector<8x4096xf32>
    %max3A = arith.constant 9.99999996E-13 : f32
    %max3A_20 = vector.broadcast %max3A : f32 to vector<8x8192xf32>
    %max3A_21 = arith.maximumf %concatenate3A, %max3A_20 : vector<8x8192xf32>
    %sqrt3A = math.sqrt %max3A_21 : vector<8x8192xf32>
    %max3A_22 = arith.constant 9.99999996E-13 : f32
    %max3A_23 = vector.broadcast %max3A_22 : f32 to vector<8x4096xf32>
    %max3A_24 = arith.maximumf %min3A, %max3A_23 : vector<8x4096xf32>
    %sqrt3A_25 = math.sqrt %max3A_24 : vector<8x4096xf32>
    %reduce_sum3A = arith.constant dense<0.000000e+00> : vector<8xf32>
    %reduce_sum3A_26 = vector.multi_reduction <add>, %sqrt3A_25, %reduce_sum3A [1] : vector<8x4096xf32> to vector<8xf32>
    %div3A = arith.constant 4.096000e+03 : f32
    %div3A_27 = vector.broadcast %div3A : f32 to vector<8xf32>
    %div3A_28 = arith.divf %reduce_sum3A_26, %div3A_27 : vector<8xf32>
    %reduce_sum3A_29 = arith.constant dense<0.000000e+00> : vector<8xf32>
    %reduce_sum3A_30 = vector.multi_reduction <add>, %sqrt3A, %reduce_sum3A_29 [1] : vector<8x8192xf32> to vector<8xf32>
    %div3A_31 = arith.constant 8.192000e+03 : f32
    %div3A_32 = vector.broadcast %div3A_31 : f32 to vector<8xf32>
    %div3A_33 = arith.divf %reduce_sum3A_30, %div3A_32 : vector<8xf32>
    %reduce_max3A = arith.constant dense<0xFF800000> : vector<8xf32>
    %reduce_max3A_34 = vector.multi_reduction <maximumf>, %sqrt3A, %reduce_max3A [1] : vector<8x8192xf32> to vector<8xf32>
    %mul3A = arith.constant 5.000000e+00 : f32
    %mul3A_35 = vector.broadcast %mul3A : f32 to vector<8xf32>
    %mul3A_36 = arith.mulf %mul3A_35, %div3A_28 : vector<8xf32>
    %add3A = arith.addf %mul3A_36, %div3A_33 : vector<8xf32>
    %add3A_37 = arith.addf %add3A, %reduce_max3A_34 : vector<8xf32>
    %reduce_sum3A_38 = vector.shape_cast %add3A_37 : vector<8xf32> to vector<1x8xf32>
    %reduce_sum3A_39 = arith.constant dense<0.000000e+00> : vector<1xf32>
    %reduce_sum3A_40 = vector.multi_reduction <add>, %reduce_sum3A_38, %reduce_sum3A_39 [1] : vector<1x8xf32> to vector<1xf32>
    %reduce_sum3A_41 = vector.shape_cast %reduce_sum3A_40 : vector<1xf32> to vector<1x1xf32>
    %reduce_sum3A_42 = vector.extract %reduce_sum3A_41[0, 0] : f32 from vector<1x1xf32>
    %div3A_43 = arith.constant 8.000000e+00 : f32
    %div3A_44 = arith.divf %reduce_sum3A_42, %div3A_43 : f32
    %reshape3A_45 = vector.broadcast %div3A_44 : f32 to vector<1x1xf32>
    %swap3A = arith.constant 0 : index
    %swap3A_46 = arith.constant 0 : index
    %swap3A_47 = vector.load %arg4[%swap3A, %swap3A_46] : memref<1x1xf32, #tpu.memory_space<vmem>>, vector<1x1xf32>
    tpu.vector_store %arg4[%swap3A, %swap3A_46], %reshape3A_45 {strides = array<i32>} : memref<1x1xf32, #tpu.memory_space<vmem>>, vector<1x1xf32>,
    return
  }
}

module attributes {stable_mosaic.version = 14 : i64} {
  func.func @_tc_min_body(%arg0: i32, %arg1: i32, %arg2: memref<1x512x3xf32, #tpu.memory_space<vmem>>, %arg3: memref<1x3x4096xf32, #tpu.memory_space<vmem>>, %arg4: memref<1x1x1x512xf32, #tpu.memory_space<vmem>>, %arg5: memref<1x1x1x4096xf32, #tpu.memory_space<vmem>>) attributes {dimension_semantics = [#tpu.dimension_semantics<arbitrary>, #tpu.dimension_semantics<arbitrary>], iteration_bounds = array<i64: 8, 11>, scalar_prefetch = 0 : i64, scratch_operands = 0 : i64, tpu.core_type = #tpu.core_type<tc>, window_params = [{transform_indices = @transform_0, window_bounds = array<i64: 1, 512, 3>}, {transform_indices = @transform_1, window_bounds = array<i64: 1, 3, 4096>}, {transform_indices = @transform_2, window_bounds = array<i64: 1, 1, 1, 512>}, {transform_indices = @transform_3, window_bounds = array<i64: 1, 1, 1, 4096>}]} {
    %get3A = arith.constant 0 : index
    %get3A_0 = arith.constant 0 : index
    %get3A_1 = arith.constant 0 : index
    %get3A_2 = vector.load %arg2[%get3A, %get3A_0, %get3A_1] : memref<1x512x3xf32, #tpu.memory_space<vmem>>, vector<1x512x1xf32>
    %get3A_3 = vector.shape_cast %get3A_2 : vector<1x512x1xf32> to vector<512x1xf32>
    %get3A_4 = arith.constant 0 : index
    %get3A_5 = arith.constant 0 : index
    %get3A_6 = arith.constant 1 : index
    %get3A_7 = vector.load %arg2[%get3A_4, %get3A_5, %get3A_6] : memref<1x512x3xf32, #tpu.memory_space<vmem>>, vector<1x512x1xf32>
    %get3A_8 = vector.shape_cast %get3A_7 : vector<1x512x1xf32> to vector<512x1xf32>
    %get3A_9 = arith.constant 0 : index
    %get3A_10 = arith.constant 0 : index
    %get3A_11 = arith.constant 2 : index
    %get3A_12 = vector.load %arg2[%get3A_9, %get3A_10, %get3A_11] : memref<1x512x3xf32, #tpu.memory_space<vmem>>, vector<1x512x1xf32>
    %get3A_13 = vector.shape_cast %get3A_12 : vector<1x512x1xf32> to vector<512x1xf32>
    %get3A_14 = arith.constant 0 : index
    %get3A_15 = arith.constant 0 : index
    %get3A_16 = arith.constant 0 : index
    %get3A_17 = vector.load %arg3[%get3A_14, %get3A_15, %get3A_16] : memref<1x3x4096xf32, #tpu.memory_space<vmem>>, vector<1x1x4096xf32>
    %get3A_18 = vector.shape_cast %get3A_17 : vector<1x1x4096xf32> to vector<1x4096xf32>
    %get3A_19 = arith.constant 0 : index
    %get3A_20 = arith.constant 1 : index
    %get3A_21 = arith.constant 0 : index
    %get3A_22 = vector.load %arg3[%get3A_19, %get3A_20, %get3A_21] : memref<1x3x4096xf32, #tpu.memory_space<vmem>>, vector<1x1x4096xf32>
    %get3A_23 = vector.shape_cast %get3A_22 : vector<1x1x4096xf32> to vector<1x4096xf32>
    %get3A_24 = arith.constant 0 : index
    %get3A_25 = arith.constant 2 : index
    %get3A_26 = arith.constant 0 : index
    %get3A_27 = vector.load %arg3[%get3A_24, %get3A_25, %get3A_26] : memref<1x3x4096xf32, #tpu.memory_space<vmem>>, vector<1x1x4096xf32>
    %get3A_28 = vector.shape_cast %get3A_27 : vector<1x1x4096xf32> to vector<1x4096xf32>
    %sub3A = vector.broadcast %get3A_3 : vector<512x1xf32> to vector<512x4096xf32>
    %sub3A_29 = vector.broadcast %get3A_18 : vector<1x4096xf32> to vector<512x4096xf32>
    %sub3A_30 = arith.subf %sub3A, %sub3A_29 : vector<512x4096xf32>
    %square3A = arith.mulf %sub3A_30, %sub3A_30 : vector<512x4096xf32>
    %sub3A_31 = vector.broadcast %get3A_8 : vector<512x1xf32> to vector<512x4096xf32>
    %sub3A_32 = vector.broadcast %get3A_23 : vector<1x4096xf32> to vector<512x4096xf32>
    %sub3A_33 = arith.subf %sub3A_31, %sub3A_32 : vector<512x4096xf32>
    %square3A_34 = arith.mulf %sub3A_33, %sub3A_33 : vector<512x4096xf32>
    %add3A = arith.addf %square3A, %square3A_34 : vector<512x4096xf32>
    %sub3A_35 = vector.broadcast %get3A_13 : vector<512x1xf32> to vector<512x4096xf32>
    %sub3A_36 = vector.broadcast %get3A_28 : vector<1x4096xf32> to vector<512x4096xf32>
    %sub3A_37 = arith.subf %sub3A_35, %sub3A_36 : vector<512x4096xf32>
    %square3A_38 = arith.mulf %sub3A_37, %sub3A_37 : vector<512x4096xf32>
    %add3A_39 = arith.addf %add3A, %square3A_38 : vector<512x4096xf32>
    %reduce_min3A = arith.constant dense<0x7F800000> : vector<512xf32>
    %reduce_min3A_40 = vector.multi_reduction <minimumf>, %add3A_39, %reduce_min3A [1] : vector<512x4096xf32> to vector<512xf32>
    %swap3A = arith.constant 0 : index
    %swap3A_41 = arith.constant 0 : index
    %swap3A_42 = arith.constant 0 : index
    %swap3A_43 = arith.constant 0 : index
    %swap3A_44 = vector.load %arg4[%swap3A, %swap3A_41, %swap3A_42, %swap3A_43] : memref<1x1x1x512xf32, #tpu.memory_space<vmem>>, vector<1x1x1x512xf32>
    %swap3A_45 = vector.shape_cast %swap3A_44 : vector<1x1x1x512xf32> to vector<512xf32>
    %swap3A_46 = vector.shape_cast %reduce_min3A_40 : vector<512xf32> to vector<1x1x1x512xf32>
    tpu.vector_store %arg4[%swap3A, %swap3A_41, %swap3A_42, %swap3A_43], %swap3A_46 {strides = array<i32>} : memref<1x1x1x512xf32, #tpu.memory_space<vmem>>, vector<1x1x1x512xf32>,
    %reduce_min3A_47 = arith.constant dense<0x7F800000> : vector<4096xf32>
    %reduce_min3A_48 = vector.multi_reduction <minimumf>, %add3A_39, %reduce_min3A_47 [0] : vector<512x4096xf32> to vector<4096xf32>
    %swap3A_49 = arith.constant 0 : index
    %swap3A_50 = arith.constant 0 : index
    %swap3A_51 = arith.constant 0 : index
    %swap3A_52 = arith.constant 0 : index
    %swap3A_53 = vector.load %arg5[%swap3A_49, %swap3A_50, %swap3A_51, %swap3A_52] : memref<1x1x1x4096xf32, #tpu.memory_space<vmem>>, vector<1x1x1x4096xf32>
    %swap3A_54 = vector.shape_cast %swap3A_53 : vector<1x1x1x4096xf32> to vector<4096xf32>
    %swap3A_55 = vector.shape_cast %reduce_min3A_48 : vector<4096xf32> to vector<1x1x1x4096xf32>
    tpu.vector_store %arg5[%swap3A_49, %swap3A_50, %swap3A_51, %swap3A_52], %swap3A_55 {strides = array<i32>} : memref<1x1x1x4096xf32, #tpu.memory_space<vmem>>, vector<1x1x1x4096xf32>,
    return
  }
  func.func @transform_0(%arg0: i32, %arg1: i32) -> (i32, i32, i32) {
    %add3A = arith.constant 5 : i32
    %add3A_0 = arith.addi %add3A, %arg1 : i32
    %c0_i32 = arith.constant 0 : i32
    %c0_i32_1 = arith.constant 0 : i32
    return %arg0, %add3A_0, %c0_i32 : i32, i32, i32
  }
  func.func @transform_1(%arg0: i32, %arg1: i32) -> (i32, i32, i32) {
    %c0_i32 = arith.constant 0 : i32
    %c0_i32_0 = arith.constant 0 : i32
    %c0_i32_1 = arith.constant 0 : i32
    return %arg0, %c0_i32, %c0_i32_0 : i32, i32, i32
  }
  func.func @transform_2(%arg0: i32, %arg1: i32) -> (i32, i32, i32, i32) {
    %c0_i32 = arith.constant 0 : i32
    %c0_i32_0 = arith.constant 0 : i32
    %c0_i32_1 = arith.constant 0 : i32
    return %arg0, %arg1, %c0_i32, %c0_i32_0 : i32, i32, i32, i32
  }
  func.func @transform_3(%arg0: i32, %arg1: i32) -> (i32, i32, i32, i32) {
    %c0_i32 = arith.constant 0 : i32
    %c0_i32_0 = arith.constant 0 : i32
    %c0_i32_1 = arith.constant 0 : i32
    return %arg0, %arg1, %c0_i32, %c0_i32_0 : i32, i32, i32, i32
  }
}

</mosaic_0001>

<sc_bundles>
// kernel: kernel.6.cloned.1.call-start
scs
__scs_entry_jumppad:
0x0: {  	(pc) =	sbr.rel $0x88, $3  }
0x1: {  	(tag) =	ssettag $0x0;
	lr =	simm.s32 $0x1  }
0x2: {  	[smem:$0x3F9F] =	sst lr;
	_ =	strace $0xD0000000  }
0x3: {  	_ = 	snop  }
0x4: {  	_ = 	snop  }
0x5: {  	_ = 	snop  }
0x6: {  	_ = 	snop  }
0x7: {  	_ = 	snop  }
__scs_overlays_trampoline_lowered:
0x8: {  	[smem:$0x3FAE] =	sst s0  }
0x9: {  	[smem:$0x3FAF] =	sst s1  }
0xa: {  	[smem:$0x3FB0] =	sst s2  }
0xb: {  	[smem:$0x3FB1] =	sst s3  }
0xc: {  	[smem:$0x3FB2] =	sst s4  }
0xd: {  	[smem:$0x3FB3] =	sst s5  }
0xe: {  	[smem:$0x3FB4] =	sst s6  }
0xf: {  	[smem:$0x3FB5] =	sst s7  }
0x10: {  	[smem:$0x3FB6] =	sst s8  }
0x11: {  	[smem:$0x3FB7] =	sst s9;
	s0 =	simm.s32 @!p0 $0x0  }
0x12: {  	s1 =	sld [smem:$0x3F9D];
	s0 =	simm.s32 @p0 $0x1  }
0x13: {  	[smem:$0x3FB8] =	sst s0;
	s0 =	simm.s32 @!p1 $0x0  }
0x14: {  	s2 =	sld [smem:$0x3F9C];
	s0 =	simm.s32 @p1 $0x1  }
0x15: {  	[smem:$0x3FB9] =	sst s0;
	s0 =	simm.s32 @!p2 $0x0  }
0x16: {  	s3 =	sld [smem:$0x3FDB];
	s0 =	simm.s32 @p2 $0x1  }
0x17: {  	s4 =	simm.s32 $0x1BF5;
	[smem:$0x3FBB] =	sst s0  }
0x18: {  	s0 =	sld [smem:$0x3F9E];
	_ =	swait.ge [sflag:s4], $0x0  }
0x19: {  	s7 =	sld [smem:$0x3F9F]  }
0x1a: {  	s8 =	sadd.s32 $0xFFFFE003, lr  }
0x1b: {  	s9 =	sadd.s32 $0xFFFFFEF7, lr;
	s5 =	simm.s32 $0xFFFFFFFF;
	p2 =	slt.u32 s8, $0xFFFFF086  }
0x1c: {  	p1 =	slt.u32 s9, $0xF7A;
	s5 =	simm.s32 @!p2 $0x0  }
0x1d: {  	s5 =	simm.s32 @p1 $0x1;
	p0 =	seq.s32 s7, s2  }
0x1e: {  	s7 =	smul.u32 @!p0 $0xF7A, s2;
	p2 =	seq.s32 @!p0 s5, $0x0  }
0x1f: {  	s9 =	smul.u32 $0xF7A, s1;
	s8 =	simm.s32 @!p0 $0x1BF5;
	p2 =	por !p2, p0  }
0x20: {  	[sflag:s8] =	ssyncset.s32 @!p0 $0xFFFFF086;
	s6 =	sadd.s32 @!p0 s3, s7;
	s7 =	simm.s32 @!p0 $0x108  }
0x21: {  	s3 =	sadd.s32 s3, s9;
	s6 =	sadd.s32 @!p0 $0x88, s6;
	s7 =	simm.s32 @p2 $0x1082  }
0x22: {  	[simem:s7], [sflag:s8] =	dma.local @!p0 [hbm:s6], $0xF7A  }
0x23: {  	s9 =	sor.u32 $0xD0000000, s2;
	s6 =	simm.s32 $0x108;
	_ =	swait.ge @!p0 [sflag:s8], $0x0  }
0x24: {  	s3 =	sadd.s32 $0x88, s3;
	s6 =	simm.s32 @!p1 $0x1082;
	[sflag:s4] =	ssyncset.s32 $0xFFFFF086  }
0x25: {  	[simem:s6], [sflag:s4] =	dma.local [hbm:s3], $0xF7A  }
0x26: {  	[smem:$0x3F9F] =	sst s1;
	(tag) =	ssettag s2;
	_ =	strace s9  }
0x27: {  	s1 =	sld [smem:$0x3FAF]  }
0x28: {  	s2 =	sld [smem:$0x3FB0]  }
0x29: {  	s4 =	sld [smem:$0x3FB2]  }
0x2a: {  	p0 =	seq.s32 s5, $0x0;
	s5 =	sld [smem:$0x3FB3]  }
0x2b: {  	s6 =	sld [smem:$0x3FB4]  }
0x2c: {  	s7 =	sld [smem:$0x3FB5]  }
0x2d: {  	s3 =	simm.s32 $0x108;
	s8 =	sld [smem:$0x3FB6]  }
0x2e: {  	s3 =	simm.s32 @!p0 $0x1082;
	s9 =	sld [smem:$0x3FB7]  }
0x2f: {  	lr =	sadd.s32 s0, s3;
	s0 =	sld [smem:$0x3FAE]  }
0x30: {  	s3 =	sld [smem:$0x3FB1]  }
0x31: {  	[smem:$0x3FBA] =	sst s10  }
0x32: {  	s10 =	sld [smem:$0x3FB8];
	_ =	sdelay $0x3  }
0x33: {  	p0 =	seq.s32 s10, $0x1;
	s10 =	sld [smem:$0x3FBA];
	_ =	sdelay $0x3  }
0x34: {  	[smem:$0x3FBA] =	sst s10  }
0x35: {  	s10 =	sld [smem:$0x3FB9];
	_ =	sdelay $0x3  }
0x36: {  	p1 =	seq.s32 s10, $0x1;
	s10 =	sld [smem:$0x3FBA];
	_ =	sdelay $0x3  }
0x37: {  	[smem:$0x3FBA] =	sst s10  }
0x38: {  	s10 =	sld [smem:$0x3FBB]  }
0x39: {  	_ = 	snop;
	(pc) =	sbr.ind lr, $3  }
0x3a: {  	_ = 	snop  }
0x3b: {  	_ = 	snop  }
0x3c: {  	p2 =	seq.s32 s10, $0x1;
	s10 =	sld [smem:$0x3FBA]  }
0x3d: {  	_ =	shalt  }
0x3e: {  	_ =	shalt  }
0x3f: {  	_ =	shalt  }
0x40: {  	_ =	shalt  }
0x41: {  	_ =	shalt  }
0x42: {  	_ =	shalt  }
0x43: {  	_ =	shalt  }
0x44: {  	_ =	shalt  }
0x45: {  	_ =	shalt  }
0x46: {  	_ =	shalt  }
0x47: {  	_ =	shalt  }
0x48: {  	_ =	shalt  }
0x49: {  	_ =	shalt  }
0x4a: {  	_ =	shalt  }
0x4b: {  	_ =	shalt  }
0x4c: {  	_ =	shalt  }
0x4d: {  	_ =	shalt  }
0x4e: {  	_ =	shalt  }
0x4f: {  	_ =	shalt  }
0x50: {  	_ =	shalt  }
0x51: {  	_ =	shalt  }
0x52: {  	_ =	shalt  }
0x53: {  	_ =	shalt  }
0x54: {  	_ =	shalt  }
0x55: {  	_ =	shalt  }
0x56: {  	_ =	shalt  }
0x57: {  	_ =	shalt  }
0x58: {  	_ =	shalt  }
0x59: {  	_ =	shalt  }
0x5a: {  	_ =	shalt  }
0x5b: {  	_ =	shalt  }
0x5c: {  	_ =	shalt  }
0x5d: {  	_ =	shalt  }
0x5e: {  	_ =	shalt  }
0x5f: {  	_ =	shalt  }
0x60: {  	_ =	shalt  }
0x61: {  	_ =	shalt  }
0x62: {  	_ =	shalt  }
0x63: {  	_ =	shalt  }
0x64: {  	_ =	shalt  }
0x65: {  	_ =	shalt  }
0x66: {  	_ =	shalt  }
0x67: {  	_ =	shalt  }
0x68: {  	_ =	shalt  }
0x69: {  	_ =	shalt  }
0x6a: {  	_ =	shalt  }
0x6b: {  	_ =	shalt  }
0x6c: {  	_ =	shalt  }
0x6d: {  	_ =	shalt  }
0x6e: {  	_ =	shalt  }
0x6f: {  	_ =	shalt  }
0x70: {  	_ =	shalt  }
0x71: {  	_ =	shalt  }
0x72: {  	_ =	shalt  }
0x73: {  	_ =	shalt  }
0x74: {  	_ =	shalt  }
0x75: {  	_ =	shalt  }
0x76: {  	_ =	shalt  }
0x77: {  	_ =	shalt  }
0x78: {  	_ =	shalt  }
0x79: {  	_ =	shalt  }
0x7a: {  	_ =	shalt  }
0x7b: {  	_ =	shalt  }
0x7c: {  	_ =	shalt  }
0x7d: {  	_ =	shalt  }
0x7e: {  	_ =	shalt  }
0x7f: {  	_ =	shalt  }
0x80: {  	_ =	shalt  }
0x81: {  	_ =	shalt  }
0x82: {  	_ =	shalt  }
0x83: {  	_ =	shalt  }
0x84: {  	_ =	shalt  }
0x85: {  	_ =	shalt  }
0x86: {  	_ =	shalt  }
0x87: {  	_ =	shalt  }
.Lfunc_end0:
.L_simem_size_0:
called_computation_lowered:
.L_overlay_start_0:
0x88: {  	s2 =	sld [smem:$0x3FD9]  }
0x89: {  	s3 =	sld [smem:$0x3FFE];
	_ =	sdelay $0x1  }
0x8a: {  	s1 =	srdreg.scid  }
0x8b: {  	s0 =	sand.u32 $0x1, s1  }
0x8c: {  	s16 =	sshll.u32 s0, $0xA;
	s2 =	sadd.s32 s3, s2  }
0x8d: {  	s2 =	sadd.s32 s2, s16  }
0x8e: {  	[smem:$0x3FC6] =	sst s2  }
0x8f: {  	_ = 	snop  }
0x90: {  	(tm) =	ssettm $0x1  }
0x91: {  	s17 =	sld [smem:$0x3FFB];
	_ =	sdelay $0x3  }
0x92: {  	_ =	strace s17  }
0x93: {  	s2 =	sld [smem:$0x3FFC];
	_ =	sdelay $0x3  }
0x94: {  	_ =	strace s2  }
0x95: {  	s2 =	sld [smem:$0x3FFD];
	_ =	sdelay $0x3  }
0x96: {  	_ =	strace s2  }
0x97: {  	_ =	strace $0x8FFFFFFF  }
0x98: {  	s18 =	sld [smem:$0x3FDB];
	_ =	sdelay $0x1  }
0x99: {  	s19 =	simm.s32 $_scs_section_size  }
0x9a: {  	s4 =	simm.s32 $_size__tile_overlayer_lowered;
	s5 =	simm.s32 $_tile_overlayer_lowered  }
0x9b: {  	s22 =	simm.s32 $0x1BFF;
	s21 =	sshll.u32 s5, $0x1;
	s2 =	sadd.s32 s19, s18  }
0x9c: {  	s6 =	simm.s32 $0x0;
	s20 =	sshll.u32 s4, $0x1;
	s4 =	sadd.s32 s21, s2  }
0x9d: {  	[timem:s6], [sflag:s22] =	dma.local [hbm:s4], s20  }
0x9e: {  	_ =	swait.ge [sflag:s22], s20  }
0x9f: {  	s3 =	ssub.s32 $0x0, s20;
	[sflag:s22] =	ssyncset.done $0x0  }
0xa0: {  	[sflag:s22] =	ssyncadd.s32 s3;
	_ =	sdelay $0x1  }
0xa1: {  	s23 =	simm.s32 $0x1B8B  }
0xa2: {  	_ =	swait.ge [sflag:s23], $0x1  }
0xa3: {  	[sflag:s23] =	ssyncset.done $0x0  }
0xa4: {  	s25 =	simm.s32 $0x1B8E;
	s24 =	sld [smem:$0x3FFE];
	[sflag:s23] =	ssyncadd.s32 $0xFFFFFFFF  }
0xa5: {  	s26 =	simm.s32 $execute0_lowered;
	[smem:$0x3FD2] =	sst s25  }
0xa6: {  	s4 =	sshll.u32 s26, $0x1;
	_ =	strace $0x80000046;
	[dreg:$0x1] =	wrdreg $0xFFFFFFFF  }
0xa7: {  	s28 =	simm.s32 $_size_execute0_lowered;
	s2 =	sadd.s32 s2, s4;
	[dreg:$0x0] =	wrdreg $0x0  }
0xa8: {  	s4 =	sshll.u32 s28, $0x1;
	[dreg:$0x2] =	wrdreg s2  }
0xa9: {  	[dreg:$0x3] =	wrdreg s4  }
0xaa: {  	[dreg:$0x4] =	wrdreg $0xC0  }
0xab: {  	_ =	task [dreg:s6], $0x5FFFF  }
0xac: {  	[dreg:$0x1] =	wrdreg $0xFFFFFFFF  }
0xad: {  	[dreg:$0x0] =	wrdreg $0x60  }
0xae: {  	[dreg:$0x2] =	wrdreg s24  }
0xaf: {  	[dreg:$0x3] =	wrdreg $0x9  }
0xb0: {  	_ =	task.clear_ibuf [dreg:s6], $0x4FFFF;
	_ =	strace $0x90000046  }
0xb1: {  	s29 =	simm.s32 $0x9;
	_ =	strace $0x80000048  }
0xb2: {  	_ =	swait.ge [sflag:s29], $0x1  }
0xb3: {  	[sflag:s29] =	ssyncadd.s32 $0xFFFFFFFF  }
0xb4: {  	_ =	strace $0x90000048  }
0xb5: {  	_ =	sfence  }
0xb6: {  	s30 =	sld [smem:$0x0];
	_ =	sdelay $0x2  }
0xb7: {  	s31 =	sshll.u32 s1, $0xD;
	s1 =	sshrl.u32 s1, $0x2  }
0xb8: {  	s3 =	sand.u32 $0x4000, s31;
	s1 =	sadd.s32 s1, s30  }
0xb9: {  	s0 =	sor.u32 s3, s0;
	s1 =	sshll.u32 s1, $0x11  }
0xba: {  	s0 =	sor.u32 s1, s0  }
0xbb: {  	s0 =	sadd.s32 $0x8F2B, s0  }
0xbc: {  	[sflag:s0] =	ssyncadd.remote.s32 $0x1  }
0xbd: {  	_ =	sfence.sel $0xFFFF  }
0xbe: {  	[dreg:$0x0] =	wrdreg $0xFFFFFFFF;
	(pc) =	sbr.abs _section_cstart, $3  }
0xbf: {  	[dreg:$0x1] =	wrdreg $0xFFFFFFFF  }
0xc0: {  	_ =	task.clear_ibuf [dreg:s6], $0x2FFFF;
	_ =	strace $0x9FFFFFFF  }
0xc1: {  	(tm) =	ssettm $0x7FFFFFFF  }
tec
execute0_lowered:
.L_overlay_start_1:
0x0: {  	(tag) =	ssettag $0x1  }
0x1: {  	s3 =	stileid.u32;
	v0 =	vimm.s32 $0xEFCDAB89  }
0x2: {  	s0 =	srdreg.scid;
	v1 =	vimm.s32 $0x67452301;
	v2 =	vimm.s32 $0xDCFE98BA;
	s2 =	rddreg [dreg:$0x0];
	v3 =	vimm.s32 $0x54761032  }
0x3: {  	s6 =	simm.s32 $0x0;
	v4 =	vimm.s32 $0xBA98FEDC;
	v5 =	vimm.s32 $0x32107654;
	s12 =	simm.s32 $0x80;
	s13 =	simm.s32 $0x200  }
0x4: {  	v6 =	vimm.s32 $0xFEDCBA98;
	v7 =	vimm.s32 $0x76543210;
	s14 =	simm.s32 $0x1;
	s16 =	simm.s32 $0x500;
	s17 =	simm.s32 $0x780  }
0x5: {  	vm0 =	vmmov $0x1;
	vm1 =	vmmov $0x3;
	vm2 =	vmmov $0x7;
	s18 =	simm.s32 $0x1780;
	s19 =	simm.s32 $0x2780;
	s1 =	sshll.u32 s3, $0x1  }
0x6: {  	vm3 =	vmmov $0xf;
	vm4 =	vmmov $0x1f;
	vm5 =	vmmov $0x3f;
	s20 =	simm.s32 $0x400;
	s0 =	sand.u32 $0x1, s0;
	s1 =	sand.u32 $0x2, s1  }
0x7: {  	s21 =	simm.s32 $0x3780;
	s22 =	simm.s32 $0x3A00;
	v0 =	vunpack.c.l.s4.s8 v0;
	v2 =	vunpack.c.l.s4.s8 v2;
	v3 =	vunpack.c.l.s4.s8 v3;
	s1 =	sor.u32 s0, s1  }
0x8: {  	s23 =	simm.s32 $0x0;
	v1 =	vunpack.c.l.s4.s8 v1;
	s3 =	sshrl.u32 s3, $0x1;
	v4 =	vunpack.c.l.s4.s8 v4;
	v5 =	vunpack.c.l.s4.s8 v5;
	s4 =	smul.u32 $0xA00, s1  }
0x9: {  	[smem:$0x7FF] =	sst s6;
	v6 =	vunpack.c.l.s4.s8 v6;
	s5 =	sshll.u32 s3, $0xF;
	v2 =	vunpack.c.0.s8.s32 v2;
	v3 =	vunpack.c.0.s8.s32 v3;
	s28 =	smul.u32 $0x1400, s1  }
0xa: {  	v7 =	vunpack.c.l.s4.s8 v7;
	s29 =	sshll.u32 s3, $0x7;
	_ =	strace $0x80000047;
	v4 =	vunpack.c.0.s8.s32 v4;
	v5 =	vunpack.c.0.s8.s32 v5;
	s4 =	sor.u32 s5, s4  }
0xb: {  	s3 =	sshll.u32 s3, $0xB;
	v0 =	vunpack.c.0.s8.s32 v0;
	v1 =	vunpack.c.0.s8.s32 v1;
	v2 =	vcombine.low v3, v2;
	s30 =	sor.u32 s29, s28;
	s4 =	sshrl.u32 s4, $0x3  }
0xc: {  	vm6 =	vmmov $0x7f;
	s0 =	ssub.s32 $0x2, s0;
	v6 =	vunpack.c.0.s8.s32 v6;
	v63 =	vcombine.low v5, v4;
	s7 =	sadd.s32 s4, s2;
	s4 =	sshrl.u32 s30, $0x3  }
0xd: {  	s31 =	sshrl.u32 s0, $0x1;
	s1 =	sshll.u32 s1, $0x4;
	v1 =	vcombine.low v1, v0;
	v4 =	vunpack.c.0.s8.s32 v7;
	v7 =	vand.u32 $0xF, v2;
	s9 =	sadd.s32 s4, s2  }
0xe: {  	vm7 =	vmmov $0xff;
	v5 =	vand.u32 $0xF, v6;
	v8 =	vand.u32 $0xF, v63;
	[tilespmem:$0x1FFC0] =	vst v7;
	s2 =	sadd.s32 s3, s2;
	s3 =	sadd.s32 $0x101800, s7;
	s4 =	sadd.s32 $0x101810, s7  }
0xf: {  	vm8 =	vmmov $0x1ff;
	s0 =	ssub.s32 s0, s31;
	v59 =	vand.u32 $0xF, v1;
	v61 =	vcombine.low v5, v4;
	[tilespmem:$0x1FFD0] =	vst v8;
	s5 =	sadd.s32 $0x101820, s7;
	s6 =	sadd.s32 $0x109800, s2  }
0x10: {  	vm9 =	vmmov $0x3ff;
	vm10 =	vmmov $0x7ff;
	vm11 =	vmmov $0xfff;
	[tilespmem:$0x1FFE0] =	vst v59;
	s7 =	sadd.s32 $0x109810, s2;
	s8 =	sadd.s32 $0x109820, s2;
	s1 =	sadd.s32 s1, s2  }
0x11: {  	vm12 =	vmmov $0x1fff;
	vm13 =	vmmov $0x3fff;
	vm14 =	vmmov $0x7fff;
	s11 =	smax.u32 s0, $0x1;
	[tilespmem:$0x1FFF0] =	vst v61;
	s9 =	sadd.s32 $0x111800, s9;
	s10 =	sadd.s32 $0x10D800, s1  }
.LBB2_1:
0x12: {  	s0 =	simm.s32 $0x0  }
0x13: {  	[tilespmem:s0], [sflag:$0x1] =	stream.strided.gather [hbm4b:s3+s12], $0x280, s13, s12, $0x38;
	[tilespmem:$0x4A00] =	vst v63  }
0x14: {  	_ =	swait.ge [sflag:s14], $0x280  }
0x15: {  	[sflag:s14] =	ssyncset.done $0x0  }
0x16: {  	s31 =	simm.s32 $0x280;
	[sflag:s14] =	ssyncadd.s32 $0xFFFFFD80  }
0x17: {  	[tilespmem:s31], [sflag:$0x1] =	stream.strided.gather [hbm4b:s4+s12], $0x280, s13, s12, $0x38;
	[tilespmem:$0x4A00] =	vst v63  }
0x18: {  	_ =	swait.ge [sflag:s14], $0x280  }
0x19: {  	[sflag:s14] =	ssyncset.done $0x0  }
0x1a: {  	[sflag:s14] =	ssyncadd.s32 $0xFFFFFD80  }
0x1b: {  	[tilespmem:s16], [sflag:$0x1] =	stream.strided.gather [hbm4b:s5+s12], $0x280, s13, s12, $0x38;
	[tilespmem:$0x4A00] =	vst v63  }
0x1c: {  	_ =	swait.ge [sflag:s14], $0x280  }
0x1d: {  	[sflag:s14] =	ssyncset.done $0x0  }
0x1e: {  	[sflag:s14] =	ssyncadd.s32 $0xFFFFFD80  }
0x1f: {  	[tilespmem:s17], [sflag:$0x1] =	stream.strided.gather [hbm4b:s6+s12], $0x1000, s13, s12, $0x38;
	[tilespmem:$0x4A00] =	vst v63  }
0x20: {  	_ =	swait.ge [sflag:s14], $0x1000  }
0x21: {  	[sflag:s14] =	ssyncset.done $0x0  }
0x22: {  	[sflag:s14] =	ssyncadd.s32 $0xFFFFF000  }
0x23: {  	[tilespmem:s18], [sflag:$0x1] =	stream.strided.gather [hbm4b:s7+s12], $0x1000, s13, s12, $0x38;
	[tilespmem:$0x4A00] =	vst v63  }
0x24: {  	_ =	swait.ge [sflag:s14], $0x1000  }
0x25: {  	[sflag:s14] =	ssyncset.done $0x0  }
0x26: {  	[sflag:s14] =	ssyncadd.s32 $0xFFFFF000  }
0x27: {  	[tilespmem:s19], [sflag:$0x1] =	stream.strided.gather [hbm4b:s8+s12], $0x1000, s13, s12, $0x38;
	[tilespmem:$0x4A00] =	vst v63  }
0x28: {  	_ =	swait.ge [sflag:s14], $0x1000  }
0x29: {  	[sflag:s14] =	ssyncset.done $0x0  }
0x2a: {  	v0 =	vimm.f32 $+Inf;
	[sflag:s14] =	ssyncadd.s32 $0xFFFFF000  }
0x2b: {  	[tilespmem:$0x3780] =	vst v0  }
0x2c: {  	[tilespmem:$0x3790] =	vst v0  }
0x2d: {  	[tilespmem:$0x37A0] =	vst v0  }
0x2e: {  	[tilespmem:$0x37B0] =	vst v0  }
0x2f: {  	[tilespmem:$0x37C0] =	vst v0  }
0x30: {  	[tilespmem:$0x37D0] =	vst v0  }
0x31: {  	[tilespmem:$0x37E0] =	vst v0  }
0x32: {  	[tilespmem:$0x37F0] =	vst v0  }
0x33: {  	[tilespmem:$0x3800] =	vst v0  }
0x34: {  	[tilespmem:$0x3810] =	vst v0  }
0x35: {  	[tilespmem:$0x3820] =	vst v0  }
0x36: {  	[tilespmem:$0x3830] =	vst v0  }
0x37: {  	[tilespmem:$0x3840] =	vst v0  }
0x38: {  	[tilespmem:$0x3850] =	vst v0  }
0x39: {  	[tilespmem:$0x3860] =	vst v0  }
0x3a: {  	[tilespmem:$0x3870] =	vst v0  }
0x3b: {  	[tilespmem:$0x3880] =	vst v0  }
0x3c: {  	[tilespmem:$0x3890] =	vst v0  }
0x3d: {  	[tilespmem:$0x38A0] =	vst v0  }
0x3e: {  	[tilespmem:$0x38B0] =	vst v0  }
0x3f: {  	[tilespmem:$0x38C0] =	vst v0  }
0x40: {  	[tilespmem:$0x38D0] =	vst v0  }
0x41: {  	[tilespmem:$0x38E0] =	vst v0  }
0x42: {  	[tilespmem:$0x38F0] =	vst v0  }
0x43: {  	[tilespmem:$0x3900] =	vst v0  }
0x44: {  	[tilespmem:$0x3910] =	vst v0  }
0x45: {  	[tilespmem:$0x3920] =	vst v0  }
0x46: {  	[tilespmem:$0x3930] =	vst v0  }
0x47: {  	[tilespmem:$0x3940] =	vst v0  }
0x48: {  	[tilespmem:$0x3950] =	vst v0  }
0x49: {  	[tilespmem:$0x3960] =	vst v0  }
0x4a: {  	[tilespmem:$0x3970] =	vst v0  }
0x4b: {  	[tilespmem:$0x3980] =	vst v0  }
0x4c: {  	[tilespmem:$0x3990] =	vst v0  }
0x4d: {  	[tilespmem:$0x39A0] =	vst v0  }
0x4e: {  	[tilespmem:$0x39B0] =	vst v0  }
0x4f: {  	[tilespmem:$0x39C0] =	vst v0  }
0x50: {  	[tilespmem:$0x39D0] =	vst v0  }
0x51: {  	[tilespmem:$0x39E0] =	vst v0  }
0x52: {  	s24 =	simm.s32 $0x0;
	[tilespmem:$0x39F0] =	vst v0  }
.LBB2_2:
0x53: {  	s25 =	sshll.u32 s24, $0x7  }
0x54: {  	v0 =	vld [tilespmem:s25+$0x780]  }
0x55: {  	v39 =	vld [tilespmem:s25+$0x790]  }
0x56: {  	v40 =	vld [tilespmem:s25+$0x7A0]  }
0x57: {  	v41 =	vld [tilespmem:s25+$0x7B0]  }
0x58: {  	v42 =	vld [tilespmem:s25+$0x7C0]  }
0x59: {  	v43 =	vld [tilespmem:s25+$0x7D0];
	[tilespmem:$0x1FE40] =	vst v0  }
0x5a: {  	v44 =	vld [tilespmem:s25+$0x7E0];
	[tilespmem:$0x1FE50] =	vst v39  }
0x5b: {  	v45 =	vld [tilespmem:s25+$0x7F0];
	[tilespmem:$0x1FE60] =	vst v40  }
0x5c: {  	v46 =	vld [tilespmem:s25+$0x1780];
	[tilespmem:$0x1FE70] =	vst v41  }
0x5d: {  	v47 =	vld [tilespmem:s25+$0x1790];
	[tilespmem:$0x1FE80] =	vst v42  }
0x5e: {  	v48 =	vld [tilespmem:s25+$0x17A0];
	[tilespmem:$0x1FE90] =	vst v43  }
0x5f: {  	v49 =	vld [tilespmem:s25+$0x17B0];
	[tilespmem:$0x1FEA0] =	vst v44  }
0x60: {  	v50 =	vld [tilespmem:s25+$0x17C0];
	[tilespmem:$0x1FEB0] =	vst v45  }
0x61: {  	v51 =	vld [tilespmem:s25+$0x17D0];
	[tilespmem:$0x1FEC0] =	vst v46  }
0x62: {  	v52 =	vld [tilespmem:s25+$0x17E0];
	[tilespmem:$0x1FED0] =	vst v47  }
0x63: {  	v53 =	vld [tilespmem:s25+$0x17F0];
	[tilespmem:$0x1FEE0] =	vst v48  }
0x64: {  	v54 =	vld [tilespmem:s25+$0x2780];
	[tilespmem:$0x1FEF0] =	vst v49  }
0x65: {  	v55 =	vld [tilespmem:s25+$0x2790];
	[tilespmem:$0x1FF00] =	vst v50  }
0x66: {  	v56 =	vld [tilespmem:s25+$0x27A0];
	[tilespmem:$0x1FF10] =	vst v51  }
0x67: {  	v57 =	vld [tilespmem:s25+$0x27B0];
	[tilespmem:$0x1FF20] =	vst v52  }
0x68: {  	v58 =	vld [tilespmem:s25+$0x27C0];
	[tilespmem:$0x1FF30] =	vst v53  }
0x69: {  	v60 =	vld [tilespmem:s25+$0x27D0];
	[tilespmem:$0x1FF40] =	vst v54  }
0x6a: {  	v62 =	vld [tilespmem:s25+$0x27E0];
	[tilespmem:$0x1FF50] =	vst v55  }
0x6b: {  	v63 =	vld [tilespmem:s25+$0x27F0];
	[tilespmem:$0x1FF60] =	vst v56  }
0x6c: {  	[tilespmem:$0x1FF70] =	vst v57  }
0x6d: {  	[tilespmem:$0x1FF80] =	vst v58  }
0x6e: {  	v32 =	vimm.f32 $+Inf;
	v33 =	vimm.f32 $+Inf;
	s2 =	simm.s32 $0x0;
	s26 =	sor.u32 $0x10, s25;
	[tilespmem:$0x1FF90] =	vst v60  }
0x6f: {  	v34 =	vimm.f32 $+Inf;
	v35 =	vimm.f32 $+Inf;
	v38 =	vimm.f32 $+Inf;
	s28 =	sor.u32 $0x20, s25;
	s29 =	sor.u32 $0x30, s25;
	s30 =	sor.u32 $0x40, s25;
	[tilespmem:$0x1FFA0] =	vst v62  }
0x70: {  	v37 =	vimm.f32 $+Inf;
	v36 =	vimm.f32 $+Inf;
	s31 =	sor.u32 $0x50, s25;
	s0 =	sor.u32 $0x60, s25;
	s1 =	sor.u32 $0x70, s25;
	v39 =	vimm.f32 $+Inf;
	[tilespmem:$0x1FFB0] =	vst v63  }
.LBB2_3:
0x71: {  	v11 =	vld [tilespmem:$0x1FE40]  }
0x72: {  	v15 =	vld [tilespmem:$0x1FEC0]  }
0x73: {  	v14 =	vld [tilespmem:$0x1FE50]  }
0x74: {  	v16 =	vld [tilespmem:$0x1FED0]  }
0x75: {  	v23 =	vld [tilespmem:$0x1FF40]  }
0x76: {  	v24 =	vld [tilespmem:$0x1FF50]  }
0x77: {  	s15 =	sshra.s32 s2, $0x2;
	v12 =	vld [tilespmem:$0x1FE60]  }
0x78: {  	v30 =	vld [tilespmem:s15+$0x0]  }
0x79: {  	v31 =	vld [tilespmem:s15+$0x280]  }
0x7a: {  	v17 =	vld [tilespmem:$0x1FEE0]  }
0x7b: {  	v29 =	vld [tilespmem:s15+$0x500]  }
0x7c: {  	v4 =	vld [tilespmem:$0x1FE70]  }
0x7d: {  	v3 =	vld [tilespmem:$0x1FEF0]  }
0x7e: {  	v25 =	vld [tilespmem:$0x1FF60];
	v40 =	vbroadcast v30, $0x0;
	v41 =	vbroadcast v31, $0x0  }
0x7f: {  	v26 =	vld [tilespmem:$0x1FF70]  }
0x80: {  	v13 =	vld [tilespmem:$0x1FE80];
	v44 =	vbroadcast v29, $0x0;
	v42 =	vsub.f32 v11, v40;
	v43 =	vsub.f32 v15, v41  }
0x81: {  	v19 =	vld [tilespmem:$0x1FF00];
	v45 =	vsub.f32 v14, v40;
	v46 =	vsub.f32 v16, v41  }
0x82: {  	v18 =	vld [tilespmem:$0x1FE90];
	v47 =	vsub.f32 v23, v44;
	v56 =	vsub.f32 v24, v44  }
0x83: {  	v20 =	vld [tilespmem:$0x1FF10];
	v58 =	vsub.f32 v12, v40;
	v48 =	vsub.f32 v17, v41  }
0x84: {  	v6 =	vld [tilespmem:$0x1FEA0];
	v49 =	vsub.f32 v4, v40;
	v50 =	vsub.f32 v3, v41  }
0x85: {  	v10 =	vld [tilespmem:$0x1FFA0];
	v1 =	vsub.f32 v25, v44;
	v22 =	vsub.f32 v26, v44;
	v42 =	vmul.f32 v42, v42  }
0x86: {  	v9 =	vld [tilespmem:$0x1FEB0];
	v28 =	vsub.f32 v13, v40;
	v43 =	vmul.f32 v43, v43;
	v45 =	vmul.f32 v45, v45  }
0x87: {  	v51 =	vsub.f32 v19, v41;
	v46 =	vmul.f32 v46, v46;
	v57 =	vmul.f32 v47, v47  }
0x88: {  	v52 =	vsub.f32 v18, v40;
	v60 =	vmul.f32 v58, v58;
	v62 =	vmul.f32 v48, v48  }
0x89: {  	v53 =	vsub.f32 v20, v41;
	v63 =	vmul.f32 v49, v49;
	v0 =	vmul.f32 v50, v50  }
0x8a: {  	v54 =	vsub.f32 v10, v44;
	v27 =	vmul.f32 v1, v1;
	v50 =	vmul.f32 v22, v22  }
0x8b: {  	v58 =	vmul.f32 v52, v52;
	v1 =	vsub.f32 v6, v40;
	v40 =	vsub.f32 v9, v40  }
0x8c: {  	v42 =	vadd.f32 v43, v42;
	v45 =	vadd.f32 v46, v45;
	v43 =	vmul.f32 v56, v56  }
0x8d: {  	v21 =	vld [tilespmem:$0x1FF20];
	v46 =	vadd.f32 v62, v60;
	v56 =	vmul.f32 v28, v28;
	v60 =	vmul.f32 v53, v53  }
0x8e: {  	v22 =	vld [tilespmem:$0x1FF30];
	v52 =	vmul.f32 v1, v1;
	v43 =	vadd.f32 v43, v45;
	v45 =	vadd.f32 v0, v63  }
0x8f: {  	v42 =	vadd.f32 v57, v42;
	v46 =	vadd.f32 v27, v46;
	v57 =	vmul.f32 v51, v51;
	v27 =	vld [tilespmem:$0x1FF80]  }
0x90: {  	v28 =	vld [tilespmem:$0x1FF90];
	v40 =	vmul.f32 v40, v40;
	v51 =	vbroadcast v31, $0x1;
	v45 =	vadd.f32 v50, v45  }
0x91: {  	v5 =	vld [tilespmem:$0x1FFB0];
	v2 =	vmin.f32 v42, v43;
	v48 =	vadd.f32 v57, v56;
	v50 =	vadd.f32 v60, v58  }
0x92: {  	v57 =	vmul.f32 v54, v54;
	v36 =	vmin.f32 v36, v42;
	v1 =	vsub.f32 v15, v51  }
0x93: {  	v55 =	vsub.f32 v16, v51;
	v47 =	vmin.f32 v2, v46;
	v2 =	vsub.f32 v21, v41  }
0x94: {  	v37 =	vmin.f32 v37, v43;
	v41 =	vsub.f32 v22, v41;
	v62 =	vsub.f32 v27, v44  }
0x95: {  	v38 =	vmin.f32 v38, v46;
	v63 =	vsub.f32 v28, v44;
	v53 =	vmul.f32 v2, v2  }
0x96: {  	v44 =	vsub.f32 v5, v44;
	v41 =	vmul.f32 v41, v41;
	v0 =	vmul.f32 v62, v62  }
0x97: {  	v47 =	vmin.f32 v47, v45;
	v49 =	vmul.f32 v63, v63;
	v56 =	vadd.f32 v53, v52  }
0x98: {  	v40 =	vadd.f32 v41, v40;
	v58 =	vmul.f32 v44, v44;
	v48 =	vadd.f32 v0, v48  }
0x99: {  	v39 =	vmin.f32 v39, v45;
	v49 =	vadd.f32 v49, v50;
	v53 =	vbroadcast v29, $0x1  }
0x9a: {  	v50 =	vadd.f32 v58, v40;
	v60 =	vmin.f32 v47, v48;
	v47 =	vadd.f32 v57, v56  }
0x9b: {  	v34 =	vmin.f32 v34, v49;
	v57 =	vmul.f32 v1, v1;
	v44 =	vmin.f32 v60, v49  }
0x9c: {  	v56 =	vsub.f32 v3, v51;
	v35 =	vmin.f32 v35, v48;
	v62 =	vmin.f32 v44, v47  }
0x9d: {  	v60 =	vsub.f32 v23, v53;
	v44 =	vbroadcast v30, $0x1;
	v40 =	vmin.f32 v62, v50  }
0x9e: {  	v32 =	vmin.f32 v32, v50;
	v62 =	vsub.f32 v24, v53;
	v63 =	vperm.xlane v40, v59  }
0x9f: {  	v45 =	vmul.f32 v60, v60;
	v0 =	vsub.f32 v11, v44;
	v2 =	vsub.f32 v14, v44  }
0xa0: {  	v59 =	vmul.f32 v55, v55;
	v1 =	vmul.f32 v62, v62;
	v40 =	vmin.f32 v40, v63  }
0xa1: {  	v42 =	vmul.f32 v0, v0;
	v63 =	vsub.f32 v12, v44;
	v0 =	vsub.f32 v17, v51  }
0xa2: {  	v58 =	vmul.f32 v2, v2;
	v2 =	vsub.f32 v4, v44;
	v41 =	vperm.xlane v40, v7  }
0xa3: {  	v42 =	vadd.f32 v57, v42;
	v60 =	vmul.f32 v63, v63;
	v62 =	vmul.f32 v0, v0  }
0xa4: {  	v63 =	vmul.f32 v2, v2;
	v0 =	vmul.f32 v56, v56;
	v2 =	vsub.f32 v26, v53  }
0xa5: {  	v57 =	vsub.f32 v19, v51;
	v43 =	vmin.f32 v40, v41;
	v41 =	vadd.f32 v59, v58  }
0xa6: {  	v33 =	vmin.f32 v33, v47;
	v58 =	vsub.f32 v18, v44;
	v40 =	vadd.f32 v45, v42  }
0xa7: {  	v54 =	vperm.xlane v43, v8;
	v42 =	vadd.f32 v62, v60;
	v46 =	vadd.f32 v0, v63  }
0xa8: {  	v62 =	vsub.f32 v13, v44;
	v56 =	vmul.f32 v2, v2;
	v63 =	vsub.f32 v20, v51  }
0xa9: {  	v41 =	vadd.f32 v1, v41;
	v1 =	vsub.f32 v25, v53;
	v2 =	vmul.f32 v58, v58  }
0xaa: {  	v0 =	vmul.f32 v62, v62;
	v46 =	vadd.f32 v56, v46;
	v62 =	vsub.f32 v27, v53  }
0xab: {  	v43 =	vmin.f32 v43, v54;
	v60 =	vmul.f32 v1, v1;
	v1 =	vmul.f32 v57, v57  }
0xac: {  	v36 =	vmin.f32 v36, v40;
	v45 =	vmin.f32 v40, v41;
	v49 =	vperm.xlane v43, v61  }
0xad: {  	v37 =	vmin.f32 v37, v41;
	v42 =	vadd.f32 v60, v42;
	v52 =	vadd.f32 v1, v0  }
0xae: {  	v60 =	vmul.f32 v63, v63;
	v63 =	vsub.f32 v28, v53;
	v0 =	vsub.f32 v6, v44  }
0xaf: {  	v39 =	vmin.f32 v39, v46;
	v1 =	vsub.f32 v21, v51;
	v44 =	vsub.f32 v9, v44  }
0xb0: {  	v51 =	vsub.f32 v22, v51;
	v43 =	vmin.f32 v43, v49;
	v45 =	vmin.f32 v45, v42  }
0xb1: {  	v56 =	vadd.f32 v60, v2;
	v2 =	vmul.f32 v62, v62;
	v55 =	vmul.f32 v63, v63  }
0xb2: {  	v60 =	vsub.f32 v10, v53;
	v58 =	vmul.f32 v0, v0;
	v59 =	vmul.f32 v1, v1  }
0xb3: {  	v53 =	vsub.f32 v5, v53;
	v44 =	vmul.f32 v44, v44;
	v51 =	vmul.f32 v51, v51  }
0xb4: {  	v38 =	vmin.f32 v38, v42;
	v42 =	vbroadcast v30, $0x3;
	v45 =	vmin.f32 v45, v46  }
0xb5: {  	v52 =	vadd.f32 v2, v52;
	v2 =	vadd.f32 v59, v58;
	v62 =	vmul.f32 v60, v60  }
0xb6: {  	v44 =	vadd.f32 v51, v44;
	v63 =	vmul.f32 v53, v53;
	v53 =	vbroadcast v31, $0x2  }
0xb7: {  	v55 =	vadd.f32 v55, v56;
	v51 =	vbroadcast v30, $0x2;
	v48 =	vadd.f32 v62, v2  }
0xb8: {  	v0 =	vld [tilespmem:$0x1FFE0];
	v58 =	vbroadcast v29, $0x2;
	v44 =	vadd.f32 v63, v44;
	v1 =	vsub.f32 v15, v53  }
0xb9: {  	v45 =	vmin.f32 v45, v52;
	v2 =	vsub.f32 v14, v51;
	v60 =	vsub.f32 v16, v53  }
0xba: {  	v62 =	vsub.f32 v23, v58;
	v63 =	vsub.f32 v24, v58;
	v45 =	vmin.f32 v45, v55  }
0xbb: {  	v56 =	vsub.f32 v12, v51;
	v34 =	vmin.f32 v34, v55;
	v45 =	vmin.f32 v45, v48  }
0xbc: {  	v55 =	vsub.f32 v14, v42;
	v2 =	vmul.f32 v2, v2;
	v45 =	vmin.f32 v45, v44  }
0xbd: {  	v61 =	vmul.f32 v60, v60;
	v54 =	vperm.xlane v45, v0;
	v0 =	vsub.f32 v11, v51  }
0xbe: {  	v1 =	vmul.f32 v1, v1;
	v49 =	vmul.f32 v62, v62;
	v60 =	vsub.f32 v13, v51  }
0xbf: {  	v50 =	vadd.f32 v61, v2;
	v2 =	vsub.f32 v3, v53;
	v0 =	vmul.f32 v0, v0  }
0xc0: {  	v62 =	vsub.f32 v19, v53;
	v45 =	vmin.f32 v45, v54;
	v54 =	vmul.f32 v63, v63;
	v63 =	vld [tilespmem:$0x1FFC0]  }
0xc1: {  	v57 =	vmul.f32 v2, v2;
	v2 =	vsub.f32 v26, v58;
	v47 =	vadd.f32 v1, v0  }
0xc2: {  	v35 =	vmin.f32 v35, v52;
	v0 =	vsub.f32 v17, v53;
	v1 =	vsub.f32 v4, v51  }
0xc3: {  	v50 =	vadd.f32 v54, v50;
	v47 =	vadd.f32 v49, v47;
	v49 =	vmul.f32 v56, v56  }
0xc4: {  	v56 =	vmul.f32 v0, v0;
	v54 =	vmul.f32 v1, v1;
	v1 =	vsub.f32 v25, v58  }
0xc5: {  	v61 =	vmul.f32 v2, v2;
	v0 =	vsub.f32 v20, v53;
	v59 =	vperm.xlane v45, v63  }
0xc6: {  	v49 =	vadd.f32 v56, v49;
	v54 =	vadd.f32 v57, v54;
	v57 =	vmul.f32 v1, v1  }
0xc7: {  	v63 =	vsub.f32 v18, v51;
	v0 =	vmul.f32 v0, v0;
	v1 =	vsub.f32 v10, v58  }
0xc8: {  	v49 =	vadd.f32 v57, v49;
	v57 =	vmul.f32 v60, v60;
	v60 =	vmul.f32 v62, v62  }
0xc9: {  	v54 =	vadd.f32 v61, v54;
	v61 =	vmul.f32 v63, v63;
	v62 =	vsub.f32 v27, v58  }
0xca: {  	v56 =	vmin.f32 v47, v50;
	v63 =	vsub.f32 v21, v53;
	v53 =	vsub.f32 v22, v53  }
0xcb: {  	v0 =	vadd.f32 v0, v61;
	v61 =	vmul.f32 v62, v62;
	v62 =	vsub.f32 v6, v51  }
0xcc: {  	v1 =	vmul.f32 v1, v1;
	v57 =	vadd.f32 v60, v57;
	v60 =	vsub.f32 v28, v58  }
0xcd: {  	v56 =	vmin.f32 v56, v49;
	v63 =	vmul.f32 v63, v63;
	v62 =	vmul.f32 v62, v62  }
0xce: {  	v51 =	vsub.f32 v9, v51;
	v58 =	vsub.f32 v5, v58;
	v60 =	vmul.f32 v60, v60  }
0xcf: {  	v2 =	vld [tilespmem:$0x1FFD0];
	v53 =	vmul.f32 v53, v53;
	v57 =	vadd.f32 v61, v57;
	v61 =	vadd.f32 v63, v62  }
0xd0: {  	v56 =	vmin.f32 v56, v54;
	v51 =	vmul.f32 v51, v51;
	v0 =	vadd.f32 v60, v0  }
0xd1: {  	v44 =	vmin.f32 v32, v44;
	v56 =	vmin.f32 v56, v57;
	v1 =	vadd.f32 v1, v61  }
0xd2: {  	v46 =	vld [tilespmem:$0x1FFF0];
	v51 =	vadd.f32 v53, v51;
	v60 =	vmul.f32 v58, v58;
	v56 =	vmin.f32 v56, v0  }
0xd3: {  	v37 =	vmin.f32 v37, v50;
	v45 =	vmin.f32 v45, v59;
	v62 =	vmin.f32 v56, v1;
	v56 =	vld [tilespmem:$0x1FFE0]  }
0xd4: {  	v36 =	vmin.f32 v36, v47;
	v61 =	vperm.xlane v45, v2;
	v51 =	vadd.f32 v60, v51  }
0xd5: {  	v38 =	vmin.f32 v38, v49;
	v32 =	vmin.f32 v39, v54;
	v34 =	vmin.f32 v34, v0  }
0xd6: {  	v2 =	vsub.f32 v18, v42;
	v63 =	vmin.f32 v45, v61;
	v61 =	vld [tilespmem:$0x1FFC0];
	v44 =	vmin.f32 v44, v51  }
0xd7: {  	v40 =	vmin.f32 v62, v51;
	v53 =	vperm.xlane v63, v46;
	v46 =	vmin.f32 v33, v48  }
0xd8: {  	v48 =	vbroadcast v29, $0x3;
	v33 =	vmin.f32 v35, v57;
	v58 =	vperm.xlane v40, v56  }
0xd9: {  	v52 =	vld [tilespmem:$0x1FFD0];
	v35 =	vmin.f32 v46, v1;
	v59 =	vmin.f32 v63, v53;
	v53 =	vsub.f32 v11, v42  }
0xda: {  	v60 =	vmin.f32 v40, v58;
	v40 =	vsel vm0, v43, v59;
	v43 =	vbroadcast v31, $0x3  }
0xdb: {  	v45 =	vmul.f32 v53, v53;
	v62 =	vperm.xlane v60, v61;
	v61 =	vsub.f32 v24, v48  }
0xdc: {  	v58 =	vmul.f32 v55, v55;
	v54 =	vsub.f32 v15, v43;
	v56 =	vsub.f32 v16, v43  }
0xdd: {  	v53 =	vsub.f32 v3, v43;
	v63 =	vmin.f32 v60, v62;
	v60 =	vsub.f32 v23, v48  }
0xde: {  	v62 =	vsub.f32 v12, v42;
	v41 =	vperm.xlane v63, v52;
	v47 =	vmul.f32 v54, v54  }
0xdf: {  	v59 =	vmul.f32 v56, v56;
	v52 =	vsub.f32 v4, v42;
	v57 =	vmul.f32 v53, v53  }
0xe0: {  	v1 =	vmul.f32 v60, v60;
	v54 =	vmul.f32 v62, v62;
	v60 =	vsub.f32 v26, v48  }
0xe1: {  	v62 =	vsub.f32 v13, v42;
	v45 =	vadd.f32 v47, v45;
	v39 =	vmin.f32 v63, v41  }
0xe2: {  	v0 =	vadd.f32 v59, v58;
	v63 =	vsub.f32 v17, v43;
	v41 =	vmul.f32 v61, v61  }
0xe3: {  	v56 =	vmul.f32 v52, v52;
	v59 =	vsub.f32 v25, v48;
	v52 =	vmul.f32 v60, v60  }
0xe4: {  	v58 =	vld [tilespmem:$0x1FFF0];
	v1 =	vadd.f32 v1, v45;
	v55 =	vmul.f32 v63, v63;
	v0 =	vadd.f32 v41, v0  }
0xe5: {  	v60 =	vmul.f32 v2, v2;
	v41 =	vadd.f32 v57, v56;
	v63 =	vsub.f32 v19, v43  }
0xe6: {  	v61 =	vmul.f32 v59, v59;
	v57 =	vsub.f32 v20, v43;
	v45 =	vadd.f32 v55, v54  }
0xe7: {  	v46 =	vmin.f32 v1, v0;
	v59 =	vmul.f32 v63, v63;
	v41 =	vadd.f32 v52, v41  }
0xe8: {  	v63 =	vsub.f32 v28, v48;
	v1 =	vmin.f32 v36, v1;
	v0 =	vmin.f32 v37, v0  }
0xe9: {  	v49 =	vperm.xlane v39, v58;
	v58 =	vmul.f32 v62, v62;
	v62 =	vsub.f32 v27, v48  }
0xea: {  	v45 =	vadd.f32 v61, v45;
	v61 =	vmul.f32 v57, v57;
	v50 =	vmul.f32 v63, v63  }
0xeb: {  	v47 =	vadd.f32 v59, v58;
	v2 =	vmul.f32 v62, v62;
	v62 =	vsub.f32 v10, v48  }
0xec: {  	v48 =	vsub.f32 v5, v48;
	v39 =	vmin.f32 v39, v49;
	v52 =	vadd.f32 v61, v60  }
0xed: {  	v49 =	vbroadcast v31, $0x4;
	v60 =	vsub.f32 v6, v42;
	v61 =	vsub.f32 v21, v43  }
0xee: {  	v46 =	vmin.f32 v46, v45;
	v42 =	vsub.f32 v9, v42;
	v43 =	vsub.f32 v22, v43  }
0xef: {  	v39 =	vsel vm1, v40, v39;
	v47 =	vadd.f32 v2, v47;
	v2 =	vmul.f32 v62, v62  }
0xf0: {  	v38 =	vmin.f32 v38, v45;
	v54 =	vmul.f32 v60, v60;
	v55 =	vmul.f32 v61, v61  }
0xf1: {  	v46 =	vmin.f32 v46, v41;
	v42 =	vmul.f32 v42, v42;
	v43 =	vmul.f32 v43, v43  }
0xf2: {  	v58 =	vsub.f32 v15, v49;
	v41 =	vmin.f32 v32, v41;
	v63 =	vadd.f32 v55, v54  }
0xf3: {  	v56 =	vld [tilespmem:$0x1FFE0];
	v50 =	vadd.f32 v50, v52;
	v52 =	vmul.f32 v48, v48;
	v42 =	vadd.f32 v43, v42  }
0xf4: {  	v60 =	vsub.f32 v16, v49;
	v46 =	vmin.f32 v46, v47;
	v48 =	vadd.f32 v2, v63  }
0xf5: {  	v62 =	vmul.f32 v58, v58;
	v46 =	vmin.f32 v46, v50;
	v42 =	vadd.f32 v52, v42  }
0xf6: {  	v47 =	vmin.f32 v33, v47;
	v55 =	vmin.f32 v46, v48;
	v46 =	vbroadcast v30, $0x4  }
0xf7: {  	v58 =	vld [tilespmem:$0x1FFC0];
	v52 =	vbroadcast v29, $0x4;
	v48 =	vmin.f32 v35, v48;
	v36 =	vmin.f32 v55, v42  }
0xf8: {  	v40 =	vperm.xlane v36, v56;
	v57 =	vsub.f32 v11, v46;
	v59 =	vsub.f32 v14, v46  }
0xf9: {  	v42 =	vmin.f32 v44, v42;
	v56 =	vmul.f32 v60, v60;
	v60 =	vsub.f32 v12, v46  }
0xfa: {  	v61 =	vmul.f32 v57, v57;
	v63 =	vmul.f32 v59, v59;
	v36 =	vmin.f32 v36, v40  }
0xfb: {  	v57 =	vsub.f32 v23, v52;
	v59 =	vsub.f32 v24, v52;
	v2 =	vmul.f32 v60, v60  }
0xfc: {  	v60 =	vsub.f32 v25, v52;
	v43 =	vperm.xlane v36, v58;
	v37 =	vadd.f32 v62, v61  }
0xfd: {  	v45 =	vadd.f32 v56, v63;
	v40 =	vmul.f32 v57, v57;
	v61 =	vsub.f32 v17, v49  }
0xfe: {  	v53 =	vmul.f32 v59, v59;
	v62 =	vsub.f32 v4, v46;
	v63 =	vsub.f32 v3, v49  }
0xff: {  	v36 =	vmin.f32 v36, v43;
	v43 =	vmul.f32 v60, v60;
	v60 =	vsub.f32 v20, v49  }
0x100: {  	v37 =	vadd.f32 v40, v37;
	v57 =	vmul.f32 v61, v61;
	v45 =	vadd.f32 v53, v45  }
0x101: {  	v58 =	vmul.f32 v62, v62;
	v59 =	vmul.f32 v63, v63;
	v61 =	vsub.f32 v26, v52  }
0x102: {  	v44 =	vbroadcast v30, $0x5;
	v62 =	vsub.f32 v13, v46;
	v63 =	vsub.f32 v19, v49  }
0x103: {  	v40 =	vadd.f32 v57, v2;
	v53 =	vadd.f32 v59, v58;
	v55 =	vmul.f32 v61, v61  }
0x104: {  	v51 =	vmin.f32 v37, v45;
	v2 =	vsub.f32 v18, v46;
	v61 =	vmul.f32 v62, v62  }
0x105: {  	v62 =	vmul.f32 v63, v63;
	v40 =	vadd.f32 v43, v40;
	v53 =	vadd.f32 v55, v53  }
0x106: {  	v63 =	vmul.f32 v2, v2;
	v2 =	vmul.f32 v60, v60;
	v60 =	vsub.f32 v27, v52  }
0x107: {  	v33 =	vmin.f32 v1, v37;
	v43 =	vadd.f32 v62, v61;
	v61 =	vsub.f32 v28, v52  }
0x108: {  	v51 =	vmin.f32 v51, v40;
	v55 =	vadd.f32 v2, v63;
	v63 =	vsub.f32 v6, v46  }
0x109: {  	v2 =	vsub.f32 v21, v49;
	v54 =	vmul.f32 v61, v61;
	v46 =	vsub.f32 v9, v46  }
0x10a: {  	v62 =	vmul.f32 v60, v60;
	v49 =	vsub.f32 v22, v49;
	v60 =	vsub.f32 v10, v52  }
0x10b: {  	v52 =	vsub.f32 v5, v52;
	v35 =	vmin.f32 v38, v40;
	v54 =	vadd.f32 v54, v55;
	v55 =	vld [tilespmem:$0x1FFD0]  }
0x10c: {  	v57 =	vmul.f32 v63, v63;
	v58 =	vmul.f32 v2, v2;
	v43 =	vadd.f32 v62, v43  }
0x10d: {  	v51 =	vmin.f32 v51, v53;
	v46 =	vmul.f32 v46, v46;
	v49 =	vmul.f32 v49, v49  }
0x10e: {  	v62 =	vmul.f32 v60, v60;
	v61 =	vadd.f32 v58, v57;
	v51 =	vmin.f32 v51, v43  }
0x10f: {  	v63 =	vmul.f32 v52, v52;
	v46 =	vadd.f32 v49, v46;
	v59 =	vmin.f32 v51, v54;
	v51 =	vld [tilespmem:$0x1FFE0]  }
0x110: {  	v49 =	vmin.f32 v34, v50;
	v58 =	vperm.xlane v36, v55;
	v55 =	vadd.f32 v62, v61;
	v61 =	vld [tilespmem:$0x1FFF0]  }
0x111: {  	v50 =	vbroadcast v31, $0x5;
	v34 =	vmin.f32 v0, v45;
	v46 =	vadd.f32 v63, v46  }
0x112: {  	v57 =	vld [tilespmem:$0x1FFC0];
	v43 =	vmin.f32 v47, v43;
	v49 =	vmin.f32 v49, v54;
	v32 =	vmin.f32 v59, v55  }
0x113: {  	v42 =	vmin.f32 v42, v46;
	v60 =	vmin.f32 v36, v58;
	v63 =	vmin.f32 v32, v46  }
0x114: {  	v59 =	vsub.f32 v11, v44;
	v36 =	vmin.f32 v41, v53;
	v52 =	vperm.xlane v63, v51  }
0x115: {  	v48 =	vmin.f32 v48, v55;
	v62 =	vperm.xlane v60, v61;
	v61 =	vsub.f32 v14, v44  }
0x116: {  	v1 =	vmin.f32 v63, v52;
	v63 =	vmul.f32 v59, v59;
	v59 =	vsub.f32 v12, v44  }
0x117: {  	v56 =	vmin.f32 v60, v62;
	v58 =	vperm.xlane v1, v57;
	v60 =	vsub.f32 v15, v50  }
0x118: {  	v62 =	vsub.f32 v16, v50;
	v32 =	vsel vm2, v39, v56;
	v39 =	vbroadcast v29, $0x5  }
0x119: {  	v51 =	vmul.f32 v61, v61;
	v2 =	vmul.f32 v60, v60;
	v60 =	vsub.f32 v17, v50  }
0x11a: {  	v52 =	vmul.f32 v62, v62;
	v56 =	vsub.f32 v23, v39;
	v57 =	vsub.f32 v24, v39  }
0x11b: {  	v1 =	vmin.f32 v1, v58;
	v62 =	vsub.f32 v4, v44;
	v0 =	vadd.f32 v2, v63  }
0x11c: {  	v63 =	vsub.f32 v3, v50;
	v58 =	vmul.f32 v56, v56;
	v61 =	vmul.f32 v57, v57  }
0x11d: {  	v38 =	vadd.f32 v52, v51;
	v56 =	vmul.f32 v59, v59;
	v57 =	vmul.f32 v60, v60;
	v60 =	vld [tilespmem:$0x1FFD0]  }
0x11e: {  	v59 =	vmul.f32 v63, v63;
	v63 =	vsub.f32 v13, v44;
	v37 =	vadd.f32 v58, v0  }
0x11f: {  	v38 =	vadd.f32 v61, v38;
	v58 =	vmul.f32 v62, v62;
	v61 =	vsub.f32 v25, v39  }
0x120: {  	v0 =	vadd.f32 v57, v56;
	v62 =	vsub.f32 v26, v39;
	v63 =	vmul.f32 v63, v63  }
0x121: {  	v40 =	vmin.f32 v37, v38;
	v41 =	vadd.f32 v59, v58;
	v2 =	vmul.f32 v61, v61  }
0x122: {  	v53 =	vmul.f32 v62, v62;
	v51 =	vperm.xlane v1, v60;
	v60 =	vsub.f32 v19, v50  }
0x123: {  	v61 =	vsub.f32 v18, v44;
	v62 =	vsub.f32 v20, v50;
	v34 =	vmin.f32 v34, v38  }
0x124: {  	v0 =	vadd.f32 v2, v0;
	v41 =	vadd.f32 v53, v41;
	v2 =	vmul.f32 v60, v60  }
0x125: {  	v60 =	vmul.f32 v61, v61;
	v61 =	vmul.f32 v62, v62;
	v62 =	vsub.f32 v27, v39  }
0x126: {  	v1 =	vmin.f32 v1, v51;
	v40 =	vmin.f32 v40, v0;
	v45 =	vadd.f32 v2, v63  }
0x127: {  	v0 =	vmin.f32 v35, v0;
	v63 =	vsub.f32 v28, v39;
	v53 =	vadd.f32 v61, v60  }
0x128: {  	v40 =	vmin.f32 v40, v41;
	v60 =	vsub.f32 v6, v44;
	v61 =	vsub.f32 v21, v50  }
0x129: {  	v2 =	vmul.f32 v62, v62;
	v44 =	vsub.f32 v9, v44;
	v50 =	vsub.f32 v22, v50  }
0x12a: {  	v62 =	vsub.f32 v10, v39;
	v57 =	vmul.f32 v60, v60;
	v58 =	vmul.f32 v61, v61  }
0x12b: {  	v39 =	vsub.f32 v5, v39;
	v44 =	vmul.f32 v44, v44;
	v50 =	vmul.f32 v50, v50  }
0x12c: {  	v52 =	vmul.f32 v63, v63;
	v45 =	vadd.f32 v2, v45;
	v2 =	vmul.f32 v62, v62  }
0x12d: {  	v39 =	vmul.f32 v39, v39;
	v60 =	vld [tilespmem:$0x1FFF0];
	v63 =	vadd.f32 v58, v57;
	v44 =	vadd.f32 v50, v44  }
0x12e: {  	v61 =	vld [tilespmem:$0x1FFE0];
	v52 =	vadd.f32 v52, v53;
	v40 =	vmin.f32 v40, v45;
	v50 =	vbroadcast v31, $0x6  }
0x12f: {  	v47 =	vadd.f32 v2, v63;
	v39 =	vadd.f32 v39, v44;
	v44 =	vbroadcast v30, $0x6  }
0x130: {  	v36 =	vmin.f32 v36, v41;
	v57 =	vbroadcast v29, $0x6;
	v40 =	vmin.f32 v40, v52  }
0x131: {  	v63 =	vsub.f32 v15, v50;
	v40 =	vmin.f32 v40, v47;
	v62 =	vsub.f32 v11, v44  }
0x132: {  	v51 =	vperm.xlane v1, v60;
	v2 =	vsub.f32 v14, v44;
	v40 =	vmin.f32 v40, v39  }
0x133: {  	v60 =	vsub.f32 v16, v50;
	v53 =	vperm.xlane v40, v61;
	v54 =	vmul.f32 v62, v62  }
0x134: {  	v59 =	vsub.f32 v13, v44;
	v61 =	vmul.f32 v63, v63;
	v62 =	vmul.f32 v2, v2  }
0x135: {  	v63 =	vmul.f32 v60, v60;
	v60 =	vsub.f32 v23, v57;
	v2 =	vsub.f32 v4, v44  }
0x136: {  	v41 =	vmin.f32 v49, v52;
	v54 =	vadd.f32 v61, v54;
	v61 =	vsub.f32 v24, v57  }
0x137: {  	v1 =	vmin.f32 v1, v51;
	v46 =	vadd.f32 v63, v62;
	v62 =	vsub.f32 v12, v44  }
0x138: {  	v51 =	vmul.f32 v60, v60;
	v63 =	vsub.f32 v17, v50;
	v60 =	vsub.f32 v3, v50  }
0x139: {  	v40 =	vmin.f32 v40, v53;
	v53 =	vmul.f32 v61, v61;
	v61 =	vmul.f32 v62, v62  }
0x13a: {  	v62 =	vmul.f32 v63, v63;
	v56 =	vmul.f32 v60, v60;
	v63 =	vld [tilespmem:$0x1FFC0];
	v60 =	vsub.f32 v26, v57  }
0x13b: {  	v46 =	vadd.f32 v53, v46;
	v53 =	vmul.f32 v2, v2;
	v2 =	vsub.f32 v25, v57  }
0x13c: {  	v1 =	vsel vm3, v32, v1;
	v51 =	vadd.f32 v51, v54;
	v54 =	vadd.f32 v62, v61  }
0x13d: {  	v60 =	vmul.f32 v60, v60;
	v53 =	vadd.f32 v56, v53;
	v56 =	vmul.f32 v2, v2  }
0x13e: {  	v62 =	vsub.f32 v18, v44;
	v55 =	vmin.f32 v51, v46;
	v2 =	vsub.f32 v19, v50  }
0x13f: {  	v58 =	vperm.xlane v40, v63;
	v63 =	vsub.f32 v20, v50;
	v54 =	vadd.f32 v56, v54  }
0x140: {  	v56 =	vmul.f32 v59, v59;
	v2 =	vmul.f32 v2, v2;
	v53 =	vadd.f32 v60, v53  }
0x141: {  	v60 =	vmul.f32 v62, v62;
	v62 =	vsub.f32 v27, v57;
	v61 =	vmul.f32 v63, v63  }
0x142: {  	v63 =	vsub.f32 v21, v50;
	v50 =	vsub.f32 v22, v50;
	v40 =	vmin.f32 v40, v58  }
0x143: {  	v55 =	vmin.f32 v55, v54;
	v56 =	vadd.f32 v2, v56;
	v2 =	vsub.f32 v28, v57  }
0x144: {  	v7 =	vld [tilespmem:$0x1FFD0];
	v32 =	vmin.f32 v0, v54;
	v55 =	vmin.f32 v55, v53;
	v60 =	vadd.f32 v61, v60  }
0x145: {  	v61 =	vmul.f32 v62, v62;
	v62 =	vsub.f32 v6, v44;
	v44 =	vsub.f32 v9, v44  }
0x146: {  	v63 =	vmul.f32 v63, v63;
	v59 =	vmul.f32 v2, v2;
	v2 =	vsub.f32 v10, v57  }
0x147: {  	v50 =	vmul.f32 v50, v50;
	v57 =	vsub.f32 v5, v57;
	v62 =	vmul.f32 v62, v62  }
0x148: {  	v44 =	vmul.f32 v44, v44;
	v56 =	vadd.f32 v61, v56;
	v2 =	vmul.f32 v2, v2  }
0x149: {  	v59 =	vadd.f32 v59, v60;
	v61 =	vadd.f32 v63, v62;
	v63 =	vperm.xlane v40, v7;
	v7 =	vld [tilespmem:$0x1FFF0]  }
0x14a: {  	v44 =	vadd.f32 v50, v44;
	v62 =	vmul.f32 v57, v57;
	v55 =	vmin.f32 v55, v56  }
0x14b: {  	v50 =	vmin.f32 v33, v37;
	v37 =	vmin.f32 v42, v39;
	v39 =	vbroadcast v30, $0x7  }
0x14c: {  	v42 =	vbroadcast v31, $0x7;
	v55 =	vmin.f32 v55, v59;
	v38 =	vmin.f32 v50, v51  }
0x14d: {  	v2 =	vadd.f32 v2, v61;
	v44 =	vadd.f32 v62, v44;
	v60 =	vmin.f32 v40, v63  }
0x14e: {  	v63 =	vmin.f32 v43, v45;
	v43 =	vmin.f32 v48, v47;
	v61 =	vperm.xlane v60, v7;
	v7 =	vld [tilespmem:$0x1FFE0]  }
0x14f: {  	v45 =	vmin.f32 v34, v46;
	v54 =	vsub.f32 v11, v39;
	v47 =	vbroadcast v29, $0x7  }
0x150: {  	v57 =	vsub.f32 v14, v39;
	v34 =	vmin.f32 v63, v56;
	v58 =	vmin.f32 v55, v2  }
0x151: {  	v52 =	vld [tilespmem:$0x1FFC0];
	v55 =	vsub.f32 v15, v42;
	v56 =	vsub.f32 v25, v47;
	v33 =	vmin.f32 v58, v44  }
0x152: {  	v58 =	vsub.f32 v16, v42;
	v35 =	vmin.f32 v60, v61;
	v60 =	vmul.f32 v54, v54  }
0x153: {  	v2 =	vmin.f32 v43, v2;
	v61 =	vmul.f32 v55, v55;
	v62 =	vperm.xlane v33, v7  }
0x154: {  	v63 =	vmul.f32 v58, v58;
	v54 =	vsub.f32 v12, v39;
	v55 =	vsub.f32 v17, v42  }
0x155: {  	v58 =	vsub.f32 v4, v39;
	v33 =	vmin.f32 v33, v62;
	v62 =	vmul.f32 v57, v57  }
0x156: {  	v1 =	vsel vm4, v1, v35;
	v7 =	vld [tilespmem:$0x1FFD0];
	v35 =	vperm.xlane v33, v52;
	v52 =	vsub.f32 v23, v47  }
0x157: {  	v40 =	vadd.f32 v63, v62;
	v62 =	vmul.f32 v58, v58;
	v58 =	vsub.f32 v26, v47  }
0x158: {  	v0 =	vmin.f32 v33, v35;
	v33 =	vmin.f32 v36, v53;
	v35 =	vmin.f32 v41, v59  }
0x159: {  	v36 =	vadd.f32 v61, v60;
	v41 =	vmul.f32 v52, v52;
	v59 =	vsub.f32 v3, v42  }
0x15a: {  	v53 =	vsub.f32 v24, v47;
	v60 =	vmul.f32 v54, v54;
	v61 =	vmul.f32 v55, v55  }
0x15b: {  	v46 =	vperm.xlane v0, v7;
	v36 =	vadd.f32 v41, v36;
	v63 =	vmul.f32 v59, v59  }
0x15c: {  	v55 =	vld [tilespmem:$0x1FFF0];
	v41 =	vadd.f32 v61, v60;
	v59 =	vmul.f32 v56, v56;
	v60 =	vsub.f32 v13, v39  }
0x15d: {  	v57 =	vmovc v4;
	v61 =	vsub.f32 v19, v42;
	v0 =	vmin.f32 v0, v46;
	v46 =	vmul.f32 v53, v53  }
0x15e: {  	v4 =	vmovc v3;
	v52 =	vmul.f32 v58, v58;
	v41 =	vadd.f32 v59, v41;
	v3 =	vmul.f32 v60, v60  }
0x15f: {  	v58 =	vmul.f32 v61, v61;
	v61 =	vsub.f32 v27, v47;
	v40 =	vadd.f32 v46, v40  }
0x160: {  	v37 =	vmin.f32 v37, v44;
	v46 =	vadd.f32 v63, v62;
	v62 =	vsub.f32 v18, v39  }
0x161: {  	v8 =	vmovc v6;
	v50 =	vperm.xlane v0, v55;
	v63 =	vsub.f32 v20, v42;
	v49 =	vadd.f32 v58, v3  }
0x162: {  	v3 =	vsub.f32 v8, v39;
	v39 =	vsub.f32 v9, v39;
	v32 =	vmin.f32 v32, v41  }
0x163: {  	v48 =	vmin.f32 v36, v40;
	v46 =	vadd.f32 v52, v46;
	v59 =	vmul.f32 v62, v62  }
0x164: {  	v60 =	vmul.f32 v63, v63;
	v62 =	vsub.f32 v28, v47;
	v63 =	vmul.f32 v61, v61  }
0x165: {  	v61 =	vsub.f32 v10, v47;
	v47 =	vsub.f32 v5, v47;
	v0 =	vmin.f32 v0, v50  }
0x166: {  	v36 =	vmin.f32 v38, v36;
	v40 =	vmin.f32 v45, v40;
	v48 =	vmin.f32 v48, v41  }
0x167: {  	v54 =	vmul.f32 v3, v3;
	v52 =	vadd.f32 v60, v59;
	v60 =	vsub.f32 v21, v42  }
0x168: {  	v39 =	vmul.f32 v39, v39;
	v0 =	vsel vm5, v1, v0;
	v48 =	vmin.f32 v48, v46  }
0x169: {  	v51 =	vmul.f32 v62, v62;
	v42 =	vsub.f32 v22, v42;
	v55 =	vmul.f32 v60, v60  }
0x16a: {  	v49 =	vadd.f32 v63, v49;
	v63 =	vmul.f32 v61, v61;
	v56 =	vmul.f32 v47, v47  }
0x16b: {  	v33 =	vmin.f32 v33, v46;
	v46 =	vbroadcast v30, $0x9;
	v62 =	vadd.f32 v55, v54  }
0x16c: {  	v42 =	vmul.f32 v42, v42;
	v51 =	vadd.f32 v51, v52;
	v58 =	vmin.f32 v48, v49  }
0x16d: {  	v48 =	vbroadcast v31, $0x8;
	v52 =	vbroadcast v29, $0x8;
	v47 =	vadd.f32 v63, v62  }
0x16e: {  	v34 =	vmin.f32 v34, v49;
	v39 =	vadd.f32 v42, v39;
	v43 =	vmin.f32 v58, v51  }
0x16f: {  	v60 =	vld [tilespmem:$0x1FFE0];
	v62 =	vsub.f32 v15, v48;
	v59 =	vmin.f32 v43, v47;
	v43 =	vbroadcast v30, $0x8  }
0x170: {  	v49 =	vbroadcast v29, $0x9;
	v3 =	vsub.f32 v16, v48;
	v39 =	vadd.f32 v56, v39  }
0x171: {  	v35 =	vmin.f32 v35, v51;
	v56 =	vmul.f32 v62, v62;
	v61 =	vsub.f32 v11, v43  }
0x172: {  	v62 =	vsub.f32 v24, v52;
	v2 =	vmin.f32 v2, v47;
	v1 =	vmin.f32 v59, v39  }
0x173: {  	v59 =	vmul.f32 v3, v3;
	v63 =	vsub.f32 v14, v43;
	v55 =	vmul.f32 v61, v61;
	v61 =	vld [tilespmem:$0x1FFC0]  }
0x174: {  	v42 =	vperm.xlane v1, v60;
	v60 =	vsub.f32 v23, v52;
	v53 =	vmul.f32 v62, v62  }
0x175: {  	v62 =	vsub.f32 v4, v48;
	v58 =	vmul.f32 v63, v63;
	v63 =	vsub.f32 v12, v43  }
0x176: {  	v1 =	vmin.f32 v1, v42;
	v42 =	vmul.f32 v60, v60;
	v60 =	vsub.f32 v17, v48  }
0x177: {  	v38 =	vadd.f32 v56, v55;
	v45 =	vadd.f32 v59, v58;
	v63 =	vmul.f32 v63, v63  }
0x178: {  	v59 =	vmul.f32 v62, v62;
	v44 =	vperm.xlane v1, v61;
	v61 =	vsub.f32 v57, v43  }
0x179: {  	v3 =	vmovc v57;
	v62 =	vsub.f32 v13, v43;
	v38 =	vadd.f32 v42, v38;
	v57 =	vmul.f32 v60, v60  }
0x17a: {  	v45 =	vadd.f32 v53, v45;
	v60 =	vsub.f32 v25, v52;
	v58 =	vmul.f32 v61, v61  }
0x17b: {  	v1 =	vmin.f32 v1, v44;
	v42 =	vadd.f32 v57, v63;
	v61 =	vsub.f32 v26, v52  }
0x17c: {  	v44 =	vmul.f32 v60, v60;
	v63 =	vsub.f32 v19, v48;
	v60 =	vsub.f32 v18, v43  }
0x17d: {  	v53 =	vadd.f32 v59, v58;
	v55 =	vmul.f32 v61, v61;
	v61 =	vsub.f32 v20, v48  }
0x17e: {  	v42 =	vadd.f32 v44, v42;
	v44 =	vmul.f32 v62, v62;
	v62 =	vmul.f32 v63, v63  }
0x17f: {  	v63 =	vmul.f32 v60, v60;
	v53 =	vadd.f32 v55, v53;
	v60 =	vmul.f32 v61, v61  }
0x180: {  	v37 =	vmin.f32 v37, v39;
	v44 =	vadd.f32 v62, v44;
	v62 =	vsub.f32 v28, v52  }
0x181: {  	v50 =	vmin.f32 v38, v45;
	v61 =	vsub.f32 v27, v52;
	v55 =	vadd.f32 v60, v63  }
0x182: {  	v60 =	vsub.f32 v8, v43;
	v54 =	vmul.f32 v62, v62;
	v62 =	vsub.f32 v10, v52  }
0x183: {  	v36 =	vmin.f32 v36, v38;
	v40 =	vmin.f32 v40, v45;
	v63 =	vmul.f32 v61, v61  }
0x184: {  	v61 =	vsub.f32 v21, v48;
	v57 =	vmul.f32 v60, v60;
	v60 =	vmul.f32 v62, v62;
	v62 =	vld [tilespmem:$0x1FFD0]  }
0x185: {  	v50 =	vmin.f32 v50, v42;
	v43 =	vsub.f32 v9, v43;
	v48 =	vsub.f32 v22, v48  }
0x186: {  	v42 =	vmin.f32 v32, v42;
	v52 =	vsub.f32 v5, v52;
	v58 =	vmul.f32 v61, v61  }
0x187: {  	v50 =	vmin.f32 v50, v53;
	v8 =	vmovc v5;
	v5 =	vld [tilespmem:$0x1FFF0];
	v43 =	vmul.f32 v43, v43;
	v48 =	vmul.f32 v48, v48  }
0x188: {  	v44 =	vadd.f32 v63, v44;
	v54 =	vadd.f32 v54, v55;
	v61 =	vmul.f32 v52, v52  }
0x189: {  	v63 =	vadd.f32 v58, v57;
	v43 =	vadd.f32 v48, v43;
	v52 =	vperm.xlane v1, v62  }
0x18a: {  	v50 =	vmin.f32 v50, v44;
	v48 =	vbroadcast v31, $0x9;
	v58 =	vsub.f32 v11, v46  }
0x18b: {  	v55 =	vadd.f32 v60, v63;
	v63 =	vmin.f32 v50, v54;
	v1 =	vmin.f32 v1, v52  }
0x18c: {  	v43 =	vadd.f32 v61, v43;
	v59 =	vsub.f32 v15, v48;
	v50 =	vperm.xlane v1, v5;
	v5 =	vld [tilespmem:$0x1FFE0]  }
0x18d: {  	v44 =	vmin.f32 v34, v44;
	v60 =	vsub.f32 v14, v46;
	v61 =	vsub.f32 v16, v48  }
0x18e: {  	v62 =	vmul.f32 v58, v58;
	v58 =	vsub.f32 v12, v46;
	v41 =	vmin.f32 v63, v55  }
0x18f: {  	v57 =	vld [tilespmem:$0x1FFC0];
	v63 =	vmul.f32 v59, v59;
	v51 =	vmul.f32 v61, v61;
	v59 =	vsub.f32 v17, v48  }
0x190: {  	v61 =	vsub.f32 v4, v48;
	v2 =	vmin.f32 v2, v55;
	v41 =	vmin.f32 v41, v43  }
0x191: {  	v43 =	vmin.f32 v37, v43;
	v38 =	vadd.f32 v63, v62;
	v52 =	vperm.xlane v41, v5  }
0x192: {  	v62 =	vmul.f32 v58, v58;
	v63 =	vmul.f32 v59, v59;
	v58 =	vld [tilespmem:$0x1FFD0];
	v59 =	vsub.f32 v25, v49  }
0x193: {  	v1 =	vmin.f32 v1, v50;
	v56 =	vmin.f32 v41, v52;
	v52 =	vsub.f32 v23, v49  }
0x194: {  	v50 =	vmul.f32 v60, v60;
	v60 =	vsub.f32 v3, v46;
	v39 =	vperm.xlane v56, v57  }
0x195: {  	v47 =	vmul.f32 v59, v59;
	v0 =	vsel vm6, v0, v1;
	v32 =	vmul.f32 v52, v52  }
0x196: {  	v57 =	vadd.f32 v51, v50;
	v1 =	vmin.f32 v56, v39;
	v56 =	vsub.f32 v24, v49  }
0x197: {  	v32 =	vadd.f32 v32, v38;
	v50 =	vperm.xlane v1, v58;
	v38 =	vadd.f32 v63, v62  }
0x198: {  	v62 =	vsub.f32 v19, v48;
	v63 =	vsub.f32 v18, v46;
	v39 =	vmul.f32 v56, v56  }
0x199: {  	v56 =	vmul.f32 v60, v60;
	v60 =	vsub.f32 v26, v49;
	v38 =	vadd.f32 v47, v38  }
0x19a: {  	v39 =	vadd.f32 v39, v57;
	v57 =	vmul.f32 v61, v61;
	v61 =	vsub.f32 v13, v46  }
0x19b: {  	v1 =	vmin.f32 v1, v50;
	v50 =	vbroadcast v31, $0xA;
	v52 =	vmul.f32 v60, v60  }
0x19c: {  	v60 =	vsub.f32 v20, v48;
	v34 =	vmin.f32 v42, v38;
	v47 =	vmul.f32 v61, v61  }
0x19d: {  	v41 =	vadd.f32 v57, v56;
	v61 =	vmul.f32 v62, v62;
	v62 =	vmul.f32 v63, v63  }
0x19e: {  	v63 =	vmul.f32 v60, v60;
	v60 =	vsub.f32 v27, v49;
	v56 =	vsub.f32 v16, v50  }
0x19f: {  	v45 =	vmin.f32 v32, v39;
	v41 =	vadd.f32 v52, v41;
	v47 =	vadd.f32 v61, v47  }
0x1a0: {  	v32 =	vmin.f32 v36, v32;
	v61 =	vsub.f32 v28, v49;
	v52 =	vadd.f32 v63, v62  }
0x1a1: {  	v62 =	vmul.f32 v60, v60;
	v63 =	vsub.f32 v6, v46;
	v60 =	vsub.f32 v21, v48  }
0x1a2: {  	v45 =	vmin.f32 v45, v38;
	v46 =	vsub.f32 v9, v46;
	v48 =	vsub.f32 v22, v48  }
0x1a3: {  	v5 =	vld [tilespmem:$0x1FFF0];
	v45 =	vmin.f32 v45, v41;
	v51 =	vmul.f32 v61, v61;
	v61 =	vsub.f32 v10, v49  }
0x1a4: {  	v57 =	vmul.f32 v63, v63;
	v58 =	vmul.f32 v60, v60;
	v49 =	vsub.f32 v8, v49  }
0x1a5: {  	v46 =	vmul.f32 v46, v46;
	v48 =	vmul.f32 v48, v48;
	v47 =	vadd.f32 v62, v47  }
0x1a6: {  	v62 =	vadd.f32 v58, v57;
	v63 =	vmul.f32 v61, v61;
	v51 =	vadd.f32 v51, v52  }
0x1a7: {  	v46 =	vadd.f32 v48, v46;
	v52 =	vmul.f32 v49, v49;
	v49 =	vmin.f32 v33, v53  }
0x1a8: {  	v53 =	vmin.f32 v45, v47;
	v57 =	vperm.xlane v1, v5;
	v48 =	vmin.f32 v35, v54;
	v5 =	vld [tilespmem:$0x1FFE0]  }
0x1a9: {  	v36 =	vmin.f32 v44, v47;
	v35 =	vmin.f32 v49, v41;
	v45 =	vadd.f32 v63, v62  }
0x1aa: {  	v33 =	vmin.f32 v53, v51;
	v46 =	vadd.f32 v52, v46;
	v1 =	vmin.f32 v1, v57  }
0x1ab: {  	v0 =	vsel vm7, v0, v1;
	v1 =	vbroadcast v30, $0xA;
	v33 =	vmin.f32 v33, v45  }
0x1ac: {  	v60 =	vld [tilespmem:$0x1FFC0];
	v62 =	vsub.f32 v15, v50;
	v58 =	vmin.f32 v33, v46;
	v33 =	vmin.f32 v40, v39  }
0x1ad: {  	v61 =	vsub.f32 v11, v1;
	v40 =	vbroadcast v29, $0xA;
	v59 =	vperm.xlane v58, v5  }
0x1ae: {  	v48 =	vmin.f32 v48, v51;
	v2 =	vmin.f32 v2, v45;
	v63 =	vsub.f32 v14, v1  }
0x1af: {  	v57 =	vmul.f32 v61, v61;
	v61 =	vsub.f32 v23, v40;
	v37 =	vmin.f32 v58, v59  }
0x1b0: {  	v58 =	vmul.f32 v62, v62;
	v59 =	vmul.f32 v63, v63;
	v62 =	vsub.f32 v24, v40  }
0x1b1: {  	v39 =	vperm.xlane v37, v60;
	v60 =	vmul.f32 v56, v56;
	v56 =	vsub.f32 v12, v1  }
0x1b2: {  	v63 =	vmul.f32 v61, v61;
	v38 =	vadd.f32 v58, v57;
	v57 =	vsub.f32 v17, v50  }
0x1b3: {  	v58 =	vmul.f32 v62, v62;
	v39 =	vmin.f32 v37, v39;
	v41 =	vadd.f32 v60, v59  }
0x1b4: {  	v59 =	vsub.f32 v3, v1;
	v60 =	vsub.f32 v4, v50;
	v61 =	vmul.f32 v56, v56  }
0x1b5: {  	v37 =	vadd.f32 v63, v38;
	v62 =	vmul.f32 v57, v57;
	v38 =	vadd.f32 v58, v41  }
0x1b6: {  	v63 =	vmul.f32 v59, v59;
	v58 =	vsub.f32 v25, v40;
	v59 =	vsub.f32 v26, v40  }
0x1b7: {  	v56 =	vmul.f32 v60, v60;
	v60 =	vsub.f32 v13, v1;
	v42 =	vadd.f32 v62, v61  }
0x1b8: {  	v43 =	vmin.f32 v43, v46;
	v57 =	vld [tilespmem:$0x1FFD0];
	v61 =	vsub.f32 v19, v50;
	v62 =	vsub.f32 v18, v1  }
0x1b9: {  	v44 =	vmin.f32 v37, v38;
	v41 =	vadd.f32 v56, v63;
	v47 =	vmul.f32 v58, v58  }
0x1ba: {  	v53 =	vmul.f32 v59, v59;
	v63 =	vsub.f32 v20, v50;
	v58 =	vmul.f32 v60, v60  }
0x1bb: {  	v59 =	vmul.f32 v61, v61;
	v60 =	vmul.f32 v62, v62;
	v62 =	vsub.f32 v27, v40  }
0x1bc: {  	v5 =	vld [tilespmem:$0x1FFF0];
	v42 =	vadd.f32 v47, v42;
	v41 =	vadd.f32 v53, v41;
	v61 =	vmul.f32 v63, v63  }
0x1bd: {  	v49 =	vperm.xlane v39, v57;
	v63 =	vsub.f32 v28, v40;
	v47 =	vadd.f32 v59, v58  }
0x1be: {  	v44 =	vmin.f32 v44, v42;
	v53 =	vadd.f32 v61, v60;
	v60 =	vmul.f32 v62, v62  }
0x1bf: {  	v61 =	vsub.f32 v6, v1;
	v62 =	vsub.f32 v21, v50;
	v52 =	vmul.f32 v63, v63  }
0x1c0: {  	v1 =	vsub.f32 v9, v1;
	v50 =	vsub.f32 v22, v50;
	v39 =	vmin.f32 v39, v49  }
0x1c1: {  	v63 =	vsub.f32 v10, v40;
	v49 =	vbroadcast v31, $0xB;
	v45 =	vperm.xlane v39, v5  }
0x1c2: {  	v40 =	vsub.f32 v8, v40;
	v55 =	vmul.f32 v61, v61;
	v56 =	vmul.f32 v62, v62  }
0x1c3: {  	v44 =	vmin.f32 v44, v41;
	v1 =	vmul.f32 v1, v1;
	v50 =	vmul.f32 v50, v50  }
0x1c4: {  	v47 =	vadd.f32 v60, v47;
	v60 =	vmul.f32 v63, v63;
	v59 =	vadd.f32 v56, v55  }
0x1c5: {  	v52 =	vadd.f32 v52, v53;
	v40 =	vmul.f32 v40, v40;
	v1 =	vadd.f32 v50, v1  }
0x1c6: {  	v5 =	vld [tilespmem:$0x1FFE0];
	v63 =	vsub.f32 v15, v49;
	v44 =	vmin.f32 v44, v47;
	v50 =	vadd.f32 v60, v59  }
0x1c7: {  	v39 =	vmin.f32 v39, v45;
	v44 =	vmin.f32 v44, v52;
	v1 =	vadd.f32 v40, v1  }
0x1c8: {  	v55 =	vbroadcast v29, $0xB;
	v61 =	vmin.f32 v44, v50;
	v44 =	vbroadcast v30, $0xB  }
0x1c9: {  	v63 =	vmul.f32 v63, v63;
	v40 =	vmin.f32 v61, v1;
	v61 =	vsub.f32 v16, v49  }
0x1ca: {  	v0 =	vsel vm8, v0, v39;
	v62 =	vsub.f32 v11, v44;
	v60 =	vsub.f32 v14, v44  }
0x1cb: {  	v51 =	vperm.xlane v40, v5;
	v59 =	vmul.f32 v61, v61;
	v61 =	vsub.f32 v24, v55  }
0x1cc: {  	v62 =	vmul.f32 v62, v62;
	v58 =	vmul.f32 v60, v60;
	v60 =	vsub.f32 v23, v55  }
0x1cd: {  	v40 =	vmin.f32 v40, v51;
	v51 =	vmul.f32 v61, v61;
	v61 =	vsub.f32 v4, v49  }
0x1ce: {  	v46 =	vadd.f32 v63, v62;
	v45 =	vadd.f32 v59, v58;
	v39 =	vmul.f32 v60, v60  }
0x1cf: {  	v32 =	vmin.f32 v32, v37;
	v62 =	vsub.f32 v12, v44;
	v63 =	vsub.f32 v17, v49  }
0x1d0: {  	v33 =	vmin.f32 v33, v38;
	v60 =	vsub.f32 v3, v44;
	v39 =	vadd.f32 v39, v46  }
0x1d1: {  	v46 =	vmul.f32 v62, v62;
	v62 =	vmul.f32 v63, v63;
	v45 =	vadd.f32 v51, v45  }
0x1d2: {  	v51 =	vmul.f32 v60, v60;
	v63 =	vmul.f32 v61, v61;
	v60 =	vld [tilespmem:$0x1FFC0];
	v61 =	vsub.f32 v25, v55  }
0x1d3: {  	v34 =	vmin.f32 v34, v42;
	v35 =	vmin.f32 v35, v41;
	v57 =	vsub.f32 v13, v44  }
0x1d4: {  	v46 =	vadd.f32 v62, v46;
	v62 =	vsub.f32 v26, v55;
	v54 =	vmul.f32 v61, v61  }
0x1d5: {  	v41 =	vbroadcast v31, $0xC;
	v59 =	vsub.f32 v19, v49;
	v51 =	vadd.f32 v63, v51  }
0x1d6: {  	v61 =	vsub.f32 v20, v49;
	v58 =	vmul.f32 v62, v62;
	v46 =	vadd.f32 v54, v46  }
0x1d7: {  	v54 =	vmul.f32 v57, v57;
	v56 =	vperm.xlane v40, v60;
	v60 =	vsub.f32 v18, v44  }
0x1d8: {  	v36 =	vmin.f32 v36, v47;
	v57 =	vmul.f32 v59, v59;
	v59 =	vmul.f32 v61, v61  }
0x1d9: {  	v51 =	vadd.f32 v58, v51;
	v58 =	vmul.f32 v60, v60;
	v60 =	vsub.f32 v27, v55  }
0x1da: {  	v52 =	vmin.f32 v48, v52;
	v2 =	vmin.f32 v2, v50;
	v61 =	vsub.f32 v21, v49  }
0x1db: {  	v58 =	vadd.f32 v59, v58;
	v59 =	vmul.f32 v60, v60;
	v60 =	vsub.f32 v6, v44  }
0x1dc: {  	v1 =	vmin.f32 v43, v1;
	v53 =	vmin.f32 v39, v45;
	v32 =	vmin.f32 v32, v39  }
0x1dd: {  	v54 =	vadd.f32 v57, v54;
	v61 =	vmul.f32 v61, v61;
	v60 =	vmul.f32 v60, v60  }
0x1de: {  	v33 =	vmin.f32 v33, v45;
	v49 =	vsub.f32 v22, v49;
	v62 =	vsub.f32 v10, v55  }
0x1df: {  	v45 =	vbroadcast v29, $0xC;
	v54 =	vadd.f32 v59, v54;
	v59 =	vadd.f32 v61, v60;
	v61 =	vld [tilespmem:$0x1FFD0]  }
0x1e0: {  	v53 =	vmin.f32 v53, v46;
	v57 =	vsub.f32 v28, v55;
	v44 =	vsub.f32 v9, v44  }
0x1e1: {  	v49 =	vmul.f32 v49, v49;
	v43 =	vmin.f32 v34, v46;
	v55 =	vsub.f32 v8, v55  }
0x1e2: {  	v5 =	vld [tilespmem:$0x1FFF0];
	v40 =	vmin.f32 v40, v56;
	v57 =	vmul.f32 v57, v57;
	v44 =	vmul.f32 v44, v44  }
0x1e3: {  	v53 =	vmin.f32 v53, v51;
	v35 =	vmin.f32 v35, v51;
	v63 =	vmul.f32 v55, v55  }
0x1e4: {  	v57 =	vadd.f32 v57, v58;
	v44 =	vadd.f32 v49, v44;
	v56 =	vperm.xlane v40, v61  }
0x1e5: {  	v60 =	vmul.f32 v62, v62;
	v53 =	vmin.f32 v53, v54;
	v36 =	vmin.f32 v36, v54  }
0x1e6: {  	v54 =	vsub.f32 v17, v41;
	v44 =	vadd.f32 v63, v44;
	v63 =	vmin.f32 v40, v56  }
0x1e7: {  	v55 =	vadd.f32 v60, v59;
	v60 =	vsub.f32 v15, v41;
	v40 =	vperm.xlane v63, v5;
	v5 =	vld [tilespmem:$0x1FFE0]  }
0x1e8: {  	v51 =	vsub.f32 v24, v45;
	v42 =	vmin.f32 v52, v57;
	v53 =	vmin.f32 v53, v57  }
0x1e9: {  	v57 =	vmul.f32 v54, v54;
	v62 =	vmin.f32 v53, v55;
	v39 =	vmul.f32 v60, v60  }
0x1ea: {  	v53 =	vld [tilespmem:$0x1FFC0];
	v2 =	vmin.f32 v2, v55;
	v60 =	vsub.f32 v25, v45;
	v37 =	vmin.f32 v62, v44  }
0x1eb: {  	v62 =	vsub.f32 v16, v41;
	v38 =	vmin.f32 v63, v40;
	v40 =	vbroadcast v30, $0xC  }
0x1ec: {  	v48 =	vmul.f32 v60, v60;
	v60 =	vsub.f32 v28, v45;
	v49 =	vperm.xlane v37, v5  }
0x1ed: {  	v58 =	vld [tilespmem:$0x1FFD0];
	v47 =	vmul.f32 v62, v62;
	v63 =	vsub.f32 v23, v45;
	v61 =	vsub.f32 v14, v40  }
0x1ee: {  	v0 =	vsel vm9, v0, v38;
	v59 =	vsub.f32 v11, v40;
	v37 =	vmin.f32 v37, v49  }
0x1ef: {  	v62 =	vsub.f32 v13, v40;
	v46 =	vmul.f32 v61, v61;
	v38 =	vperm.xlane v37, v53  }
0x1f0: {  	v52 =	vmul.f32 v63, v63;
	v63 =	vsub.f32 v19, v41;
	v61 =	vsub.f32 v26, v45  }
0x1f1: {  	v46 =	vadd.f32 v47, v46;
	v56 =	vmin.f32 v37, v38;
	v38 =	vmul.f32 v59, v59  }
0x1f2: {  	v53 =	vsub.f32 v12, v40;
	v59 =	vsub.f32 v4, v41;
	v37 =	vperm.xlane v56, v58  }
0x1f3: {  	v1 =	vmin.f32 v1, v44;
	v5 =	vld [tilespmem:$0x1FFF0];
	v58 =	vsub.f32 v3, v40;
	v38 =	vadd.f32 v39, v38  }
0x1f4: {  	v47 =	vmul.f32 v59, v59;
	v59 =	vsub.f32 v20, v41;
	v34 =	vmin.f32 v56, v37  }
0x1f5: {  	v37 =	vmul.f32 v51, v51;
	v56 =	vmul.f32 v53, v53;
	v53 =	vsub.f32 v27, v45  }
0x1f6: {  	v44 =	vmul.f32 v58, v58;
	v58 =	vsub.f32 v18, v40;
	v38 =	vadd.f32 v52, v38  }
0x1f7: {  	v52 =	vmul.f32 v61, v61;
	v61 =	vsub.f32 v6, v40;
	v40 =	vsub.f32 v9, v40  }
0x1f8: {  	v55 =	vperm.xlane v34, v5;
	v37 =	vadd.f32 v37, v46;
	v46 =	vadd.f32 v57, v56  }
0x1f9: {  	v44 =	vadd.f32 v47, v44;
	v56 =	vmul.f32 v53, v53;
	v47 =	vbroadcast v31, $0xD  }
0x1fa: {  	v34 =	vmin.f32 v34, v55;
	v39 =	vmin.f32 v32, v38;
	v40 =	vmul.f32 v40, v40  }
0x1fb: {  	v49 =	vsel vm10, v0, v34;
	v0 =	vmul.f32 v62, v62;
	v34 =	vmul.f32 v63, v63  }
0x1fc: {  	v54 =	vmin.f32 v38, v37;
	v55 =	vadd.f32 v48, v46;
	v44 =	vadd.f32 v52, v44  }
0x1fd: {  	v62 =	vsub.f32 v21, v41;
	v38 =	vmul.f32 v59, v59;
	v41 =	vsub.f32 v22, v41  }
0x1fe: {  	v63 =	vsub.f32 v10, v45;
	v45 =	vsub.f32 v8, v45;
	v48 =	vmul.f32 v60, v60  }
0x1ff: {  	v0 =	vadd.f32 v34, v0;
	v32 =	vmin.f32 v35, v44;
	v35 =	vmul.f32 v58, v58  }
0x200: {  	v34 =	vmin.f32 v33, v37;
	v41 =	vmul.f32 v41, v41;
	v51 =	vmul.f32 v63, v63  }
0x201: {  	v57 =	vmin.f32 v54, v55;
	v52 =	vmul.f32 v45, v45;
	v45 =	vbroadcast v30, $0xD  }
0x202: {  	v54 =	vsub.f32 v15, v47;
	v63 =	vsub.f32 v17, v47;
	v37 =	vmin.f32 v57, v44  }
0x203: {  	v44 =	vmul.f32 v61, v61;
	v61 =	vsub.f32 v16, v47;
	v0 =	vadd.f32 v56, v0  }
0x204: {  	v46 =	vmul.f32 v62, v62;
	v35 =	vadd.f32 v38, v35;
	v40 =	vadd.f32 v41, v40  }
0x205: {  	v33 =	vmin.f32 v43, v55;
	v53 =	vsub.f32 v11, v45;
	v60 =	vsub.f32 v14, v45  }
0x206: {  	v41 =	vmul.f32 v54, v54;
	v62 =	vsub.f32 v12, v45;
	v50 =	vadd.f32 v46, v44  }
0x207: {  	v35 =	vadd.f32 v48, v35;
	v37 =	vmin.f32 v37, v0;
	v48 =	vbroadcast v29, $0xD  }
0x208: {  	v40 =	vadd.f32 v52, v40;
	v36 =	vmin.f32 v36, v0;
	v56 =	vmul.f32 v53, v53  }
0x209: {  	v43 =	vadd.f32 v51, v50;
	v37 =	vmin.f32 v37, v35;
	v58 =	vsub.f32 v23, v48  }
0x20a: {  	v57 =	vld [tilespmem:$0x1FFE0];
	v38 =	vmin.f32 v42, v35;
	v59 =	vadd.f32 v41, v56;
	v52 =	vsub.f32 v24, v48  }
0x20b: {  	v41 =	vmul.f32 v61, v61;
	v53 =	vsub.f32 v25, v48;
	v42 =	vmul.f32 v62, v62  }
0x20c: {  	v61 =	vsub.f32 v26, v48;
	v55 =	vmin.f32 v37, v43;
	v35 =	vmin.f32 v2, v43  }
0x20d: {  	v37 =	vmin.f32 v1, v40;
	v43 =	vmul.f32 v63, v63;
	v63 =	vsub.f32 v13, v45  }
0x20e: {  	v0 =	vmin.f32 v55, v40;
	v1 =	vmul.f32 v58, v58;
	v55 =	vmul.f32 v52, v52  }
0x20f: {  	v58 =	vsub.f32 v3, v45;
	v2 =	vperm.xlane v0, v57;
	v56 =	vadd.f32 v43, v42  }
0x210: {  	v57 =	vmul.f32 v53, v53;
	v43 =	vmul.f32 v63, v63;
	v46 =	vadd.f32 v1, v59  }
0x211: {  	v62 =	vmul.f32 v58, v58;
	v58 =	vsub.f32 v20, v47;
	v0 =	vmin.f32 v0, v2  }
0x212: {  	v2 =	vmul.f32 v60, v60;
	v60 =	vsub.f32 v4, v47;
	v40 =	vadd.f32 v57, v56  }
0x213: {  	v59 =	vld [tilespmem:$0x1FFC0];
	v56 =	vsub.f32 v19, v47;
	v57 =	vsub.f32 v18, v45;
	v52 =	vmul.f32 v58, v58  }
0x214: {  	v39 =	vmin.f32 v39, v46;
	v54 =	vadd.f32 v41, v2;
	v1 =	vmul.f32 v60, v60  }
0x215: {  	v50 =	vmul.f32 v56, v56;
	v60 =	vsub.f32 v28, v48;
	v56 =	vsub.f32 v6, v45  }
0x216: {  	v51 =	vmul.f32 v57, v57;
	v57 =	vsub.f32 v21, v47;
	v45 =	vsub.f32 v9, v45  }
0x217: {  	v2 =	vmul.f32 v61, v61;
	v47 =	vsub.f32 v22, v47;
	v41 =	vadd.f32 v55, v54  }
0x218: {  	v44 =	vperm.xlane v0, v59;
	v1 =	vadd.f32 v1, v62;
	v59 =	vsub.f32 v27, v48  }
0x219: {  	v61 =	vadd.f32 v50, v43;
	v54 =	vbroadcast v30, $0xE;
	v55 =	vbroadcast v31, $0xE  }
0x21a: {  	v58 =	vld [tilespmem:$0x1FFD0];
	v63 =	vadd.f32 v52, v51;
	v47 =	vmul.f32 v47, v47;
	v30 =	vbroadcast v30, $0xF  }
0x21b: {  	v31 =	vbroadcast v31, $0xF;
	v0 =	vmin.f32 v0, v44;
	v42 =	vadd.f32 v2, v1  }
0x21c: {  	v62 =	vmul.f32 v59, v59;
	v1 =	vmul.f32 v60, v60;
	v59 =	vsub.f32 v10, v48  }
0x21d: {  	v60 =	vmul.f32 v56, v56;
	v48 =	vsub.f32 v8, v48;
	v52 =	vsub.f32 v15, v55  }
0x21e: {  	v56 =	vbroadcast v29, $0xE;
	v15 =	vsub.f32 v15, v31;
	v29 =	vbroadcast v29, $0xF  }
0x21f: {  	v53 =	vperm.xlane v0, v58;
	v58 =	vsub.f32 v14, v54;
	v44 =	vadd.f32 v62, v61  }
0x220: {  	v5 =	vld [tilespmem:$0x1FFF0];
	v43 =	vadd.f32 v1, v63;
	v61 =	vmul.f32 v57, v57;
	v2 =	vmul.f32 v59, v59  }
0x221: {  	v62 =	vmul.f32 v45, v45;
	v63 =	vsub.f32 v11, v54;
	v59 =	vsub.f32 v16, v55  }
0x222: {  	v57 =	vmul.f32 v52, v52;
	v50 =	vsub.f32 v24, v56;
	v51 =	vsub.f32 v25, v56  }
0x223: {  	v0 =	vmin.f32 v0, v53;
	v1 =	vadd.f32 v61, v60;
	v60 =	vadd.f32 v47, v62  }
0x224: {  	v61 =	vmul.f32 v48, v48;
	v62 =	vsub.f32 v23, v56;
	v63 =	vmul.f32 v63, v63  }
0x225: {  	v53 =	vperm.xlane v0, v5;
	v5 =	vsub.f32 v20, v31;
	v45 =	vadd.f32 v2, v1  }
0x226: {  	v47 =	vadd.f32 v61, v60;
	v1 =	vadd.f32 v57, v63;
	v2 =	vmul.f32 v62, v62  }
0x227: {  	v60 =	vmul.f32 v58, v58;
	v61 =	vmul.f32 v59, v59;
	v62 =	vsub.f32 v12, v54  }
0x228: {  	v63 =	vsub.f32 v17, v55;
	v0 =	vmin.f32 v0, v53;
	v58 =	vmin.f32 v46, v41  }
0x229: {  	v59 =	vsub.f32 v18, v54;
	v48 =	vadd.f32 v2, v1;
	v2 =	vmul.f32 v50, v50  }
0x22a: {  	v1 =	vadd.f32 v61, v60;
	v60 =	vmul.f32 v62, v62;
	v61 =	vmul.f32 v63, v63  }
0x22b: {  	v5 =	vmul.f32 v5, v5;
	v62 =	vsub.f32 v3, v54;
	v63 =	vsub.f32 v4, v55  }
0x22c: {  	v50 =	vadd.f32 v2, v1;
	v1 =	vadd.f32 v61, v60;
	v2 =	vmul.f32 v51, v51  }
0x22d: {  	v60 =	vsub.f32 v26, v56;
	v53 =	vmul.f32 v62, v62;
	v61 =	vmul.f32 v63, v63  }
0x22e: {  	v58 =	vmin.f32 v58, v40;
	v62 =	vsub.f32 v13, v54;
	v63 =	vsub.f32 v19, v55  }
0x22f: {  	v51 =	vsel vm11, v49, v0;
	v49 =	vadd.f32 v2, v1;
	v1 =	vadd.f32 v61, v53  }
0x230: {  	v2 =	vmul.f32 v60, v60;
	v53 =	vsub.f32 v27, v56;
	v0 =	vmul.f32 v62, v62  }
0x231: {  	v57 =	vmul.f32 v63, v63;
	v60 =	vsub.f32 v20, v55;
	v61 =	vsub.f32 v21, v55  }
0x232: {  	v58 =	vmin.f32 v58, v42;
	v55 =	vsub.f32 v22, v55;
	v52 =	vadd.f32 v2, v1  }
0x233: {  	v0 =	vadd.f32 v57, v0;
	v53 =	vmul.f32 v53, v53;
	v2 =	vsub.f32 v28, v56  }
0x234: {  	v57 =	vmul.f32 v59, v59;
	v59 =	vmul.f32 v60, v60;
	v60 =	vsub.f32 v6, v54  }
0x235: {  	v63 =	vmul.f32 v61, v61;
	v54 =	vsub.f32 v9, v54;
	v61 =	vmul.f32 v55, v55  }
0x236: {  	v53 =	vadd.f32 v53, v0;
	v0 =	vadd.f32 v59, v57;
	v62 =	vmul.f32 v60, v60  }
0x237: {  	v1 =	vmul.f32 v2, v2;
	v2 =	vsub.f32 v10, v56;
	v59 =	vsub.f32 v11, v30  }
0x238: {  	v54 =	vmul.f32 v54, v54;
	v56 =	vsub.f32 v8, v56;
	v57 =	vadd.f32 v63, v62  }
0x239: {  	v2 =	vmul.f32 v2, v2;
	v0 =	vadd.f32 v1, v0;
	v63 =	vmul.f32 v15, v15  }
0x23a: {  	v1 =	vadd.f32 v61, v54;
	v15 =	vmin.f32 v58, v44;
	v58 =	vsub.f32 v23, v29  }
0x23b: {  	v62 =	vmul.f32 v59, v59;
	v23 =	vsub.f32 v14, v30;
	v14 =	vsub.f32 v16, v31  }
0x23c: {  	v56 =	vmul.f32 v56, v56;
	v16 =	vsub.f32 v17, v31;
	v17 =	vsub.f32 v24, v29  }
0x23d: {  	v54 =	vmin.f32 v15, v43;
	v15 =	vsub.f32 v12, v30;
	v2 =	vadd.f32 v2, v57  }
0x23e: {  	v55 =	vadd.f32 v63, v62;
	v57 =	vmul.f32 v23, v23;
	v59 =	vmul.f32 v14, v14  }
0x23f: {  	v23 =	vsub.f32 v25, v29;
	v61 =	vmul.f32 v16, v16;
	v58 =	vmul.f32 v58, v58  }
0x240: {  	v24 =	vmul.f32 v17, v17;
	v1 =	vadd.f32 v56, v1;
	v14 =	vsub.f32 v3, v30  }
0x241: {  	v17 =	vsub.f32 v4, v31;
	v4 =	vsub.f32 v18, v30;
	v60 =	vmul.f32 v15, v15  }
0x242: {  	v57 =	vadd.f32 v59, v57;
	v12 =	vmul.f32 v23, v23;
	v55 =	vadd.f32 v58, v55  }
0x243: {  	v23 =	vsub.f32 v13, v30;
	v58 =	vmul.f32 v14, v14;
	v13 =	vsub.f32 v6, v30  }
0x244: {  	v4 =	vmul.f32 v4, v4;
	v14 =	vsub.f32 v21, v31;
	v30 =	vsub.f32 v9, v30  }
0x245: {  	v15 =	vld [tilespmem:$0x1FFE0];
	v25 =	vadd.f32 v61, v60;
	v60 =	vmul.f32 v17, v17;
	v17 =	vsub.f32 v10, v29  }
0x246: {  	v54 =	vmin.f32 v54, v45;
	v57 =	vadd.f32 v24, v57;
	v24 =	vsub.f32 v26, v29  }
0x247: {  	v54 =	vmin.f32 v54, v47;
	v26 =	vsub.f32 v27, v29;
	v4 =	vadd.f32 v5, v4  }
0x248: {  	v61 =	vmul.f32 v23, v23;
	v56 =	vadd.f32 v12, v25;
	v25 =	vsub.f32 v19, v31  }
0x249: {  	v30 =	vmul.f32 v30, v30;
	v58 =	vadd.f32 v60, v58;
	v12 =	vsub.f32 v28, v29  }
0x24a: {  	v31 =	vsub.f32 v22, v31;
	v59 =	vmul.f32 v17, v17;
	v16 =	vperm.xlane v54, v15  }
0x24b: {  	v29 =	vsub.f32 v8, v29;
	v27 =	vmul.f32 v24, v24;
	v5 =	vmul.f32 v12, v12  }
0x24c: {  	v3 =	vmul.f32 v26, v26;
	v63 =	vmul.f32 v25, v25;
	v54 =	vmin.f32 v54, v16  }
0x24d: {  	v16 =	vmul.f32 v14, v14;
	v4 =	vadd.f32 v5, v4;
	v5 =	vmul.f32 v13, v13  }
0x24e: {  	v7 =	vld [tilespmem:$0x1FFC0];
	v15 =	vmin.f32 v48, v50;
	v19 =	vmin.f32 v55, v57;
	v31 =	vmul.f32 v31, v31  }
0x24f: {  	v18 =	vmin.f32 v15, v49;
	v61 =	vadd.f32 v63, v61;
	v5 =	vadd.f32 v16, v5  }
0x250: {  	v46 =	vadd.f32 v27, v58;
	v58 =	vmin.f32 v18, v52;
	v30 =	vadd.f32 v31, v30  }
0x251: {  	v31 =	vmin.f32 v19, v56;
	v3 =	vadd.f32 v3, v61;
	v5 =	vadd.f32 v59, v5;
	v59 =	vld [tilespmem:$0x1FFE0]  }
0x252: {  	v8 =	vld [tilespmem:$0x1FFD0];
	v29 =	vmul.f32 v29, v29;
	v58 =	vmin.f32 v58, v53;
	v31 =	vmin.f32 v31, v46  }
0x253: {  	v20 =	vperm.xlane v54, v7;
	v58 =	vmin.f32 v58, v0;
	v31 =	vmin.f32 v31, v3  }
0x254: {  	v29 =	vadd.f32 v29, v30;
	v58 =	vmin.f32 v58, v2;
	v31 =	vmin.f32 v31, v4  }
0x255: {  	v33 =	vmin.f32 v33, v40;
	v61 =	vld [tilespmem:$0x1FFF0];
	v21 =	vmin.f32 v58, v1;
	v31 =	vmin.f32 v31, v5  }
0x256: {  	v30 =	vmin.f32 v54, v20;
	v31 =	vmin.f32 v31, v29;
	v22 =	vperm.xlane v21, v59  }
0x257: {  	v34 =	vmin.f32 v34, v41;
	v23 =	vperm.xlane v30, v8;
	v24 =	vperm.xlane v31, v59  }
0x258: {  	v32 =	vmin.f32 v32, v42;
	v36 =	vmin.f32 v36, v44;
	v41 =	vmin.f32 v21, v22  }
0x259: {  	v30 =	vmin.f32 v30, v23;
	v31 =	vmin.f32 v31, v24;
	v25 =	vperm.xlane v41, v7  }
0x25a: {  	v38 =	vmin.f32 v38, v43;
	v26 =	vperm.xlane v30, v61;
	v27 =	vperm.xlane v31, v7  }
0x25b: {  	v35 =	vmin.f32 v35, v45;
	v37 =	vmin.f32 v37, v47;
	v40 =	vmin.f32 v41, v25  }
0x25c: {  	v30 =	vmin.f32 v30, v26;
	v31 =	vmin.f32 v31, v27;
	v41 =	vperm.xlane v40, v8  }
0x25d: {  	v39 =	vmin.f32 v39, v48;
	v30 =	vsel vm12, v51, v30;
	v51 =	vperm.xlane v31, v8  }
0x25e: {  	v34 =	vmin.f32 v34, v50;
	v33 =	vmin.f32 v33, v49;
	v40 =	vmin.f32 v40, v41  }
0x25f: {  	v32 =	vmin.f32 v32, v52;
	v54 =	vld [tilespmem:s15+$0x3780];
	v31 =	vmin.f32 v31, v51;
	v41 =	vperm.xlane v40, v61  }
0x260: {  	p0 =	sne.s32 s2, $0x9C0;
	v0 =	vmin.f32 v38, v0;
	v38 =	vmin.f32 v33, v56;
	v60 =	vperm.xlane v31, v61  }
.Ltmp0:
0x261: {  	v2 =	vmin.f32 v35, v2;
	v58 =	vmin.f32 v36, v53;
	v62 =	vmin.f32 v40, v41;
	(pc) =	sbr.rel @p0 .LBB2_3-.Ltmp0, $4  }
0x262: {  	v1 =	vmin.f32 v37, v1;
	v31 =	vmin.f32 v31, v60;
	v30 =	vsel vm13, v30, v62  }
0x263: {  	v36 =	vmin.f32 v39, v55;
	v37 =	vmin.f32 v34, v57;
	v30 =	vsel vm14, v30, v31  }
0x264: {  	v39 =	vmin.f32 v32, v46;
	v34 =	vmin.f32 v0, v4;
	v63 =	vmin.f32 v54, v30  }
0x265: {  	s2 =	sadd.s32 $0x40, s2;
	v35 =	vmin.f32 v58, v3;
	v32 =	vmin.f32 v1, v29;
	v33 =	vmin.f32 v2, v5;
	[tilespmem:s15+$0x3780] =	vst v63  }
0x266: {  	[tilespmem:s25+$0x3A00] =	vst v36  }
0x267: {  	s24 =	sadd.s32 $0x1, s24;
	[tilespmem:s26+$0x3A00] =	vst v37  }
0x268: {  	p0 =	sne.s32 s24, $0x20;
	[tilespmem:s28+$0x3A00] =	vst v38  }
.Ltmp1:
0x269: {  	[tilespmem:s29+$0x3A00] =	vst v39;
	(pc) =	sbr.rel @p0 .LBB2_2-.Ltmp1, $4  }
0x26a: {  	[tilespmem:s30+$0x3A00] =	vst v35  }
0x26b: {  	[tilespmem:s31+$0x3A00] =	vst v34  }
0x26c: {  	[tilespmem:s0+$0x3A00] =	vst v33  }
0x26d: {  	[tilespmem:s1+$0x3A00] =	vst v32  }
0x26e: {  	[hbm4b:s9+s12] =	stream.strided.scatter [tilespmem:s21], [sflag:$0x1], $0x280, s20, s12, $0x38;
	[tilespmem:$0x4A00] =	vst v63  }
0x26f: {  	s23 =	sadd.s32 $0x1, s23;
	_ =	swait.ge [sflag:s14], $0x280  }
0x270: {  	p0 =	sne.s32 s23, s11;
	[sflag:s14] =	ssyncset.done $0x0  }
.Ltmp2:
0x271: {  	[sflag:s14] =	ssyncadd.s32 $0xFFFFFD80;
	(pc) =	sbr.rel @p0 .LBB2_1-.Ltmp2, $4  }
0x272: {  	[hbm4b:s10+s12] =	stream.strided.scatter [tilespmem:s22], [sflag:$0x1], $0x1000, s13, s12, $0x38;
	[tilespmem:$0x4A00] =	vst v63  }
0x273: {  	_ =	swait.ge [sflag:s14], $0x1000  }
0x274: {  	[sflag:s14] =	ssyncset.done $0x0  }
0x275: {  	[sflag:s14] =	ssyncadd.s32 $0xFFFFF000  }
0x276: {  	_ =	sfence.sel $0x180000  }
0x277: {  	[bflag:$0x0] =	sbarrier.arrive $0xFFFF  }
0x278: {  	_ =	strace $0x90000047  }
0x279: {  	s0 =	stileid.u32;
	[bflag:$0x2] =	sbarrier.arrive $0xFFFF  }
0x27a: {  	p0 =	sne.s32 s0, $0x0;
	s0 =	rddreg [dreg:$0x1]  }
0x27b: {  	s0 =	sadd.s32 @!p0 $0x100000, s0  }
0x27c: {  	[sflag:s0] =	ssyncadd.tile.s32 @!p0 $0x1;
	_ =	shalt  }
.Lfunc_end2:
_tile_overlayer_lowered:
.L_overlay_start_2:
0x27d: {  	(tag) =	ssettag $0x2  }
0x27e: {  	s0 =	rddreg [dreg:$0x0];
	s2 =	stileid.u32  }
0x27f: {  	s1 =	rddreg [dreg:$0x1];
	p0 =	sne.s32 s2, $0x0  }
0x280: {  	s3 =	rddreg [dreg:$0x2];
	[bflag:$0x3] =	sbarrier.arrive $0xFFFF;
	s2 =	simm.s32 @!p0 $0x1C01  }
0x281: {  	[timem:s3], [sflag:s2] =	dma.local @!p0 [hbm:s0], s1  }
0x282: {  	s0 =	simm.s32 @!p0 $0x1  }
0x283: {  	_ =	swait.ge @!p0 [sflag:s0], s1  }
0x284: {  	s1 =	ssub.s32 @!p0 $0x0, s1;
	[sflag:s0] =	ssyncset.done @!p0 $0x0  }
0x285: {  	[sflag:s0] =	ssyncadd.s32 @!p0 s1  }
0x286: {  	[bflag:$0x3] =	sbarrier.arrive $0xFFFF  }
0x287: {  	_ =	shalt  }

</sc_bundles>
